<compile_context>
chip_gen: v7x
topology: tpu7x:2x2x1
jax: 0.10.2.dev20260603
libtpu: 0.0.44.dev20260713+nightly
codegen_flags: <defaults>
</compile_context>

<pallas_src>
import functools

import jax
import jax.numpy as jnp
from jax import lax
from jax.experimental import pallas as pl
from jax.experimental.pallas import tpu as pltpu
from jax.experimental.pallas import tpu_sc as plsc

N_NODES = 10240
FEAT = 128
HALF = 64
N_EDGES = 327680
N_ROWS = 80
NC = 2
NS = 16
NW = NC * NS
CHUNK = 128
EPT = N_EDGES // NW
NCHUNK = EPT // CHUNK
STRIPE = N_NODES // NS


@functools.cache
def _mesh():
    return plsc.VectorSubcoreMesh(
        core_axis_name="c", subcore_axis_name="s", num_cores=NC, num_subcores=NS
    )


def _deg_body(dst_hbm, ones_hbm, zeros_hbm, deg_hbm, dst_v, ones_v, deg_sh, dsem):
    cid = lax.axis_index("c")
    sid = lax.axis_index("s")
    wid = sid * NC + cid
    row0 = pl.multiple_of(wid * NCHUNK, 8)
    pltpu.sync_copy(dst_hbm.at[pl.ds(row0, NCHUNK)], dst_v)
    pltpu.sync_copy(ones_hbm, ones_v)
    s0 = pl.multiple_of(sid * STRIPE, 8)
    pltpu.sync_copy(zeros_hbm.at[pl.ds(s0, STRIPE)], deg_sh.at[pl.ds(s0, STRIPE)])
    plsc.subcore_barrier()

    @pl.loop(0, NCHUNK)
    def _(j):
        pltpu.async_copy(ones_v, deg_sh.at[dst_v.at[j]], dsem, add=True)

    @pl.loop(0, NCHUNK)
    def _(j):
        pltpu.make_async_copy(ones_v, deg_sh.at[dst_v.at[j]], dsem).wait()

    plsc.subcore_barrier()
    pltpu.sync_copy(deg_sh.at[pl.ds(s0, STRIPE)], deg_hbm.at[cid, pl.ds(s0, STRIPE)])


@functools.cache
def _deg_call():
    return pl.kernel(
        _deg_body,
        out_type=jax.ShapeDtypeStruct((NC, N_NODES), jnp.float32),
        mesh=_mesh(),
        scratch_types=[
            pltpu.VMEM((NCHUNK, CHUNK), jnp.int32),
            pltpu.VMEM((CHUNK,), jnp.float32),
            pltpu.VMEM_SHARED((N_NODES,), jnp.float32),
            pltpu.SemaphoreType.DMA,
        ],
    )


NBUF = 8


def _msg_body(yv, src_hbm, dst_hbm, zeros_hbm, acc_hbm,
              src_v, dst_v, rows, gsems, ssems, acc_sh):
    cid = lax.axis_index("c")
    sid = lax.axis_index("s")
    wid = sid * NC + cid
    row0 = pl.multiple_of(wid * NCHUNK, 8)
    pltpu.sync_copy(src_hbm.at[pl.ds(row0, NCHUNK)], src_v)
    pltpu.sync_copy(dst_hbm.at[pl.ds(row0, NCHUNK)], dst_v)
    s0 = pl.multiple_of(sid * STRIPE, 8)

    @pl.loop(0, NCHUNK)
    def _(j):
        for c in range(CHUNK // 16):
            sl = pl.ds(16 * c, 16)
            src_v[j, sl] = src_v[j, sl] * 2

    for h in (0, 1):
        if h == 1:
            @pl.loop(0, NCHUNK)
            def _(j):
                for c in range(CHUNK // 16):
                    sl = pl.ds(16 * c, 16)
                    src_v[j, sl] = src_v[j, sl] + 1

        for b in range(NBUF):
            pltpu.async_copy(yv.at[src_v.at[b]], rows[b], gsems[b])

        pltpu.sync_copy(zeros_hbm.at[pl.ds(s0, STRIPE)], acc_sh.at[pl.ds(s0, STRIPE)])
        plsc.subcore_barrier()

        @pl.loop(0, NCHUNK, step=NBUF)
        def _(j):
            for b in range(NBUF):
                pltpu.make_async_copy(yv.at[src_v.at[j + b]], rows[b],
                                      gsems[b]).wait()
                pltpu.async_copy(rows[b], acc_sh.at[dst_v.at[j + b]], ssems[b],
                                 add=True)
            for b in range(NBUF):
                nxt = j + NBUF + b

                @pl.when(nxt < NCHUNK)
                def _():
                    pltpu.make_async_copy(rows[b], acc_sh.at[dst_v.at[j + b]],
                                          ssems[b]).wait()
                    pltpu.async_copy(yv.at[src_v.at[nxt]], rows[b], gsems[b])

        for b in range(NBUF):
            pltpu.make_async_copy(rows[b], acc_sh.at[dst_v.at[NCHUNK - NBUF + b]],
                                  ssems[b]).wait()
        plsc.subcore_barrier()
        pltpu.sync_copy(acc_sh.at[pl.ds(s0, STRIPE)],
                        acc_hbm.at[cid, pl.ds(s0, STRIPE), pl.ds(HALF * h, HALF)])
        plsc.subcore_barrier()


@functools.cache
def _msg_call():
    return pl.kernel(
        _msg_body,
        out_type=jax.ShapeDtypeStruct((NC, N_NODES, FEAT), jnp.float32),
        mesh=_mesh(),
        scratch_types=[
            pltpu.VMEM((NCHUNK, CHUNK), jnp.int32),
            pltpu.VMEM((NCHUNK, CHUNK), jnp.int32),
            [pltpu.VMEM((CHUNK, HALF), jnp.float32) for _ in range(NBUF)],
            [pltpu.SemaphoreType.DMA for _ in range(NBUF)],
            [pltpu.SemaphoreType.DMA for _ in range(NBUF)],
            pltpu.VMEM_SHARED((N_NODES, HALF), jnp.float32),
        ],
        compiler_params=pltpu.CompilerParams(use_tc_tiling_on_sc=False),
    )


def _scale_body(deg_ref, x_ref, wg_ref, y_ref, dinv_ref):
    d = deg_ref[0] + deg_ref[1] + 1.0
    di = lax.rsqrt(d).reshape(d.shape[0], 1)
    dinv_ref[...] = jnp.broadcast_to(di, (di.shape[0], 8))
    xw = jnp.dot(x_ref[...], wg_ref[...], preferred_element_type=jnp.float32)
    y_ref[...] = xw * di


def _scale(deg, x, Wg):
    B = N_NODES // 8
    return pl.pallas_call(
        _scale_body,
        grid=(8,),
        in_specs=[
            pl.BlockSpec((NC, B), lambda i: (0, i)),
            pl.BlockSpec((B, FEAT), lambda i: (i, 0)),
            pl.BlockSpec((FEAT, FEAT), lambda i: (0, 0)),
        ],
        out_specs=[
            pl.BlockSpec((B, FEAT), lambda i: (i, 0)),
            pl.BlockSpec((B, 8), lambda i: (i, 0)),
        ],
        out_shape=[
            jax.ShapeDtypeStruct((N_NODES, FEAT), jnp.float32),
            jax.ShapeDtypeStruct((N_NODES, 8), jnp.float32),
        ],
    )(deg, x, Wg)


def _head_body(acc_ref, y_ref, dinv_ref, bg_ref, w1_ref, b1_ref,
               w2_ref, b2_ref, o_ref, part_s):
    j = pl.program_id(0)
    di = dinv_ref[..., 0:1]
    g = (acc_ref[0] + acc_ref[1] + y_ref[...]) * di + bg_ref[...]
    h = jnp.where(g >= 0, g, 0.01 * g)
    part = jnp.dot(h[:, 0, :], w1_ref[0], preferred_element_type=jnp.float32)
    for m in range(1, 16):
        part += jnp.dot(h[:, m, :], w1_ref[m], preferred_element_type=jnp.float32)

    @pl.when(j == 0)
    def _():
        part_s[...] = part

    @pl.when(j > 0)
    def _():
        part_s[...] += part

    @pl.when(j == 7)
    def _():
        t = part_s[...] + b1_ref[...]
        t = jnp.where(t >= 0, t, 0.01 * t)
        o_ref[...] = jnp.dot(t, w2_ref[...], preferred_element_type=jnp.float32) + b2_ref[...]


def _head(acc, y, dinv, bg, W1, b1, W2, b2):
    return pl.pallas_call(
        _head_body,
        grid=(8,),
        in_specs=[
            pl.BlockSpec((NC, N_ROWS, 16, FEAT), lambda j: (0, 0, j, 0)),
            pl.BlockSpec((N_ROWS, 16, FEAT), lambda j: (0, j, 0)),
            pl.BlockSpec((N_ROWS, 16, 8), lambda j: (0, j, 0)),
            pl.BlockSpec((1, 1, FEAT), lambda j: (0, 0, 0)),
            pl.BlockSpec((16, FEAT, FEAT), lambda j: (j, 0, 0)),
            pl.BlockSpec((1, FEAT), lambda j: (0, 0)),
            pl.BlockSpec((FEAT, 64), lambda j: (0, 0)),
            pl.BlockSpec((1, 64), lambda j: (0, 0)),
        ],
        out_specs=pl.BlockSpec((N_ROWS, 64), lambda j: (0, 0)),
        out_shape=jax.ShapeDtypeStruct((N_ROWS, 64), jnp.float32),
        scratch_shapes=[pltpu.VMEM((N_ROWS, FEAT), jnp.float32)],
    )(
        acc.reshape(NC, N_ROWS, FEAT, FEAT),
        y.reshape(N_ROWS, FEAT, FEAT),
        dinv.reshape(N_ROWS, FEAT, 8),
        bg.reshape(1, 1, FEAT),
        W1.reshape(FEAT, FEAT, FEAT),
        b1.reshape(1, FEAT),
        W2,
        b2.reshape(1, 64),
    )


def kernel(x, edge_index, Wg, bg, W1, b1, W2, b2):
    src2 = edge_index[0].reshape(NW * NCHUNK, CHUNK)
    dst2 = edge_index[1].reshape(NW * NCHUNK, CHUNK)
    ones_c = jnp.ones((CHUNK,), jnp.float32)
    zeros_n = jnp.zeros((N_NODES,), jnp.float32)
    zeros_nh = jnp.zeros((N_NODES, HALF), jnp.float32)

    deg = _deg_call()(dst2, ones_c, zeros_n)
    y, dinv = _scale(deg, x, Wg)
    yv = y.reshape(2 * N_NODES, HALF)
    acc = _msg_call()(yv, src2, dst2, zeros_nh)
    return _head(acc, y, dinv, bg, W1, b1, W2, b2)

# --- scband reference (transcript-rebuilt; emitter-appended) ---
"""Pipeline reference for scband-gcn-3702261809343 (READ-ONLY COPY).

The authoritative reference and input builder live on the scoring server;
editing this copy changes nothing except your own understanding.
"""

import jax, jax.numpy as jnp
import numpy as np

FEATURE_DIM = 128
HIDDEN_DIM = 128
ACTION_DIM = 64
FC_HIDDEN = 128
N_NODES = 10240
N_EDGES = 327680


def setup_inputs(seed: int = 0) -> dict:
    key = jax.random.key(seed)
    ks = jax.random.split(key, 8)
    x = jax.random.normal(ks[0], (N_NODES, FEATURE_DIM), dtype=jnp.float32)
    edge_index = jax.random.randint(ks[1], (2, N_EDGES), 0, N_NODES, dtype=jnp.int32)
    # GCNConv params
    Wg = jax.random.normal(ks[2], (FEATURE_DIM, HIDDEN_DIM), dtype=jnp.float32) * (1.0 / np.sqrt(FEATURE_DIM))
    bg = jnp.zeros((HIDDEN_DIM,), dtype=jnp.float32)
    # fc: Linear(feature_dim*hidden_dim -> fc_hidden), LeakyReLU, Linear(fc_hidden -> action_dim)
    W1 = jax.random.normal(ks[3], (FEATURE_DIM * HIDDEN_DIM, FC_HIDDEN), dtype=jnp.float32) * (1.0 / np.sqrt(FEATURE_DIM * HIDDEN_DIM))
    b1 = jnp.zeros((FC_HIDDEN,), dtype=jnp.float32)
    W2 = jax.random.normal(ks[4], (FC_HIDDEN, ACTION_DIM), dtype=jnp.float32) * (1.0 / np.sqrt(FC_HIDDEN))
    b2 = jnp.zeros((ACTION_DIM,), dtype=jnp.float32)
    return {"x": x, "edge_index": edge_index, "Wg": Wg, "bg": bg, "W1": W1, "b1": b1, "W2": W2, "b2": b2}


def _leaky_relu(v, slope=0.01):
    return jnp.where(v >= 0, v, slope * v)


def _gcn_conv(x, edge_index, W, b):
    N = x.shape[0]
    loops = jnp.arange(N, dtype=edge_index.dtype)
    src = jnp.concatenate([edge_index[0], loops])
    dst = jnp.concatenate([edge_index[1], loops])
    deg = jnp.zeros((N,), dtype=x.dtype).at[dst].add(1.0)
    dinv = jnp.where(deg > 0, 1.0 / jnp.sqrt(deg), 0.0)
    norm = dinv[src] * dinv[dst]
    xw = x @ W
    msgs = jnp.take(xw, src, axis=0) * norm[:, None]
    out = jnp.zeros((N, W.shape[1]), dtype=x.dtype).at[dst].add(msgs)
    return out + b


def reference(x, edge_index, Wg, bg, W1, b1, W2, b2):
    h = _gcn_conv(x, edge_index, Wg, bg)
    h = _leaky_relu(h)
    h = h.reshape((-1, FEATURE_DIM * HIDDEN_DIM))
    h = _leaky_relu(h @ W1 + b1)
    out = h @ W2 + b2
    return out

if __name__ == "__main__":
    import jax
    _d = setup_inputs()
    print(jax.jit(kernel)(*tuple(_d.values())))

</pallas_src>

<mosaic_0001>
#map = affine_map<(d0, d1) -> (0, 0)>
#map1 = affine_map<(d0, d1) -> (0)>
module attributes {stable_mosaic.version = 14 : i64} {
  func.func @_deg_body(%arg0: i32, %arg1: i32, %arg2: memref<2560x128xi32, #tpu.memory_space<hbm>>, %arg3: memref<128xf32, #tpu.memory_space<hbm>>, %arg4: memref<10240xf32, #tpu.memory_space<hbm>>, %arg5: memref<2x10240xf32, #tpu.memory_space<hbm>>, %arg6: memref<80x128xi32, #tpu.memory_space<vmem>>, %arg7: memref<128xf32, #tpu.memory_space<vmem>>, %arg8: memref<10240xf32, #tpu.memory_space<vmem_shared>>, %arg9: memref<!tpu.dma_semaphore, #tpu.memory_space<semaphore_mem>>) attributes {dimension_semantics = [#tpu.dimension_semantics<core_parallel>, #tpu.dimension_semantics<subcore_parallel>], iteration_bounds = array<i64: 2, 16>, scalar_prefetch = 0 : i64, scratch_operands = 4 : i64, tpu.core_type = #tpu.core_type<sc_vector_subcore>, window_params = [{transform_indices = #map}, {transform_indices = #map1}, {transform_indices = #map1}, {transform_indices = #map}]} {
    %mul3A = arith.constant 2 : i32
    %mul3A_0 = arith.muli %arg1, %mul3A : i32
    %add3A = arith.addi %mul3A_0, %arg0 : i32
    %mul3A_1 = arith.constant 80 : i32
    %mul3A_2 = arith.muli %add3A, %mul3A_1 : i32
    %multiple_of3A = tpu.assume_multiple %mul3A_2, 8 : i32
    "tpu.region"() ({
      %run_scoped3A = tpu.sem_alloc : memref<!tpu.dma_semaphore, #tpu.memory_space<semaphore_mem>>
      %dma_start3A = arith.constant 0 : i32
      %dma_start3A_16 = tpu.memref_slice %arg2[%multiple_of3A, %dma_start3A] : memref<2560x128xi32, #tpu.memory_space<hbm>> -> memref<80x128xi32, #tpu.memory_space<hbm>>
      %dma_start3A_17 = arith.constant 0 : i32
      %dma_start3A_18 = tpu.memref_slice %arg2[%multiple_of3A, %dma_start3A_17] : memref<2560x128xi32, #tpu.memory_space<hbm>> -> memref<80x128xi32, #tpu.memory_space<hbm>>
      tpu.enqueue_dma source(%dma_start3A_18 : memref<80x128xi32, #tpu.memory_space<hbm>>) target(%arg6 : memref<80x128xi32, #tpu.memory_space<vmem>>) target_semaphore(%run_scoped3A : memref<!tpu.dma_semaphore, #tpu.memory_space<semaphore_mem>>)
      %dma_wait3A = arith.constant 0 : i32
      %dma_wait3A_19 = tpu.memref_slice %arg2[%multiple_of3A, %dma_wait3A] : memref<2560x128xi32, #tpu.memory_space<hbm>> -> memref<80x128xi32, #tpu.memory_space<hbm>>
      %dma_wait3A_20 = arith.constant 0 : i32
      %dma_wait3A_21 = tpu.memref_slice %arg2[%multiple_of3A, %dma_wait3A_20] : memref<2560x128xi32, #tpu.memory_space<hbm>> -> memref<80x128xi32, #tpu.memory_space<hbm>>
      tpu.wait_dma2 semaphore(%run_scoped3A : memref<!tpu.dma_semaphore, #tpu.memory_space<semaphore_mem>>) src(%dma_wait3A_21 : memref<80x128xi32, #tpu.memory_space<hbm>>) dst(%arg6 : memref<80x128xi32, #tpu.memory_space<vmem>>)
      tpu.yield
    }) : () -> ()
    "tpu.region"() ({
      %run_scoped3A = tpu.sem_alloc : memref<!tpu.dma_semaphore, #tpu.memory_space<semaphore_mem>>
      tpu.enqueue_dma source(%arg3 : memref<128xf32, #tpu.memory_space<hbm>>) target(%arg7 : memref<128xf32, #tpu.memory_space<vmem>>) target_semaphore(%run_scoped3A : memref<!tpu.dma_semaphore, #tpu.memory_space<semaphore_mem>>)
      tpu.wait_dma2 semaphore(%run_scoped3A : memref<!tpu.dma_semaphore, #tpu.memory_space<semaphore_mem>>) src(%arg3 : memref<128xf32, #tpu.memory_space<hbm>>) dst(%arg7 : memref<128xf32, #tpu.memory_space<vmem>>)
      tpu.yield
    }) : () -> ()
    %mul3A_3 = arith.constant 640 : i32
    %mul3A_4 = arith.muli %arg1, %mul3A_3 : i32
    %multiple_of3A_5 = tpu.assume_multiple %mul3A_4, 8 : i32
    "tpu.region"() ({
      %run_scoped3A = tpu.sem_alloc : memref<!tpu.dma_semaphore, #tpu.memory_space<semaphore_mem>>
      %dma_start3A = tpu.memref_slice %arg8[%multiple_of3A_5] : memref<10240xf32, #tpu.memory_space<vmem_shared>> -> memref<640xf32, #tpu.memory_space<vmem_shared>>
      %dma_start3A_16 = tpu.memref_slice %arg4[%multiple_of3A_5] : memref<10240xf32, #tpu.memory_space<hbm>> -> memref<640xf32, #tpu.memory_space<hbm>>
      tpu.enqueue_dma source(%dma_start3A_16 : memref<640xf32, #tpu.memory_space<hbm>>) target(%dma_start3A : memref<640xf32, #tpu.memory_space<vmem_shared>>) target_semaphore(%run_scoped3A : memref<!tpu.dma_semaphore, #tpu.memory_space<semaphore_mem>>)
      %dma_wait3A = tpu.memref_slice %arg8[%multiple_of3A_5] : memref<10240xf32, #tpu.memory_space<vmem_shared>> -> memref<640xf32, #tpu.memory_space<vmem_shared>>
      %dma_wait3A_17 = tpu.memref_slice %arg4[%multiple_of3A_5] : memref<10240xf32, #tpu.memory_space<hbm>> -> memref<640xf32, #tpu.memory_space<hbm>>
      tpu.wait_dma2 semaphore(%run_scoped3A : memref<!tpu.dma_semaphore, #tpu.memory_space<semaphore_mem>>) src(%dma_wait3A_17 : memref<640xf32, #tpu.memory_space<hbm>>) dst(%dma_wait3A : memref<640xf32, #tpu.memory_space<vmem_shared>>)
      tpu.yield
    }) : () -> ()
    %barrier3A = arith.constant 0 : index
    tpu.barrier barrier_id(%barrier3A)
    %scan3A = arith.constant 0 : i32
    %scan3A_6 = arith.constant 80 : i32
    %scan3A_7 = arith.addi %scan3A, %scan3A_6 : i32
    %scan3A_8 = arith.constant 1 : i32
    scf.for %scan3A_16 = %scan3A to %scan3A_7 step %scan3A_8  : i32 {
      %mul3A_17 = arith.constant 1 : i32
      %mul3A_18 = arith.muli %scan3A_16, %mul3A_17 : i32
      %add3A_19 = arith.constant 0 : i32
      %add3A_20 = arith.addi %add3A_19, %mul3A_18 : i32
      %dma_start3A = arith.constant 0 : i32
      %dma_start3A_21 = tpu.memref_slice %arg6[%add3A_20, %dma_start3A] : memref<80x128xi32, #tpu.memory_space<vmem>> -> memref<1x128xi32, #tpu.memory_space<vmem>>
      %dma_start3A_22 = tpu.memref_squeeze %dma_start3A_21 : memref<1x128xi32, #tpu.memory_space<vmem>> -> memref<128xi32, #tpu.memory_space<vmem>>
      %dma_start3A_23 = arith.constant 0 : i32
      %dma_start3A_24 = tpu.memref_slice %arg8[%dma_start3A_23] : memref<10240xf32, #tpu.memory_space<vmem_shared>> -> memref<10240xf32, #tpu.memory_space<vmem_shared>>
      tpu.enqueue_indirect_dma source(%arg7 : memref<128xf32, #tpu.memory_space<vmem>>) target(%dma_start3A_24 : memref<10240xf32, #tpu.memory_space<vmem_shared>>) offsets(%dma_start3A_22 : memref<128xi32, #tpu.memory_space<vmem>>) semaphore(%arg9 : memref<!tpu.dma_semaphore, #tpu.memory_space<semaphore_mem>>) {add = true}
    }
    %scan3A_9 = arith.constant 80 : i32
    %scan3A_10 = arith.constant 0 : i32
    %scan3A_11 = arith.constant 80 : i32
    %scan3A_12 = arith.addi %scan3A_10, %scan3A_11 : i32
    %scan3A_13 = arith.constant 1 : i32
    scf.for %scan3A_16 = %scan3A_10 to %scan3A_12 step %scan3A_13  : i32 {
      %mul3A_17 = arith.constant 1 : i32
      %mul3A_18 = arith.muli %scan3A_16, %mul3A_17 : i32
      %add3A_19 = arith.constant 0 : i32
      %add3A_20 = arith.addi %add3A_19, %mul3A_18 : i32
      %dma_wait3A = arith.constant 0 : i32
      %dma_wait3A_21 = tpu.memref_slice %arg6[%add3A_20, %dma_wait3A] : memref<80x128xi32, #tpu.memory_space<vmem>> -> memref<1x128xi32, #tpu.memory_space<vmem>>
      %dma_wait3A_22 = tpu.memref_squeeze %dma_wait3A_21 : memref<1x128xi32, #tpu.memory_space<vmem>> -> memref<128xi32, #tpu.memory_space<vmem>>
      %dma_wait3A_23 = arith.constant 0 : i32
      %dma_wait3A_24 = tpu.memref_slice %arg8[%dma_wait3A_23] : memref<10240xf32, #tpu.memory_space<vmem_shared>> -> memref<10240xf32, #tpu.memory_space<vmem_shared>>
      tpu.wait_indirect_dma semaphore(%arg9 : memref<!tpu.dma_semaphore, #tpu.memory_space<semaphore_mem>>) src(%arg7 : memref<128xf32, #tpu.memory_space<vmem>>) dst(%dma_wait3A_24 : memref<10240xf32, #tpu.memory_space<vmem_shared>>)
    }
    %scan3A_14 = arith.constant 80 : i32
    %barrier3A_15 = arith.constant 0 : index
    tpu.barrier barrier_id(%barrier3A_15)
    "tpu.region"() ({
      %run_scoped3A = tpu.sem_alloc : memref<!tpu.dma_semaphore, #tpu.memory_space<semaphore_mem>>
      %dma_start3A = tpu.memref_slice %arg5[%arg0, %multiple_of3A_5] : memref<2x10240xf32, #tpu.memory_space<hbm>> -> memref<1x640xf32, #tpu.memory_space<hbm>>
      %dma_start3A_16 = tpu.memref_squeeze %dma_start3A : memref<1x640xf32, #tpu.memory_space<hbm>> -> memref<640xf32, #tpu.memory_space<hbm>>
      %dma_start3A_17 = tpu.memref_slice %arg8[%multiple_of3A_5] : memref<10240xf32, #tpu.memory_space<vmem_shared>> -> memref<640xf32, #tpu.memory_space<vmem_shared>>
      tpu.enqueue_dma source(%dma_start3A_17 : memref<640xf32, #tpu.memory_space<vmem_shared>>) target(%dma_start3A_16 : memref<640xf32, #tpu.memory_space<hbm>>) target_semaphore(%run_scoped3A : memref<!tpu.dma_semaphore, #tpu.memory_space<semaphore_mem>>)
      %dma_wait3A = tpu.memref_slice %arg5[%arg0, %multiple_of3A_5] : memref<2x10240xf32, #tpu.memory_space<hbm>> -> memref<1x640xf32, #tpu.memory_space<hbm>>
      %dma_wait3A_18 = tpu.memref_squeeze %dma_wait3A : memref<1x640xf32, #tpu.memory_space<hbm>> -> memref<640xf32, #tpu.memory_space<hbm>>
      %dma_wait3A_19 = tpu.memref_slice %arg8[%multiple_of3A_5] : memref<10240xf32, #tpu.memory_space<vmem_shared>> -> memref<640xf32, #tpu.memory_space<vmem_shared>>
      tpu.wait_dma2 semaphore(%run_scoped3A : memref<!tpu.dma_semaphore, #tpu.memory_space<semaphore_mem>>) src(%dma_wait3A_19 : memref<640xf32, #tpu.memory_space<vmem_shared>>) dst(%dma_wait3A_18 : memref<640xf32, #tpu.memory_space<hbm>>)
      tpu.yield
    }) : () -> ()
    return
  }
}

#map = affine_map<(d0, d1) -> (0, 0)>
#map1 = affine_map<(d0, d1) -> (0, 0, 0)>
module attributes {stable_mosaic.version = 14 : i64} {
  func.func @_msg_body(%arg0: i32, %arg1: i32, %arg2: memref<20480x64xf32, #tpu.memory_space<hbm>>, %arg3: memref<2560x128xi32, #tpu.memory_space<hbm>>, %arg4: memref<2560x128xi32, #tpu.memory_space<hbm>>, %arg5: memref<10240x64xf32, #tpu.memory_space<hbm>>, %arg6: memref<2x10240x128xf32, #tpu.memory_space<hbm>>, %arg7: memref<80x128xi32, #tpu.memory_space<vmem>>, %arg8: memref<80x128xi32, #tpu.memory_space<vmem>>, %arg9: memref<128x64xf32, #tpu.memory_space<vmem>>, %arg10: memref<128x64xf32, #tpu.memory_space<vmem>>, %arg11: memref<128x64xf32, #tpu.memory_space<vmem>>, %arg12: memref<128x64xf32, #tpu.memory_space<vmem>>, %arg13: memref<128x64xf32, #tpu.memory_space<vmem>>, %arg14: memref<128x64xf32, #tpu.memory_space<vmem>>, %arg15: memref<128x64xf32, #tpu.memory_space<vmem>>, %arg16: memref<128x64xf32, #tpu.memory_space<vmem>>, %arg17: memref<!tpu.dma_semaphore, #tpu.memory_space<semaphore_mem>>, %arg18: memref<!tpu.dma_semaphore, #tpu.memory_space<semaphore_mem>>, %arg19: memref<!tpu.dma_semaphore, #tpu.memory_space<semaphore_mem>>, %arg20: memref<!tpu.dma_semaphore, #tpu.memory_space<semaphore_mem>>, %arg21: memref<!tpu.dma_semaphore, #tpu.memory_space<semaphore_mem>>, %arg22: memref<!tpu.dma_semaphore, #tpu.memory_space<semaphore_mem>>, %arg23: memref<!tpu.dma_semaphore, #tpu.memory_space<semaphore_mem>>, %arg24: memref<!tpu.dma_semaphore, #tpu.memory_space<semaphore_mem>>, %arg25: memref<!tpu.dma_semaphore, #tpu.memory_space<semaphore_mem>>, %arg26: memref<!tpu.dma_semaphore, #tpu.memory_space<semaphore_mem>>, %arg27: memref<!tpu.dma_semaphore, #tpu.memory_space<semaphore_mem>>, %arg28: memref<!tpu.dma_semaphore, #tpu.memory_space<semaphore_mem>>, %arg29: memref<!tpu.dma_semaphore, #tpu.memory_space<semaphore_mem>>, %arg30: memref<!tpu.dma_semaphore, #tpu.memory_space<semaphore_mem>>, %arg31: memref<!tpu.dma_semaphore, #tpu.memory_space<semaphore_mem>>, %arg32: memref<!tpu.dma_semaphore, #tpu.memory_space<semaphore_mem>>, %arg33: memref<10240x64xf32, #tpu.memory_space<vmem_shared>>) attributes {dimension_semantics = [#tpu.dimension_semantics<core_parallel>, #tpu.dimension_semantics<subcore_parallel>], iteration_bounds = array<i64: 2, 16>, scalar_prefetch = 0 : i64, scratch_operands = 27 : i64, tpu.core_type = #tpu.core_type<sc_vector_subcore>, window_params = [{transform_indices = #map}, {transform_indices = #map}, {transform_indices = #map}, {transform_indices = #map}, {transform_indices = #map1}]} {
    %mul3A = arith.constant 2 : i32
    %mul3A_0 = arith.muli %arg1, %mul3A : i32
    %add3A = arith.addi %mul3A_0, %arg0 : i32
    %mul3A_1 = arith.constant 80 : i32
    %mul3A_2 = arith.muli %add3A, %mul3A_1 : i32
    %multiple_of3A = tpu.assume_multiple %mul3A_2, 8 : i32
    "tpu.region"() ({
      %run_scoped3A = tpu.sem_alloc : memref<!tpu.dma_semaphore, #tpu.memory_space<semaphore_mem>>
      %dma_start3A_252 = arith.constant 0 : i32
      %dma_start3A_253 = tpu.memref_slice %arg3[%multiple_of3A, %dma_start3A_252] : memref<2560x128xi32, #tpu.memory_space<hbm>> -> memref<80x128xi32, #tpu.memory_space<hbm>>
      %dma_start3A_254 = arith.constant 0 : i32
      %dma_start3A_255 = tpu.memref_slice %arg3[%multiple_of3A, %dma_start3A_254] : memref<2560x128xi32, #tpu.memory_space<hbm>> -> memref<80x128xi32, #tpu.memory_space<hbm>>
      tpu.enqueue_dma source(%dma_start3A_255 : memref<80x128xi32, #tpu.memory_space<hbm>>) target(%arg7 : memref<80x128xi32, #tpu.memory_space<vmem>>) target_semaphore(%run_scoped3A : memref<!tpu.dma_semaphore, #tpu.memory_space<semaphore_mem>>)
      %dma_wait3A_256 = arith.constant 0 : i32
      %dma_wait3A_257 = tpu.memref_slice %arg3[%multiple_of3A, %dma_wait3A_256] : memref<2560x128xi32, #tpu.memory_space<hbm>> -> memref<80x128xi32, #tpu.memory_space<hbm>>
      %dma_wait3A_258 = arith.constant 0 : i32
      %dma_wait3A_259 = tpu.memref_slice %arg3[%multiple_of3A, %dma_wait3A_258] : memref<2560x128xi32, #tpu.memory_space<hbm>> -> memref<80x128xi32, #tpu.memory_space<hbm>>
      tpu.wait_dma2 semaphore(%run_scoped3A : memref<!tpu.dma_semaphore, #tpu.memory_space<semaphore_mem>>) src(%dma_wait3A_259 : memref<80x128xi32, #tpu.memory_space<hbm>>) dst(%arg7 : memref<80x128xi32, #tpu.memory_space<vmem>>)
      tpu.yield
    }) : () -> ()
    "tpu.region"() ({
      %run_scoped3A = tpu.sem_alloc : memref<!tpu.dma_semaphore, #tpu.memory_space<semaphore_mem>>
      %dma_start3A_252 = arith.constant 0 : i32
      %dma_start3A_253 = tpu.memref_slice %arg4[%multiple_of3A, %dma_start3A_252] : memref<2560x128xi32, #tpu.memory_space<hbm>> -> memref<80x128xi32, #tpu.memory_space<hbm>>
      %dma_start3A_254 = arith.constant 0 : i32
      %dma_start3A_255 = tpu.memref_slice %arg4[%multiple_of3A, %dma_start3A_254] : memref<2560x128xi32, #tpu.memory_space<hbm>> -> memref<80x128xi32, #tpu.memory_space<hbm>>
      tpu.enqueue_dma source(%dma_start3A_255 : memref<80x128xi32, #tpu.memory_space<hbm>>) target(%arg8 : memref<80x128xi32, #tpu.memory_space<vmem>>) target_semaphore(%run_scoped3A : memref<!tpu.dma_semaphore, #tpu.memory_space<semaphore_mem>>)
      %dma_wait3A_256 = arith.constant 0 : i32
      %dma_wait3A_257 = tpu.memref_slice %arg4[%multiple_of3A, %dma_wait3A_256] : memref<2560x128xi32, #tpu.memory_space<hbm>> -> memref<80x128xi32, #tpu.memory_space<hbm>>
      %dma_wait3A_258 = arith.constant 0 : i32
      %dma_wait3A_259 = tpu.memref_slice %arg4[%multiple_of3A, %dma_wait3A_258] : memref<2560x128xi32, #tpu.memory_space<hbm>> -> memref<80x128xi32, #tpu.memory_space<hbm>>
      tpu.wait_dma2 semaphore(%run_scoped3A : memref<!tpu.dma_semaphore, #tpu.memory_space<semaphore_mem>>) src(%dma_wait3A_259 : memref<80x128xi32, #tpu.memory_space<hbm>>) dst(%arg8 : memref<80x128xi32, #tpu.memory_space<vmem>>)
      tpu.yield
    }) : () -> ()
    %mul3A_3 = arith.constant 640 : i32
    %mul3A_4 = arith.muli %arg1, %mul3A_3 : i32
    %multiple_of3A_5 = tpu.assume_multiple %mul3A_4, 8 : i32
    %scan3A = arith.constant 0 : i32
    %scan3A_6 = arith.constant 80 : i32
    %scan3A_7 = arith.addi %scan3A, %scan3A_6 : i32
    %scan3A_8 = arith.constant 1 : i32
    scf.for %scan3A_252 = %scan3A to %scan3A_7 step %scan3A_8  : i32 {
      %mul3A_253 = arith.constant 1 : i32
      %mul3A_254 = arith.muli %scan3A_252, %mul3A_253 : i32
      %add3A_255 = arith.constant 0 : i32
      %add3A_256 = arith.addi %add3A_255, %mul3A_254 : i32
      %get3A = arith.index_cast %add3A_256 : i32 to index
      %get3A_257 = arith.constant 0 : index
      %get3A_258 = tpu.vector_load %arg7[%get3A, %get3A_257] {strides = array<i32>} : memref<80x128xi32, #tpu.memory_space<vmem>>, vector<1x16xi32>,
      %get3A_259 = vector.shape_cast %get3A_258 : vector<1x16xi32> to vector<16xi32>
      %mul3A_260 = arith.constant 2 : i32
      %mul3A_261 = vector.broadcast %mul3A_260 : i32 to vector<16xi32>
      %mul3A_262 = arith.muli %get3A_259, %mul3A_261 : vector<16xi32>
      %swap3A = arith.index_cast %add3A_256 : i32 to index
      %swap3A_263 = arith.constant 0 : index
      %swap3A_264 = tpu.vector_load %arg7[%swap3A, %swap3A_263] {strides = array<i32>} : memref<80x128xi32, #tpu.memory_space<vmem>>, vector<1x16xi32>,
      %swap3A_265 = vector.shape_cast %swap3A_264 : vector<1x16xi32> to vector<16xi32>
      %swap3A_266 = vector.shape_cast %mul3A_262 : vector<16xi32> to vector<1x16xi32>
      tpu.vector_store %arg7[%swap3A, %swap3A_263], %swap3A_266 {strides = array<i32>} : memref<80x128xi32, #tpu.memory_space<vmem>>, vector<1x16xi32>,
      %get3A_267 = arith.index_cast %add3A_256 : i32 to index
      %get3A_268 = arith.constant 16 : index
      %get3A_269 = tpu.vector_load %arg7[%get3A_267, %get3A_268] {strides = array<i32>} : memref<80x128xi32, #tpu.memory_space<vmem>>, vector<1x16xi32>,
      %get3A_270 = vector.shape_cast %get3A_269 : vector<1x16xi32> to vector<16xi32>
      %mul3A_271 = arith.constant 2 : i32
      %mul3A_272 = vector.broadcast %mul3A_271 : i32 to vector<16xi32>
      %mul3A_273 = arith.muli %get3A_270, %mul3A_272 : vector<16xi32>
      %swap3A_274 = arith.index_cast %add3A_256 : i32 to index
      %swap3A_275 = arith.constant 16 : index
      %swap3A_276 = tpu.vector_load %arg7[%swap3A_274, %swap3A_275] {strides = array<i32>} : memref<80x128xi32, #tpu.memory_space<vmem>>, vector<1x16xi32>,
      %swap3A_277 = vector.shape_cast %swap3A_276 : vector<1x16xi32> to vector<16xi32>
      %swap3A_278 = vector.shape_cast %mul3A_273 : vector<16xi32> to vector<1x16xi32>
      tpu.vector_store %arg7[%swap3A_274, %swap3A_275], %swap3A_278 {strides = array<i32>} : memref<80x128xi32, #tpu.memory_space<vmem>>, vector<1x16xi32>,
      %get3A_279 = arith.index_cast %add3A_256 : i32 to index
      %get3A_280 = arith.constant 32 : index
      %get3A_281 = tpu.vector_load %arg7[%get3A_279, %get3A_280] {strides = array<i32>} : memref<80x128xi32, #tpu.memory_space<vmem>>, vector<1x16xi32>,
      %get3A_282 = vector.shape_cast %get3A_281 : vector<1x16xi32> to vector<16xi32>
      %mul3A_283 = arith.constant 2 : i32
      %mul3A_284 = vector.broadcast %mul3A_283 : i32 to vector<16xi32>
      %mul3A_285 = arith.muli %get3A_282, %mul3A_284 : vector<16xi32>
      %swap3A_286 = arith.index_cast %add3A_256 : i32 to index
      %swap3A_287 = arith.constant 32 : index
      %swap3A_288 = tpu.vector_load %arg7[%swap3A_286, %swap3A_287] {strides = array<i32>} : memref<80x128xi32, #tpu.memory_space<vmem>>, vector<1x16xi32>,
      %swap3A_289 = vector.shape_cast %swap3A_288 : vector<1x16xi32> to vector<16xi32>
      %swap3A_290 = vector.shape_cast %mul3A_285 : vector<16xi32> to vector<1x16xi32>
      tpu.vector_store %arg7[%swap3A_286, %swap3A_287], %swap3A_290 {strides = array<i32>} : memref<80x128xi32, #tpu.memory_space<vmem>>, vector<1x16xi32>,
      %get3A_291 = arith.index_cast %add3A_256 : i32 to index
      %get3A_292 = arith.constant 48 : index
      %get3A_293 = tpu.vector_load %arg7[%get3A_291, %get3A_292] {strides = array<i32>} : memref<80x128xi32, #tpu.memory_space<vmem>>, vector<1x16xi32>,
      %get3A_294 = vector.shape_cast %get3A_293 : vector<1x16xi32> to vector<16xi32>
      %mul3A_295 = arith.constant 2 : i32
      %mul3A_296 = vector.broadcast %mul3A_295 : i32 to vector<16xi32>
      %mul3A_297 = arith.muli %get3A_294, %mul3A_296 : vector<16xi32>
      %swap3A_298 = arith.index_cast %add3A_256 : i32 to index
      %swap3A_299 = arith.constant 48 : index
      %swap3A_300 = tpu.vector_load %arg7[%swap3A_298, %swap3A_299] {strides = array<i32>} : memref<80x128xi32, #tpu.memory_space<vmem>>, vector<1x16xi32>,
      %swap3A_301 = vector.shape_cast %swap3A_300 : vector<1x16xi32> to vector<16xi32>
      %swap3A_302 = vector.shape_cast %mul3A_297 : vector<16xi32> to vector<1x16xi32>
      tpu.vector_store %arg7[%swap3A_298, %swap3A_299], %swap3A_302 {strides = array<i32>} : memref<80x128xi32, #tpu.memory_space<vmem>>, vector<1x16xi32>,
      %get3A_303 = arith.index_cast %add3A_256 : i32 to index
      %get3A_304 = arith.constant 64 : index
      %get3A_305 = tpu.vector_load %arg7[%get3A_303, %get3A_304] {strides = array<i32>} : memref<80x128xi32, #tpu.memory_space<vmem>>, vector<1x16xi32>,
      %get3A_306 = vector.shape_cast %get3A_305 : vector<1x16xi32> to vector<16xi32>
      %mul3A_307 = arith.constant 2 : i32
      %mul3A_308 = vector.broadcast %mul3A_307 : i32 to vector<16xi32>
      %mul3A_309 = arith.muli %get3A_306, %mul3A_308 : vector<16xi32>
      %swap3A_310 = arith.index_cast %add3A_256 : i32 to index
      %swap3A_311 = arith.constant 64 : index
      %swap3A_312 = tpu.vector_load %arg7[%swap3A_310, %swap3A_311] {strides = array<i32>} : memref<80x128xi32, #tpu.memory_space<vmem>>, vector<1x16xi32>,
      %swap3A_313 = vector.shape_cast %swap3A_312 : vector<1x16xi32> to vector<16xi32>
      %swap3A_314 = vector.shape_cast %mul3A_309 : vector<16xi32> to vector<1x16xi32>
      tpu.vector_store %arg7[%swap3A_310, %swap3A_311], %swap3A_314 {strides = array<i32>} : memref<80x128xi32, #tpu.memory_space<vmem>>, vector<1x16xi32>,
      %get3A_315 = arith.index_cast %add3A_256 : i32 to index
      %get3A_316 = arith.constant 80 : index
      %get3A_317 = tpu.vector_load %arg7[%get3A_315, %get3A_316] {strides = array<i32>} : memref<80x128xi32, #tpu.memory_space<vmem>>, vector<1x16xi32>,
      %get3A_318 = vector.shape_cast %get3A_317 : vector<1x16xi32> to vector<16xi32>
      %mul3A_319 = arith.constant 2 : i32
      %mul3A_320 = vector.broadcast %mul3A_319 : i32 to vector<16xi32>
      %mul3A_321 = arith.muli %get3A_318, %mul3A_320 : vector<16xi32>
      %swap3A_322 = arith.index_cast %add3A_256 : i32 to index
      %swap3A_323 = arith.constant 80 : index
      %swap3A_324 = tpu.vector_load %arg7[%swap3A_322, %swap3A_323] {strides = array<i32>} : memref<80x128xi32, #tpu.memory_space<vmem>>, vector<1x16xi32>,
      %swap3A_325 = vector.shape_cast %swap3A_324 : vector<1x16xi32> to vector<16xi32>
      %swap3A_326 = vector.shape_cast %mul3A_321 : vector<16xi32> to vector<1x16xi32>
      tpu.vector_store %arg7[%swap3A_322, %swap3A_323], %swap3A_326 {strides = array<i32>} : memref<80x128xi32, #tpu.memory_space<vmem>>, vector<1x16xi32>,
      %get3A_327 = arith.index_cast %add3A_256 : i32 to index
      %get3A_328 = arith.constant 96 : index
      %get3A_329 = tpu.vector_load %arg7[%get3A_327, %get3A_328] {strides = array<i32>} : memref<80x128xi32, #tpu.memory_space<vmem>>, vector<1x16xi32>,
      %get3A_330 = vector.shape_cast %get3A_329 : vector<1x16xi32> to vector<16xi32>
      %mul3A_331 = arith.constant 2 : i32
      %mul3A_332 = vector.broadcast %mul3A_331 : i32 to vector<16xi32>
      %mul3A_333 = arith.muli %get3A_330, %mul3A_332 : vector<16xi32>
      %swap3A_334 = arith.index_cast %add3A_256 : i32 to index
      %swap3A_335 = arith.constant 96 : index
      %swap3A_336 = tpu.vector_load %arg7[%swap3A_334, %swap3A_335] {strides = array<i32>} : memref<80x128xi32, #tpu.memory_space<vmem>>, vector<1x16xi32>,
      %swap3A_337 = vector.shape_cast %swap3A_336 : vector<1x16xi32> to vector<16xi32>
      %swap3A_338 = vector.shape_cast %mul3A_333 : vector<16xi32> to vector<1x16xi32>
      tpu.vector_store %arg7[%swap3A_334, %swap3A_335], %swap3A_338 {strides = array<i32>} : memref<80x128xi32, #tpu.memory_space<vmem>>, vector<1x16xi32>,
      %get3A_339 = arith.index_cast %add3A_256 : i32 to index
      %get3A_340 = arith.constant 112 : index
      %get3A_341 = tpu.vector_load %arg7[%get3A_339, %get3A_340] {strides = array<i32>} : memref<80x128xi32, #tpu.memory_space<vmem>>, vector<1x16xi32>,
      %get3A_342 = vector.shape_cast %get3A_341 : vector<1x16xi32> to vector<16xi32>
      %mul3A_343 = arith.constant 2 : i32
      %mul3A_344 = vector.broadcast %mul3A_343 : i32 to vector<16xi32>
      %mul3A_345 = arith.muli %get3A_342, %mul3A_344 : vector<16xi32>
      %swap3A_346 = arith.index_cast %add3A_256 : i32 to index
      %swap3A_347 = arith.constant 112 : index
      %swap3A_348 = tpu.vector_load %arg7[%swap3A_346, %swap3A_347] {strides = array<i32>} : memref<80x128xi32, #tpu.memory_space<vmem>>, vector<1x16xi32>,
      %swap3A_349 = vector.shape_cast %swap3A_348 : vector<1x16xi32> to vector<16xi32>
      %swap3A_350 = vector.shape_cast %mul3A_345 : vector<16xi32> to vector<1x16xi32>
      tpu.vector_store %arg7[%swap3A_346, %swap3A_347], %swap3A_350 {strides = array<i32>} : memref<80x128xi32, #tpu.memory_space<vmem>>, vector<1x16xi32>,
    }
    %scan3A_9 = arith.constant 80 : i32
    %dma_start3A = arith.constant 0 : i32
    %dma_start3A_10 = arith.constant 0 : i32
    %dma_start3A_11 = tpu.memref_slice %arg7[%dma_start3A, %dma_start3A_10] : memref<80x128xi32, #tpu.memory_space<vmem>> -> memref<1x128xi32, #tpu.memory_space<vmem>>
    %dma_start3A_12 = tpu.memref_squeeze %dma_start3A_11 : memref<1x128xi32, #tpu.memory_space<vmem>> -> memref<128xi32, #tpu.memory_space<vmem>>
    %dma_start3A_13 = arith.constant 0 : i32
    %dma_start3A_14 = arith.constant 0 : i32
    %dma_start3A_15 = tpu.memref_slice %arg2[%dma_start3A_13, %dma_start3A_14] : memref<20480x64xf32, #tpu.memory_space<hbm>> -> memref<20480x64xf32, #tpu.memory_space<hbm>>
    tpu.enqueue_indirect_dma source(%dma_start3A_15 : memref<20480x64xf32, #tpu.memory_space<hbm>>) target(%arg9 : memref<128x64xf32, #tpu.memory_space<vmem>>) offsets(%dma_start3A_12 : memref<128xi32, #tpu.memory_space<vmem>>) semaphore(%arg17 : memref<!tpu.dma_semaphore, #tpu.memory_space<semaphore_mem>>)
    %dma_start3A_16 = arith.constant 1 : i32
    %dma_start3A_17 = arith.constant 0 : i32
    %dma_start3A_18 = tpu.memref_slice %arg7[%dma_start3A_16, %dma_start3A_17] : memref<80x128xi32, #tpu.memory_space<vmem>> -> memref<1x128xi32, #tpu.memory_space<vmem>>
    %dma_start3A_19 = tpu.memref_squeeze %dma_start3A_18 : memref<1x128xi32, #tpu.memory_space<vmem>> -> memref<128xi32, #tpu.memory_space<vmem>>
    %dma_start3A_20 = arith.constant 0 : i32
    %dma_start3A_21 = arith.constant 0 : i32
    %dma_start3A_22 = tpu.memref_slice %arg2[%dma_start3A_20, %dma_start3A_21] : memref<20480x64xf32, #tpu.memory_space<hbm>> -> memref<20480x64xf32, #tpu.memory_space<hbm>>
    tpu.enqueue_indirect_dma source(%dma_start3A_22 : memref<20480x64xf32, #tpu.memory_space<hbm>>) target(%arg10 : memref<128x64xf32, #tpu.memory_space<vmem>>) offsets(%dma_start3A_19 : memref<128xi32, #tpu.memory_space<vmem>>) semaphore(%arg18 : memref<!tpu.dma_semaphore, #tpu.memory_space<semaphore_mem>>)
    %dma_start3A_23 = arith.constant 2 : i32
    %dma_start3A_24 = arith.constant 0 : i32
    %dma_start3A_25 = tpu.memref_slice %arg7[%dma_start3A_23, %dma_start3A_24] : memref<80x128xi32, #tpu.memory_space<vmem>> -> memref<1x128xi32, #tpu.memory_space<vmem>>
    %dma_start3A_26 = tpu.memref_squeeze %dma_start3A_25 : memref<1x128xi32, #tpu.memory_space<vmem>> -> memref<128xi32, #tpu.memory_space<vmem>>
    %dma_start3A_27 = arith.constant 0 : i32
    %dma_start3A_28 = arith.constant 0 : i32
    %dma_start3A_29 = tpu.memref_slice %arg2[%dma_start3A_27, %dma_start3A_28] : memref<20480x64xf32, #tpu.memory_space<hbm>> -> memref<20480x64xf32, #tpu.memory_space<hbm>>
    tpu.enqueue_indirect_dma source(%dma_start3A_29 : memref<20480x64xf32, #tpu.memory_space<hbm>>) target(%arg11 : memref<128x64xf32, #tpu.memory_space<vmem>>) offsets(%dma_start3A_26 : memref<128xi32, #tpu.memory_space<vmem>>) semaphore(%arg19 : memref<!tpu.dma_semaphore, #tpu.memory_space<semaphore_mem>>)
    %dma_start3A_30 = arith.constant 3 : i32
    %dma_start3A_31 = arith.constant 0 : i32
    %dma_start3A_32 = tpu.memref_slice %arg7[%dma_start3A_30, %dma_start3A_31] : memref<80x128xi32, #tpu.memory_space<vmem>> -> memref<1x128xi32, #tpu.memory_space<vmem>>
    %dma_start3A_33 = tpu.memref_squeeze %dma_start3A_32 : memref<1x128xi32, #tpu.memory_space<vmem>> -> memref<128xi32, #tpu.memory_space<vmem>>
    %dma_start3A_34 = arith.constant 0 : i32
    %dma_start3A_35 = arith.constant 0 : i32
    %dma_start3A_36 = tpu.memref_slice %arg2[%dma_start3A_34, %dma_start3A_35] : memref<20480x64xf32, #tpu.memory_space<hbm>> -> memref<20480x64xf32, #tpu.memory_space<hbm>>
    tpu.enqueue_indirect_dma source(%dma_start3A_36 : memref<20480x64xf32, #tpu.memory_space<hbm>>) target(%arg12 : memref<128x64xf32, #tpu.memory_space<vmem>>) offsets(%dma_start3A_33 : memref<128xi32, #tpu.memory_space<vmem>>) semaphore(%arg20 : memref<!tpu.dma_semaphore, #tpu.memory_space<semaphore_mem>>)
    %dma_start3A_37 = arith.constant 4 : i32
    %dma_start3A_38 = arith.constant 0 : i32
    %dma_start3A_39 = tpu.memref_slice %arg7[%dma_start3A_37, %dma_start3A_38] : memref<80x128xi32, #tpu.memory_space<vmem>> -> memref<1x128xi32, #tpu.memory_space<vmem>>
    %dma_start3A_40 = tpu.memref_squeeze %dma_start3A_39 : memref<1x128xi32, #tpu.memory_space<vmem>> -> memref<128xi32, #tpu.memory_space<vmem>>
    %dma_start3A_41 = arith.constant 0 : i32
    %dma_start3A_42 = arith.constant 0 : i32
    %dma_start3A_43 = tpu.memref_slice %arg2[%dma_start3A_41, %dma_start3A_42] : memref<20480x64xf32, #tpu.memory_space<hbm>> -> memref<20480x64xf32, #tpu.memory_space<hbm>>
    tpu.enqueue_indirect_dma source(%dma_start3A_43 : memref<20480x64xf32, #tpu.memory_space<hbm>>) target(%arg13 : memref<128x64xf32, #tpu.memory_space<vmem>>) offsets(%dma_start3A_40 : memref<128xi32, #tpu.memory_space<vmem>>) semaphore(%arg21 : memref<!tpu.dma_semaphore, #tpu.memory_space<semaphore_mem>>)
    %dma_start3A_44 = arith.constant 5 : i32
    %dma_start3A_45 = arith.constant 0 : i32
    %dma_start3A_46 = tpu.memref_slice %arg7[%dma_start3A_44, %dma_start3A_45] : memref<80x128xi32, #tpu.memory_space<vmem>> -> memref<1x128xi32, #tpu.memory_space<vmem>>
    %dma_start3A_47 = tpu.memref_squeeze %dma_start3A_46 : memref<1x128xi32, #tpu.memory_space<vmem>> -> memref<128xi32, #tpu.memory_space<vmem>>
    %dma_start3A_48 = arith.constant 0 : i32
    %dma_start3A_49 = arith.constant 0 : i32
    %dma_start3A_50 = tpu.memref_slice %arg2[%dma_start3A_48, %dma_start3A_49] : memref<20480x64xf32, #tpu.memory_space<hbm>> -> memref<20480x64xf32, #tpu.memory_space<hbm>>
    tpu.enqueue_indirect_dma source(%dma_start3A_50 : memref<20480x64xf32, #tpu.memory_space<hbm>>) target(%arg14 : memref<128x64xf32, #tpu.memory_space<vmem>>) offsets(%dma_start3A_47 : memref<128xi32, #tpu.memory_space<vmem>>) semaphore(%arg22 : memref<!tpu.dma_semaphore, #tpu.memory_space<semaphore_mem>>)
    %dma_start3A_51 = arith.constant 6 : i32
    %dma_start3A_52 = arith.constant 0 : i32
    %dma_start3A_53 = tpu.memref_slice %arg7[%dma_start3A_51, %dma_start3A_52] : memref<80x128xi32, #tpu.memory_space<vmem>> -> memref<1x128xi32, #tpu.memory_space<vmem>>
    %dma_start3A_54 = tpu.memref_squeeze %dma_start3A_53 : memref<1x128xi32, #tpu.memory_space<vmem>> -> memref<128xi32, #tpu.memory_space<vmem>>
    %dma_start3A_55 = arith.constant 0 : i32
    %dma_start3A_56 = arith.constant 0 : i32
    %dma_start3A_57 = tpu.memref_slice %arg2[%dma_start3A_55, %dma_start3A_56] : memref<20480x64xf32, #tpu.memory_space<hbm>> -> memref<20480x64xf32, #tpu.memory_space<hbm>>
    tpu.enqueue_indirect_dma source(%dma_start3A_57 : memref<20480x64xf32, #tpu.memory_space<hbm>>) target(%arg15 : memref<128x64xf32, #tpu.memory_space<vmem>>) offsets(%dma_start3A_54 : memref<128xi32, #tpu.memory_space<vmem>>) semaphore(%arg23 : memref<!tpu.dma_semaphore, #tpu.memory_space<semaphore_mem>>)
    %dma_start3A_58 = arith.constant 7 : i32
    %dma_start3A_59 = arith.constant 0 : i32
    %dma_start3A_60 = tpu.memref_slice %arg7[%dma_start3A_58, %dma_start3A_59] : memref<80x128xi32, #tpu.memory_space<vmem>> -> memref<1x128xi32, #tpu.memory_space<vmem>>
    %dma_start3A_61 = tpu.memref_squeeze %dma_start3A_60 : memref<1x128xi32, #tpu.memory_space<vmem>> -> memref<128xi32, #tpu.memory_space<vmem>>
    %dma_start3A_62 = arith.constant 0 : i32
    %dma_start3A_63 = arith.constant 0 : i32
    %dma_start3A_64 = tpu.memref_slice %arg2[%dma_start3A_62, %dma_start3A_63] : memref<20480x64xf32, #tpu.memory_space<hbm>> -> memref<20480x64xf32, #tpu.memory_space<hbm>>
    tpu.enqueue_indirect_dma source(%dma_start3A_64 : memref<20480x64xf32, #tpu.memory_space<hbm>>) target(%arg16 : memref<128x64xf32, #tpu.memory_space<vmem>>) offsets(%dma_start3A_61 : memref<128xi32, #tpu.memory_space<vmem>>) semaphore(%arg24 : memref<!tpu.dma_semaphore, #tpu.memory_space<semaphore_mem>>)
    "tpu.region"() ({
      %run_scoped3A = tpu.sem_alloc : memref<!tpu.dma_semaphore, #tpu.memory_space<semaphore_mem>>
      %dma_start3A_252 = arith.constant 0 : i32
      %dma_start3A_253 = tpu.memref_slice %arg33[%multiple_of3A_5, %dma_start3A_252] : memref<10240x64xf32, #tpu.memory_space<vmem_shared>> -> memref<640x64xf32, #tpu.memory_space<vmem_shared>>
      %dma_start3A_254 = arith.constant 0 : i32
      %dma_start3A_255 = tpu.memref_slice %arg5[%multiple_of3A_5, %dma_start3A_254] : memref<10240x64xf32, #tpu.memory_space<hbm>> -> memref<640x64xf32, #tpu.memory_space<hbm>>
      tpu.enqueue_dma source(%dma_start3A_255 : memref<640x64xf32, #tpu.memory_space<hbm>>) target(%dma_start3A_253 : memref<640x64xf32, #tpu.memory_space<vmem_shared>>) target_semaphore(%run_scoped3A : memref<!tpu.dma_semaphore, #tpu.memory_space<semaphore_mem>>)
      %dma_wait3A_256 = arith.constant 0 : i32
      %dma_wait3A_257 = tpu.memref_slice %arg33[%multiple_of3A_5, %dma_wait3A_256] : memref<10240x64xf32, #tpu.memory_space<vmem_shared>> -> memref<640x64xf32, #tpu.memory_space<vmem_shared>>
      %dma_wait3A_258 = arith.constant 0 : i32
      %dma_wait3A_259 = tpu.memref_slice %arg5[%multiple_of3A_5, %dma_wait3A_258] : memref<10240x64xf32, #tpu.memory_space<hbm>> -> memref<640x64xf32, #tpu.memory_space<hbm>>
      tpu.wait_dma2 semaphore(%run_scoped3A : memref<!tpu.dma_semaphore, #tpu.memory_space<semaphore_mem>>) src(%dma_wait3A_259 : memref<640x64xf32, #tpu.memory_space<hbm>>) dst(%dma_wait3A_257 : memref<640x64xf32, #tpu.memory_space<vmem_shared>>)
      tpu.yield
    }) : () -> ()
    %barrier3A = arith.constant 0 : index
    tpu.barrier barrier_id(%barrier3A)
    %scan3A_65 = arith.constant 0 : i32
    %scan3A_66 = arith.constant 10 : i32
    %scan3A_67 = arith.addi %scan3A_65, %scan3A_66 : i32
    %scan3A_68 = arith.constant 1 : i32
    scf.for %scan3A_252 = %scan3A_65 to %scan3A_67 step %scan3A_68  : i32 {
      %mul3A_253 = arith.constant 8 : i32
      %mul3A_254 = arith.muli %scan3A_252, %mul3A_253 : i32
      %add3A_255 = arith.constant 0 : i32
      %add3A_256 = arith.addi %add3A_255, %mul3A_254 : i32
      %add3A_257 = arith.constant 0 : i32
      %add3A_258 = arith.addi %add3A_256, %add3A_257 : i32
      %dma_wait3A_259 = arith.constant 0 : i32
      %dma_wait3A_260 = tpu.memref_slice %arg7[%add3A_258, %dma_wait3A_259] : memref<80x128xi32, #tpu.memory_space<vmem>> -> memref<1x128xi32, #tpu.memory_space<vmem>>
      %dma_wait3A_261 = tpu.memref_squeeze %dma_wait3A_260 : memref<1x128xi32, #tpu.memory_space<vmem>> -> memref<128xi32, #tpu.memory_space<vmem>>
      %dma_wait3A_262 = arith.constant 0 : i32
      %dma_wait3A_263 = arith.constant 0 : i32
      %dma_wait3A_264 = tpu.memref_slice %arg2[%dma_wait3A_262, %dma_wait3A_263] : memref<20480x64xf32, #tpu.memory_space<hbm>> -> memref<20480x64xf32, #tpu.memory_space<hbm>>
      tpu.wait_indirect_dma semaphore(%arg17 : memref<!tpu.dma_semaphore, #tpu.memory_space<semaphore_mem>>) src(%dma_wait3A_264 : memref<20480x64xf32, #tpu.memory_space<hbm>>) dst(%arg9 : memref<128x64xf32, #tpu.memory_space<vmem>>)
      %add3A_265 = arith.constant 0 : i32
      %add3A_266 = arith.addi %add3A_256, %add3A_265 : i32
      %dma_start3A_267 = arith.constant 0 : i32
      %dma_start3A_268 = tpu.memref_slice %arg8[%add3A_266, %dma_start3A_267] : memref<80x128xi32, #tpu.memory_space<vmem>> -> memref<1x128xi32, #tpu.memory_space<vmem>>
      %dma_start3A_269 = tpu.memref_squeeze %dma_start3A_268 : memref<1x128xi32, #tpu.memory_space<vmem>> -> memref<128xi32, #tpu.memory_space<vmem>>
      %dma_start3A_270 = arith.constant 0 : i32
      %dma_start3A_271 = arith.constant 0 : i32
      %dma_start3A_272 = tpu.memref_slice %arg33[%dma_start3A_270, %dma_start3A_271] : memref<10240x64xf32, #tpu.memory_space<vmem_shared>> -> memref<10240x64xf32, #tpu.memory_space<vmem_shared>>
      tpu.enqueue_indirect_dma source(%arg9 : memref<128x64xf32, #tpu.memory_space<vmem>>) target(%dma_start3A_272 : memref<10240x64xf32, #tpu.memory_space<vmem_shared>>) offsets(%dma_start3A_269 : memref<128xi32, #tpu.memory_space<vmem>>) semaphore(%arg25 : memref<!tpu.dma_semaphore, #tpu.memory_space<semaphore_mem>>) {add = true}
      %add3A_273 = arith.constant 1 : i32
      %add3A_274 = arith.addi %add3A_256, %add3A_273 : i32
      %dma_wait3A_275 = arith.constant 0 : i32
      %dma_wait3A_276 = tpu.memref_slice %arg7[%add3A_274, %dma_wait3A_275] : memref<80x128xi32, #tpu.memory_space<vmem>> -> memref<1x128xi32, #tpu.memory_space<vmem>>
      %dma_wait3A_277 = tpu.memref_squeeze %dma_wait3A_276 : memref<1x128xi32, #tpu.memory_space<vmem>> -> memref<128xi32, #tpu.memory_space<vmem>>
      %dma_wait3A_278 = arith.constant 0 : i32
      %dma_wait3A_279 = arith.constant 0 : i32
      %dma_wait3A_280 = tpu.memref_slice %arg2[%dma_wait3A_278, %dma_wait3A_279] : memref<20480x64xf32, #tpu.memory_space<hbm>> -> memref<20480x64xf32, #tpu.memory_space<hbm>>
      tpu.wait_indirect_dma semaphore(%arg18 : memref<!tpu.dma_semaphore, #tpu.memory_space<semaphore_mem>>) src(%dma_wait3A_280 : memref<20480x64xf32, #tpu.memory_space<hbm>>) dst(%arg10 : memref<128x64xf32, #tpu.memory_space<vmem>>)
      %add3A_281 = arith.constant 1 : i32
      %add3A_282 = arith.addi %add3A_256, %add3A_281 : i32
      %dma_start3A_283 = arith.constant 0 : i32
      %dma_start3A_284 = tpu.memref_slice %arg8[%add3A_282, %dma_start3A_283] : memref<80x128xi32, #tpu.memory_space<vmem>> -> memref<1x128xi32, #tpu.memory_space<vmem>>
      %dma_start3A_285 = tpu.memref_squeeze %dma_start3A_284 : memref<1x128xi32, #tpu.memory_space<vmem>> -> memref<128xi32, #tpu.memory_space<vmem>>
      %dma_start3A_286 = arith.constant 0 : i32
      %dma_start3A_287 = arith.constant 0 : i32
      %dma_start3A_288 = tpu.memref_slice %arg33[%dma_start3A_286, %dma_start3A_287] : memref<10240x64xf32, #tpu.memory_space<vmem_shared>> -> memref<10240x64xf32, #tpu.memory_space<vmem_shared>>
      tpu.enqueue_indirect_dma source(%arg10 : memref<128x64xf32, #tpu.memory_space<vmem>>) target(%dma_start3A_288 : memref<10240x64xf32, #tpu.memory_space<vmem_shared>>) offsets(%dma_start3A_285 : memref<128xi32, #tpu.memory_space<vmem>>) semaphore(%arg26 : memref<!tpu.dma_semaphore, #tpu.memory_space<semaphore_mem>>) {add = true}
      %add3A_289 = arith.constant 2 : i32
      %add3A_290 = arith.addi %add3A_256, %add3A_289 : i32
      %dma_wait3A_291 = arith.constant 0 : i32
      %dma_wait3A_292 = tpu.memref_slice %arg7[%add3A_290, %dma_wait3A_291] : memref<80x128xi32, #tpu.memory_space<vmem>> -> memref<1x128xi32, #tpu.memory_space<vmem>>
      %dma_wait3A_293 = tpu.memref_squeeze %dma_wait3A_292 : memref<1x128xi32, #tpu.memory_space<vmem>> -> memref<128xi32, #tpu.memory_space<vmem>>
      %dma_wait3A_294 = arith.constant 0 : i32
      %dma_wait3A_295 = arith.constant 0 : i32
      %dma_wait3A_296 = tpu.memref_slice %arg2[%dma_wait3A_294, %dma_wait3A_295] : memref<20480x64xf32, #tpu.memory_space<hbm>> -> memref<20480x64xf32, #tpu.memory_space<hbm>>
      tpu.wait_indirect_dma semaphore(%arg19 : memref<!tpu.dma_semaphore, #tpu.memory_space<semaphore_mem>>) src(%dma_wait3A_296 : memref<20480x64xf32, #tpu.memory_space<hbm>>) dst(%arg11 : memref<128x64xf32, #tpu.memory_space<vmem>>)
      %add3A_297 = arith.constant 2 : i32
      %add3A_298 = arith.addi %add3A_256, %add3A_297 : i32
      %dma_start3A_299 = arith.constant 0 : i32
      %dma_start3A_300 = tpu.memref_slice %arg8[%add3A_298, %dma_start3A_299] : memref<80x128xi32, #tpu.memory_space<vmem>> -> memref<1x128xi32, #tpu.memory_space<vmem>>
      %dma_start3A_301 = tpu.memref_squeeze %dma_start3A_300 : memref<1x128xi32, #tpu.memory_space<vmem>> -> memref<128xi32, #tpu.memory_space<vmem>>
      %dma_start3A_302 = arith.constant 0 : i32
      %dma_start3A_303 = arith.constant 0 : i32
      %dma_start3A_304 = tpu.memref_slice %arg33[%dma_start3A_302, %dma_start3A_303] : memref<10240x64xf32, #tpu.memory_space<vmem_shared>> -> memref<10240x64xf32, #tpu.memory_space<vmem_shared>>
      tpu.enqueue_indirect_dma source(%arg11 : memref<128x64xf32, #tpu.memory_space<vmem>>) target(%dma_start3A_304 : memref<10240x64xf32, #tpu.memory_space<vmem_shared>>) offsets(%dma_start3A_301 : memref<128xi32, #tpu.memory_space<vmem>>) semaphore(%arg27 : memref<!tpu.dma_semaphore, #tpu.memory_space<semaphore_mem>>) {add = true}
      %add3A_305 = arith.constant 3 : i32
      %add3A_306 = arith.addi %add3A_256, %add3A_305 : i32
      %dma_wait3A_307 = arith.constant 0 : i32
      %dma_wait3A_308 = tpu.memref_slice %arg7[%add3A_306, %dma_wait3A_307] : memref<80x128xi32, #tpu.memory_space<vmem>> -> memref<1x128xi32, #tpu.memory_space<vmem>>
      %dma_wait3A_309 = tpu.memref_squeeze %dma_wait3A_308 : memref<1x128xi32, #tpu.memory_space<vmem>> -> memref<128xi32, #tpu.memory_space<vmem>>
      %dma_wait3A_310 = arith.constant 0 : i32
      %dma_wait3A_311 = arith.constant 0 : i32
      %dma_wait3A_312 = tpu.memref_slice %arg2[%dma_wait3A_310, %dma_wait3A_311] : memref<20480x64xf32, #tpu.memory_space<hbm>> -> memref<20480x64xf32, #tpu.memory_space<hbm>>
      tpu.wait_indirect_dma semaphore(%arg20 : memref<!tpu.dma_semaphore, #tpu.memory_space<semaphore_mem>>) src(%dma_wait3A_312 : memref<20480x64xf32, #tpu.memory_space<hbm>>) dst(%arg12 : memref<128x64xf32, #tpu.memory_space<vmem>>)
      %add3A_313 = arith.constant 3 : i32
      %add3A_314 = arith.addi %add3A_256, %add3A_313 : i32
      %dma_start3A_315 = arith.constant 0 : i32
      %dma_start3A_316 = tpu.memref_slice %arg8[%add3A_314, %dma_start3A_315] : memref<80x128xi32, #tpu.memory_space<vmem>> -> memref<1x128xi32, #tpu.memory_space<vmem>>
      %dma_start3A_317 = tpu.memref_squeeze %dma_start3A_316 : memref<1x128xi32, #tpu.memory_space<vmem>> -> memref<128xi32, #tpu.memory_space<vmem>>
      %dma_start3A_318 = arith.constant 0 : i32
      %dma_start3A_319 = arith.constant 0 : i32
      %dma_start3A_320 = tpu.memref_slice %arg33[%dma_start3A_318, %dma_start3A_319] : memref<10240x64xf32, #tpu.memory_space<vmem_shared>> -> memref<10240x64xf32, #tpu.memory_space<vmem_shared>>
      tpu.enqueue_indirect_dma source(%arg12 : memref<128x64xf32, #tpu.memory_space<vmem>>) target(%dma_start3A_320 : memref<10240x64xf32, #tpu.memory_space<vmem_shared>>) offsets(%dma_start3A_317 : memref<128xi32, #tpu.memory_space<vmem>>) semaphore(%arg28 : memref<!tpu.dma_semaphore, #tpu.memory_space<semaphore_mem>>) {add = true}
      %add3A_321 = arith.constant 4 : i32
      %add3A_322 = arith.addi %add3A_256, %add3A_321 : i32
      %dma_wait3A_323 = arith.constant 0 : i32
      %dma_wait3A_324 = tpu.memref_slice %arg7[%add3A_322, %dma_wait3A_323] : memref<80x128xi32, #tpu.memory_space<vmem>> -> memref<1x128xi32, #tpu.memory_space<vmem>>
      %dma_wait3A_325 = tpu.memref_squeeze %dma_wait3A_324 : memref<1x128xi32, #tpu.memory_space<vmem>> -> memref<128xi32, #tpu.memory_space<vmem>>
      %dma_wait3A_326 = arith.constant 0 : i32
      %dma_wait3A_327 = arith.constant 0 : i32
      %dma_wait3A_328 = tpu.memref_slice %arg2[%dma_wait3A_326, %dma_wait3A_327] : memref<20480x64xf32, #tpu.memory_space<hbm>> -> memref<20480x64xf32, #tpu.memory_space<hbm>>
      tpu.wait_indirect_dma semaphore(%arg21 : memref<!tpu.dma_semaphore, #tpu.memory_space<semaphore_mem>>) src(%dma_wait3A_328 : memref<20480x64xf32, #tpu.memory_space<hbm>>) dst(%arg13 : memref<128x64xf32, #tpu.memory_space<vmem>>)
      %add3A_329 = arith.constant 4 : i32
      %add3A_330 = arith.addi %add3A_256, %add3A_329 : i32
      %dma_start3A_331 = arith.constant 0 : i32
      %dma_start3A_332 = tpu.memref_slice %arg8[%add3A_330, %dma_start3A_331] : memref<80x128xi32, #tpu.memory_space<vmem>> -> memref<1x128xi32, #tpu.memory_space<vmem>>
      %dma_start3A_333 = tpu.memref_squeeze %dma_start3A_332 : memref<1x128xi32, #tpu.memory_space<vmem>> -> memref<128xi32, #tpu.memory_space<vmem>>
      %dma_start3A_334 = arith.constant 0 : i32
      %dma_start3A_335 = arith.constant 0 : i32
      %dma_start3A_336 = tpu.memref_slice %arg33[%dma_start3A_334, %dma_start3A_335] : memref<10240x64xf32, #tpu.memory_space<vmem_shared>> -> memref<10240x64xf32, #tpu.memory_space<vmem_shared>>
      tpu.enqueue_indirect_dma source(%arg13 : memref<128x64xf32, #tpu.memory_space<vmem>>) target(%dma_start3A_336 : memref<10240x64xf32, #tpu.memory_space<vmem_shared>>) offsets(%dma_start3A_333 : memref<128xi32, #tpu.memory_space<vmem>>) semaphore(%arg29 : memref<!tpu.dma_semaphore, #tpu.memory_space<semaphore_mem>>) {add = true}
      %add3A_337 = arith.constant 5 : i32
      %add3A_338 = arith.addi %add3A_256, %add3A_337 : i32
      %dma_wait3A_339 = arith.constant 0 : i32
      %dma_wait3A_340 = tpu.memref_slice %arg7[%add3A_338, %dma_wait3A_339] : memref<80x128xi32, #tpu.memory_space<vmem>> -> memref<1x128xi32, #tpu.memory_space<vmem>>
      %dma_wait3A_341 = tpu.memref_squeeze %dma_wait3A_340 : memref<1x128xi32, #tpu.memory_space<vmem>> -> memref<128xi32, #tpu.memory_space<vmem>>
      %dma_wait3A_342 = arith.constant 0 : i32
      %dma_wait3A_343 = arith.constant 0 : i32
      %dma_wait3A_344 = tpu.memref_slice %arg2[%dma_wait3A_342, %dma_wait3A_343] : memref<20480x64xf32, #tpu.memory_space<hbm>> -> memref<20480x64xf32, #tpu.memory_space<hbm>>
      tpu.wait_indirect_dma semaphore(%arg22 : memref<!tpu.dma_semaphore, #tpu.memory_space<semaphore_mem>>) src(%dma_wait3A_344 : memref<20480x64xf32, #tpu.memory_space<hbm>>) dst(%arg14 : memref<128x64xf32, #tpu.memory_space<vmem>>)
      %add3A_345 = arith.constant 5 : i32
      %add3A_346 = arith.addi %add3A_256, %add3A_345 : i32
      %dma_start3A_347 = arith.constant 0 : i32
      %dma_start3A_348 = tpu.memref_slice %arg8[%add3A_346, %dma_start3A_347] : memref<80x128xi32, #tpu.memory_space<vmem>> -> memref<1x128xi32, #tpu.memory_space<vmem>>
      %dma_start3A_349 = tpu.memref_squeeze %dma_start3A_348 : memref<1x128xi32, #tpu.memory_space<vmem>> -> memref<128xi32, #tpu.memory_space<vmem>>
      %dma_start3A_350 = arith.constant 0 : i32
      %dma_start3A_351 = arith.constant 0 : i32
      %dma_start3A_352 = tpu.memref_slice %arg33[%dma_start3A_350, %dma_start3A_351] : memref<10240x64xf32, #tpu.memory_space<vmem_shared>> -> memref<10240x64xf32, #tpu.memory_space<vmem_shared>>
      tpu.enqueue_indirect_dma source(%arg14 : memref<128x64xf32, #tpu.memory_space<vmem>>) target(%dma_start3A_352 : memref<10240x64xf32, #tpu.memory_space<vmem_shared>>) offsets(%dma_start3A_349 : memref<128xi32, #tpu.memory_space<vmem>>) semaphore(%arg30 : memref<!tpu.dma_semaphore, #tpu.memory_space<semaphore_mem>>) {add = true}
      %add3A_353 = arith.constant 6 : i32
      %add3A_354 = arith.addi %add3A_256, %add3A_353 : i32
      %dma_wait3A_355 = arith.constant 0 : i32
      %dma_wait3A_356 = tpu.memref_slice %arg7[%add3A_354, %dma_wait3A_355] : memref<80x128xi32, #tpu.memory_space<vmem>> -> memref<1x128xi32, #tpu.memory_space<vmem>>
      %dma_wait3A_357 = tpu.memref_squeeze %dma_wait3A_356 : memref<1x128xi32, #tpu.memory_space<vmem>> -> memref<128xi32, #tpu.memory_space<vmem>>
      %dma_wait3A_358 = arith.constant 0 : i32
      %dma_wait3A_359 = arith.constant 0 : i32
      %dma_wait3A_360 = tpu.memref_slice %arg2[%dma_wait3A_358, %dma_wait3A_359] : memref<20480x64xf32, #tpu.memory_space<hbm>> -> memref<20480x64xf32, #tpu.memory_space<hbm>>
      tpu.wait_indirect_dma semaphore(%arg23 : memref<!tpu.dma_semaphore, #tpu.memory_space<semaphore_mem>>) src(%dma_wait3A_360 : memref<20480x64xf32, #tpu.memory_space<hbm>>) dst(%arg15 : memref<128x64xf32, #tpu.memory_space<vmem>>)
      %add3A_361 = arith.constant 6 : i32
      %add3A_362 = arith.addi %add3A_256, %add3A_361 : i32
      %dma_start3A_363 = arith.constant 0 : i32
      %dma_start3A_364 = tpu.memref_slice %arg8[%add3A_362, %dma_start3A_363] : memref<80x128xi32, #tpu.memory_space<vmem>> -> memref<1x128xi32, #tpu.memory_space<vmem>>
      %dma_start3A_365 = tpu.memref_squeeze %dma_start3A_364 : memref<1x128xi32, #tpu.memory_space<vmem>> -> memref<128xi32, #tpu.memory_space<vmem>>
      %dma_start3A_366 = arith.constant 0 : i32
      %dma_start3A_367 = arith.constant 0 : i32
      %dma_start3A_368 = tpu.memref_slice %arg33[%dma_start3A_366, %dma_start3A_367] : memref<10240x64xf32, #tpu.memory_space<vmem_shared>> -> memref<10240x64xf32, #tpu.memory_space<vmem_shared>>
      tpu.enqueue_indirect_dma source(%arg15 : memref<128x64xf32, #tpu.memory_space<vmem>>) target(%dma_start3A_368 : memref<10240x64xf32, #tpu.memory_space<vmem_shared>>) offsets(%dma_start3A_365 : memref<128xi32, #tpu.memory_space<vmem>>) semaphore(%arg31 : memref<!tpu.dma_semaphore, #tpu.memory_space<semaphore_mem>>) {add = true}
      %add3A_369 = arith.constant 7 : i32
      %add3A_370 = arith.addi %add3A_256, %add3A_369 : i32
      %dma_wait3A_371 = arith.constant 0 : i32
      %dma_wait3A_372 = tpu.memref_slice %arg7[%add3A_370, %dma_wait3A_371] : memref<80x128xi32, #tpu.memory_space<vmem>> -> memref<1x128xi32, #tpu.memory_space<vmem>>
      %dma_wait3A_373 = tpu.memref_squeeze %dma_wait3A_372 : memref<1x128xi32, #tpu.memory_space<vmem>> -> memref<128xi32, #tpu.memory_space<vmem>>
      %dma_wait3A_374 = arith.constant 0 : i32
      %dma_wait3A_375 = arith.constant 0 : i32
      %dma_wait3A_376 = tpu.memref_slice %arg2[%dma_wait3A_374, %dma_wait3A_375] : memref<20480x64xf32, #tpu.memory_space<hbm>> -> memref<20480x64xf32, #tpu.memory_space<hbm>>
      tpu.wait_indirect_dma semaphore(%arg24 : memref<!tpu.dma_semaphore, #tpu.memory_space<semaphore_mem>>) src(%dma_wait3A_376 : memref<20480x64xf32, #tpu.memory_space<hbm>>) dst(%arg16 : memref<128x64xf32, #tpu.memory_space<vmem>>)
      %add3A_377 = arith.constant 7 : i32
      %add3A_378 = arith.addi %add3A_256, %add3A_377 : i32
      %dma_start3A_379 = arith.constant 0 : i32
      %dma_start3A_380 = tpu.memref_slice %arg8[%add3A_378, %dma_start3A_379] : memref<80x128xi32, #tpu.memory_space<vmem>> -> memref<1x128xi32, #tpu.memory_space<vmem>>
      %dma_start3A_381 = tpu.memref_squeeze %dma_start3A_380 : memref<1x128xi32, #tpu.memory_space<vmem>> -> memref<128xi32, #tpu.memory_space<vmem>>
      %dma_start3A_382 = arith.constant 0 : i32
      %dma_start3A_383 = arith.constant 0 : i32
      %dma_start3A_384 = tpu.memref_slice %arg33[%dma_start3A_382, %dma_start3A_383] : memref<10240x64xf32, #tpu.memory_space<vmem_shared>> -> memref<10240x64xf32, #tpu.memory_space<vmem_shared>>
      tpu.enqueue_indirect_dma source(%arg16 : memref<128x64xf32, #tpu.memory_space<vmem>>) target(%dma_start3A_384 : memref<10240x64xf32, #tpu.memory_space<vmem_shared>>) offsets(%dma_start3A_381 : memref<128xi32, #tpu.memory_space<vmem>>) semaphore(%arg32 : memref<!tpu.dma_semaphore, #tpu.memory_space<semaphore_mem>>) {add = true}
      %add3A_385 = arith.constant 8 : i32
      %add3A_386 = arith.addi %add3A_256, %add3A_385 : i32
      %add3A_387 = arith.constant 0 : i32
      %add3A_388 = arith.addi %add3A_386, %add3A_387 : i32
      %lt3A = arith.constant 80 : i32
      %lt3A_389 = arith.cmpi slt, %add3A_388, %lt3A : i32
      %convert_element_type3A = arith.extui %lt3A_389 : i1 to i32
      %cond3A = arith.constant 0 : i32
      %cond3A_390 = arith.cmpi ne, %convert_element_type3A, %cond3A : i32
      scf.if %cond3A_390 {
        %add3A_454 = arith.constant 0 : i32
        %add3A_455 = arith.addi %add3A_256, %add3A_454 : i32
        %dma_wait3A_456 = arith.constant 0 : i32
        %dma_wait3A_457 = tpu.memref_slice %arg8[%add3A_455, %dma_wait3A_456] : memref<80x128xi32, #tpu.memory_space<vmem>> -> memref<1x128xi32, #tpu.memory_space<vmem>>
        %dma_wait3A_458 = tpu.memref_squeeze %dma_wait3A_457 : memref<1x128xi32, #tpu.memory_space<vmem>> -> memref<128xi32, #tpu.memory_space<vmem>>
        %dma_wait3A_459 = arith.constant 0 : i32
        %dma_wait3A_460 = arith.constant 0 : i32
        %dma_wait3A_461 = tpu.memref_slice %arg33[%dma_wait3A_459, %dma_wait3A_460] : memref<10240x64xf32, #tpu.memory_space<vmem_shared>> -> memref<10240x64xf32, #tpu.memory_space<vmem_shared>>
        tpu.wait_indirect_dma semaphore(%arg25 : memref<!tpu.dma_semaphore, #tpu.memory_space<semaphore_mem>>) src(%arg9 : memref<128x64xf32, #tpu.memory_space<vmem>>) dst(%dma_wait3A_461 : memref<10240x64xf32, #tpu.memory_space<vmem_shared>>)
        %dma_start3A_462 = arith.constant 0 : i32
        %dma_start3A_463 = tpu.memref_slice %arg7[%add3A_388, %dma_start3A_462] : memref<80x128xi32, #tpu.memory_space<vmem>> -> memref<1x128xi32, #tpu.memory_space<vmem>>
        %dma_start3A_464 = tpu.memref_squeeze %dma_start3A_463 : memref<1x128xi32, #tpu.memory_space<vmem>> -> memref<128xi32, #tpu.memory_space<vmem>>
        %dma_start3A_465 = arith.constant 0 : i32
        %dma_start3A_466 = arith.constant 0 : i32
        %dma_start3A_467 = tpu.memref_slice %arg2[%dma_start3A_465, %dma_start3A_466] : memref<20480x64xf32, #tpu.memory_space<hbm>> -> memref<20480x64xf32, #tpu.memory_space<hbm>>
        tpu.enqueue_indirect_dma source(%dma_start3A_467 : memref<20480x64xf32, #tpu.memory_space<hbm>>) target(%arg9 : memref<128x64xf32, #tpu.memory_space<vmem>>) offsets(%dma_start3A_464 : memref<128xi32, #tpu.memory_space<vmem>>) semaphore(%arg17 : memref<!tpu.dma_semaphore, #tpu.memory_space<semaphore_mem>>)
      } else {
      }
      %add3A_391 = arith.constant 8 : i32
      %add3A_392 = arith.addi %add3A_256, %add3A_391 : i32
      %add3A_393 = arith.constant 1 : i32
      %add3A_394 = arith.addi %add3A_392, %add3A_393 : i32
      %lt3A_395 = arith.constant 80 : i32
      %lt3A_396 = arith.cmpi slt, %add3A_394, %lt3A_395 : i32
      %convert_element_type3A_397 = arith.extui %lt3A_396 : i1 to i32
      %cond3A_398 = arith.constant 0 : i32
      %cond3A_399 = arith.cmpi ne, %convert_element_type3A_397, %cond3A_398 : i32
      scf.if %cond3A_399 {
        %add3A_454 = arith.constant 1 : i32
        %add3A_455 = arith.addi %add3A_256, %add3A_454 : i32
        %dma_wait3A_456 = arith.constant 0 : i32
        %dma_wait3A_457 = tpu.memref_slice %arg8[%add3A_455, %dma_wait3A_456] : memref<80x128xi32, #tpu.memory_space<vmem>> -> memref<1x128xi32, #tpu.memory_space<vmem>>
        %dma_wait3A_458 = tpu.memref_squeeze %dma_wait3A_457 : memref<1x128xi32, #tpu.memory_space<vmem>> -> memref<128xi32, #tpu.memory_space<vmem>>
        %dma_wait3A_459 = arith.constant 0 : i32
        %dma_wait3A_460 = arith.constant 0 : i32
        %dma_wait3A_461 = tpu.memref_slice %arg33[%dma_wait3A_459, %dma_wait3A_460] : memref<10240x64xf32, #tpu.memory_space<vmem_shared>> -> memref<10240x64xf32, #tpu.memory_space<vmem_shared>>
        tpu.wait_indirect_dma semaphore(%arg26 : memref<!tpu.dma_semaphore, #tpu.memory_space<semaphore_mem>>) src(%arg10 : memref<128x64xf32, #tpu.memory_space<vmem>>) dst(%dma_wait3A_461 : memref<10240x64xf32, #tpu.memory_space<vmem_shared>>)
        %dma_start3A_462 = arith.constant 0 : i32
        %dma_start3A_463 = tpu.memref_slice %arg7[%add3A_394, %dma_start3A_462] : memref<80x128xi32, #tpu.memory_space<vmem>> -> memref<1x128xi32, #tpu.memory_space<vmem>>
        %dma_start3A_464 = tpu.memref_squeeze %dma_start3A_463 : memref<1x128xi32, #tpu.memory_space<vmem>> -> memref<128xi32, #tpu.memory_space<vmem>>
        %dma_start3A_465 = arith.constant 0 : i32
        %dma_start3A_466 = arith.constant 0 : i32
        %dma_start3A_467 = tpu.memref_slice %arg2[%dma_start3A_465, %dma_start3A_466] : memref<20480x64xf32, #tpu.memory_space<hbm>> -> memref<20480x64xf32, #tpu.memory_space<hbm>>
        tpu.enqueue_indirect_dma source(%dma_start3A_467 : memref<20480x64xf32, #tpu.memory_space<hbm>>) target(%arg10 : memref<128x64xf32, #tpu.memory_space<vmem>>) offsets(%dma_start3A_464 : memref<128xi32, #tpu.memory_space<vmem>>) semaphore(%arg18 : memref<!tpu.dma_semaphore, #tpu.memory_space<semaphore_mem>>)
      } else {
      }
      %add3A_400 = arith.constant 8 : i32
      %add3A_401 = arith.addi %add3A_256, %add3A_400 : i32
      %add3A_402 = arith.constant 2 : i32
      %add3A_403 = arith.addi %add3A_401, %add3A_402 : i32
      %lt3A_404 = arith.constant 80 : i32
      %lt3A_405 = arith.cmpi slt, %add3A_403, %lt3A_404 : i32
      %convert_element_type3A_406 = arith.extui %lt3A_405 : i1 to i32
      %cond3A_407 = arith.constant 0 : i32
      %cond3A_408 = arith.cmpi ne, %convert_element_type3A_406, %cond3A_407 : i32
      scf.if %cond3A_408 {
        %add3A_454 = arith.constant 2 : i32
        %add3A_455 = arith.addi %add3A_256, %add3A_454 : i32
        %dma_wait3A_456 = arith.constant 0 : i32
        %dma_wait3A_457 = tpu.memref_slice %arg8[%add3A_455, %dma_wait3A_456] : memref<80x128xi32, #tpu.memory_space<vmem>> -> memref<1x128xi32, #tpu.memory_space<vmem>>
        %dma_wait3A_458 = tpu.memref_squeeze %dma_wait3A_457 : memref<1x128xi32, #tpu.memory_space<vmem>> -> memref<128xi32, #tpu.memory_space<vmem>>
        %dma_wait3A_459 = arith.constant 0 : i32
        %dma_wait3A_460 = arith.constant 0 : i32
        %dma_wait3A_461 = tpu.memref_slice %arg33[%dma_wait3A_459, %dma_wait3A_460] : memref<10240x64xf32, #tpu.memory_space<vmem_shared>> -> memref<10240x64xf32, #tpu.memory_space<vmem_shared>>
        tpu.wait_indirect_dma semaphore(%arg27 : memref<!tpu.dma_semaphore, #tpu.memory_space<semaphore_mem>>) src(%arg11 : memref<128x64xf32, #tpu.memory_space<vmem>>) dst(%dma_wait3A_461 : memref<10240x64xf32, #tpu.memory_space<vmem_shared>>)
        %dma_start3A_462 = arith.constant 0 : i32
        %dma_start3A_463 = tpu.memref_slice %arg7[%add3A_403, %dma_start3A_462] : memref<80x128xi32, #tpu.memory_space<vmem>> -> memref<1x128xi32, #tpu.memory_space<vmem>>
        %dma_start3A_464 = tpu.memref_squeeze %dma_start3A_463 : memref<1x128xi32, #tpu.memory_space<vmem>> -> memref<128xi32, #tpu.memory_space<vmem>>
        %dma_start3A_465 = arith.constant 0 : i32
        %dma_start3A_466 = arith.constant 0 : i32
        %dma_start3A_467 = tpu.memref_slice %arg2[%dma_start3A_465, %dma_start3A_466] : memref<20480x64xf32, #tpu.memory_space<hbm>> -> memref<20480x64xf32, #tpu.memory_space<hbm>>
        tpu.enqueue_indirect_dma source(%dma_start3A_467 : memref<20480x64xf32, #tpu.memory_space<hbm>>) target(%arg11 : memref<128x64xf32, #tpu.memory_space<vmem>>) offsets(%dma_start3A_464 : memref<128xi32, #tpu.memory_space<vmem>>) semaphore(%arg19 : memref<!tpu.dma_semaphore, #tpu.memory_space<semaphore_mem>>)
      } else {
      }
      %add3A_409 = arith.constant 8 : i32
      %add3A_410 = arith.addi %add3A_256, %add3A_409 : i32
      %add3A_411 = arith.constant 3 : i32
      %add3A_412 = arith.addi %add3A_410, %add3A_411 : i32
      %lt3A_413 = arith.constant 80 : i32
      %lt3A_414 = arith.cmpi slt, %add3A_412, %lt3A_413 : i32
      %convert_element_type3A_415 = arith.extui %lt3A_414 : i1 to i32
      %cond3A_416 = arith.constant 0 : i32
      %cond3A_417 = arith.cmpi ne, %convert_element_type3A_415, %cond3A_416 : i32
      scf.if %cond3A_417 {
        %add3A_454 = arith.constant 3 : i32
        %add3A_455 = arith.addi %add3A_256, %add3A_454 : i32
        %dma_wait3A_456 = arith.constant 0 : i32
        %dma_wait3A_457 = tpu.memref_slice %arg8[%add3A_455, %dma_wait3A_456] : memref<80x128xi32, #tpu.memory_space<vmem>> -> memref<1x128xi32, #tpu.memory_space<vmem>>
        %dma_wait3A_458 = tpu.memref_squeeze %dma_wait3A_457 : memref<1x128xi32, #tpu.memory_space<vmem>> -> memref<128xi32, #tpu.memory_space<vmem>>
        %dma_wait3A_459 = arith.constant 0 : i32
        %dma_wait3A_460 = arith.constant 0 : i32
        %dma_wait3A_461 = tpu.memref_slice %arg33[%dma_wait3A_459, %dma_wait3A_460] : memref<10240x64xf32, #tpu.memory_space<vmem_shared>> -> memref<10240x64xf32, #tpu.memory_space<vmem_shared>>
        tpu.wait_indirect_dma semaphore(%arg28 : memref<!tpu.dma_semaphore, #tpu.memory_space<semaphore_mem>>) src(%arg12 : memref<128x64xf32, #tpu.memory_space<vmem>>) dst(%dma_wait3A_461 : memref<10240x64xf32, #tpu.memory_space<vmem_shared>>)
        %dma_start3A_462 = arith.constant 0 : i32
        %dma_start3A_463 = tpu.memref_slice %arg7[%add3A_412, %dma_start3A_462] : memref<80x128xi32, #tpu.memory_space<vmem>> -> memref<1x128xi32, #tpu.memory_space<vmem>>
        %dma_start3A_464 = tpu.memref_squeeze %dma_start3A_463 : memref<1x128xi32, #tpu.memory_space<vmem>> -> memref<128xi32, #tpu.memory_space<vmem>>
        %dma_start3A_465 = arith.constant 0 : i32
        %dma_start3A_466 = arith.constant 0 : i32
        %dma_start3A_467 = tpu.memref_slice %arg2[%dma_start3A_465, %dma_start3A_466] : memref<20480x64xf32, #tpu.memory_space<hbm>> -> memref<20480x64xf32, #tpu.memory_space<hbm>>
        tpu.enqueue_indirect_dma source(%dma_start3A_467 : memref<20480x64xf32, #tpu.memory_space<hbm>>) target(%arg12 : memref<128x64xf32, #tpu.memory_space<vmem>>) offsets(%dma_start3A_464 : memref<128xi32, #tpu.memory_space<vmem>>) semaphore(%arg20 : memref<!tpu.dma_semaphore, #tpu.memory_space<semaphore_mem>>)
      } else {
      }
      %add3A_418 = arith.constant 8 : i32
      %add3A_419 = arith.addi %add3A_256, %add3A_418 : i32
      %add3A_420 = arith.constant 4 : i32
      %add3A_421 = arith.addi %add3A_419, %add3A_420 : i32
      %lt3A_422 = arith.constant 80 : i32
      %lt3A_423 = arith.cmpi slt, %add3A_421, %lt3A_422 : i32
      %convert_element_type3A_424 = arith.extui %lt3A_423 : i1 to i32
      %cond3A_425 = arith.constant 0 : i32
      %cond3A_426 = arith.cmpi ne, %convert_element_type3A_424, %cond3A_425 : i32
      scf.if %cond3A_426 {
        %add3A_454 = arith.constant 4 : i32
        %add3A_455 = arith.addi %add3A_256, %add3A_454 : i32
        %dma_wait3A_456 = arith.constant 0 : i32
        %dma_wait3A_457 = tpu.memref_slice %arg8[%add3A_455, %dma_wait3A_456] : memref<80x128xi32, #tpu.memory_space<vmem>> -> memref<1x128xi32, #tpu.memory_space<vmem>>
        %dma_wait3A_458 = tpu.memref_squeeze %dma_wait3A_457 : memref<1x128xi32, #tpu.memory_space<vmem>> -> memref<128xi32, #tpu.memory_space<vmem>>
        %dma_wait3A_459 = arith.constant 0 : i32
        %dma_wait3A_460 = arith.constant 0 : i32
        %dma_wait3A_461 = tpu.memref_slice %arg33[%dma_wait3A_459, %dma_wait3A_460] : memref<10240x64xf32, #tpu.memory_space<vmem_shared>> -> memref<10240x64xf32, #tpu.memory_space<vmem_shared>>
        tpu.wait_indirect_dma semaphore(%arg29 : memref<!tpu.dma_semaphore, #tpu.memory_space<semaphore_mem>>) src(%arg13 : memref<128x64xf32, #tpu.memory_space<vmem>>) dst(%dma_wait3A_461 : memref<10240x64xf32, #tpu.memory_space<vmem_shared>>)
        %dma_start3A_462 = arith.constant 0 : i32
        %dma_start3A_463 = tpu.memref_slice %arg7[%add3A_421, %dma_start3A_462] : memref<80x128xi32, #tpu.memory_space<vmem>> -> memref<1x128xi32, #tpu.memory_space<vmem>>
        %dma_start3A_464 = tpu.memref_squeeze %dma_start3A_463 : memref<1x128xi32, #tpu.memory_space<vmem>> -> memref<128xi32, #tpu.memory_space<vmem>>
        %dma_start3A_465 = arith.constant 0 : i32
        %dma_start3A_466 = arith.constant 0 : i32
        %dma_start3A_467 = tpu.memref_slice %arg2[%dma_start3A_465, %dma_start3A_466] : memref<20480x64xf32, #tpu.memory_space<hbm>> -> memref<20480x64xf32, #tpu.memory_space<hbm>>
        tpu.enqueue_indirect_dma source(%dma_start3A_467 : memref<20480x64xf32, #tpu.memory_space<hbm>>) target(%arg13 : memref<128x64xf32, #tpu.memory_space<vmem>>) offsets(%dma_start3A_464 : memref<128xi32, #tpu.memory_space<vmem>>) semaphore(%arg21 : memref<!tpu.dma_semaphore, #tpu.memory_space<semaphore_mem>>)
      } else {
      }
      %add3A_427 = arith.constant 8 : i32
      %add3A_428 = arith.addi %add3A_256, %add3A_427 : i32
      %add3A_429 = arith.constant 5 : i32
      %add3A_430 = arith.addi %add3A_428, %add3A_429 : i32
      %lt3A_431 = arith.constant 80 : i32
      %lt3A_432 = arith.cmpi slt, %add3A_430, %lt3A_431 : i32
      %convert_element_type3A_433 = arith.extui %lt3A_432 : i1 to i32
      %cond3A_434 = arith.constant 0 : i32
      %cond3A_435 = arith.cmpi ne, %convert_element_type3A_433, %cond3A_434 : i32
      scf.if %cond3A_435 {
        %add3A_454 = arith.constant 5 : i32
        %add3A_455 = arith.addi %add3A_256, %add3A_454 : i32
        %dma_wait3A_456 = arith.constant 0 : i32
        %dma_wait3A_457 = tpu.memref_slice %arg8[%add3A_455, %dma_wait3A_456] : memref<80x128xi32, #tpu.memory_space<vmem>> -> memref<1x128xi32, #tpu.memory_space<vmem>>
        %dma_wait3A_458 = tpu.memref_squeeze %dma_wait3A_457 : memref<1x128xi32, #tpu.memory_space<vmem>> -> memref<128xi32, #tpu.memory_space<vmem>>
        %dma_wait3A_459 = arith.constant 0 : i32
        %dma_wait3A_460 = arith.constant 0 : i32
        %dma_wait3A_461 = tpu.memref_slice %arg33[%dma_wait3A_459, %dma_wait3A_460] : memref<10240x64xf32, #tpu.memory_space<vmem_shared>> -> memref<10240x64xf32, #tpu.memory_space<vmem_shared>>
        tpu.wait_indirect_dma semaphore(%arg30 : memref<!tpu.dma_semaphore, #tpu.memory_space<semaphore_mem>>) src(%arg14 : memref<128x64xf32, #tpu.memory_space<vmem>>) dst(%dma_wait3A_461 : memref<10240x64xf32, #tpu.memory_space<vmem_shared>>)
        %dma_start3A_462 = arith.constant 0 : i32
        %dma_start3A_463 = tpu.memref_slice %arg7[%add3A_430, %dma_start3A_462] : memref<80x128xi32, #tpu.memory_space<vmem>> -> memref<1x128xi32, #tpu.memory_space<vmem>>
        %dma_start3A_464 = tpu.memref_squeeze %dma_start3A_463 : memref<1x128xi32, #tpu.memory_space<vmem>> -> memref<128xi32, #tpu.memory_space<vmem>>
        %dma_start3A_465 = arith.constant 0 : i32
        %dma_start3A_466 = arith.constant 0 : i32
        %dma_start3A_467 = tpu.memref_slice %arg2[%dma_start3A_465, %dma_start3A_466] : memref<20480x64xf32, #tpu.memory_space<hbm>> -> memref<20480x64xf32, #tpu.memory_space<hbm>>
        tpu.enqueue_indirect_dma source(%dma_start3A_467 : memref<20480x64xf32, #tpu.memory_space<hbm>>) target(%arg14 : memref<128x64xf32, #tpu.memory_space<vmem>>) offsets(%dma_start3A_464 : memref<128xi32, #tpu.memory_space<vmem>>) semaphore(%arg22 : memref<!tpu.dma_semaphore, #tpu.memory_space<semaphore_mem>>)
      } else {
      }
      %add3A_436 = arith.constant 8 : i32
      %add3A_437 = arith.addi %add3A_256, %add3A_436 : i32
      %add3A_438 = arith.constant 6 : i32
      %add3A_439 = arith.addi %add3A_437, %add3A_438 : i32
      %lt3A_440 = arith.constant 80 : i32
      %lt3A_441 = arith.cmpi slt, %add3A_439, %lt3A_440 : i32
      %convert_element_type3A_442 = arith.extui %lt3A_441 : i1 to i32
      %cond3A_443 = arith.constant 0 : i32
      %cond3A_444 = arith.cmpi ne, %convert_element_type3A_442, %cond3A_443 : i32
      scf.if %cond3A_444 {
        %add3A_454 = arith.constant 6 : i32
        %add3A_455 = arith.addi %add3A_256, %add3A_454 : i32
        %dma_wait3A_456 = arith.constant 0 : i32
        %dma_wait3A_457 = tpu.memref_slice %arg8[%add3A_455, %dma_wait3A_456] : memref<80x128xi32, #tpu.memory_space<vmem>> -> memref<1x128xi32, #tpu.memory_space<vmem>>
        %dma_wait3A_458 = tpu.memref_squeeze %dma_wait3A_457 : memref<1x128xi32, #tpu.memory_space<vmem>> -> memref<128xi32, #tpu.memory_space<vmem>>
        %dma_wait3A_459 = arith.constant 0 : i32
        %dma_wait3A_460 = arith.constant 0 : i32
        %dma_wait3A_461 = tpu.memref_slice %arg33[%dma_wait3A_459, %dma_wait3A_460] : memref<10240x64xf32, #tpu.memory_space<vmem_shared>> -> memref<10240x64xf32, #tpu.memory_space<vmem_shared>>
        tpu.wait_indirect_dma semaphore(%arg31 : memref<!tpu.dma_semaphore, #tpu.memory_space<semaphore_mem>>) src(%arg15 : memref<128x64xf32, #tpu.memory_space<vmem>>) dst(%dma_wait3A_461 : memref<10240x64xf32, #tpu.memory_space<vmem_shared>>)
        %dma_start3A_462 = arith.constant 0 : i32
        %dma_start3A_463 = tpu.memref_slice %arg7[%add3A_439, %dma_start3A_462] : memref<80x128xi32, #tpu.memory_space<vmem>> -> memref<1x128xi32, #tpu.memory_space<vmem>>
        %dma_start3A_464 = tpu.memref_squeeze %dma_start3A_463 : memref<1x128xi32, #tpu.memory_space<vmem>> -> memref<128xi32, #tpu.memory_space<vmem>>
        %dma_start3A_465 = arith.constant 0 : i32
        %dma_start3A_466 = arith.constant 0 : i32
        %dma_start3A_467 = tpu.memref_slice %arg2[%dma_start3A_465, %dma_start3A_466] : memref<20480x64xf32, #tpu.memory_space<hbm>> -> memref<20480x64xf32, #tpu.memory_space<hbm>>
        tpu.enqueue_indirect_dma source(%dma_start3A_467 : memref<20480x64xf32, #tpu.memory_space<hbm>>) target(%arg15 : memref<128x64xf32, #tpu.memory_space<vmem>>) offsets(%dma_start3A_464 : memref<128xi32, #tpu.memory_space<vmem>>) semaphore(%arg23 : memref<!tpu.dma_semaphore, #tpu.memory_space<semaphore_mem>>)
      } else {
      }
      %add3A_445 = arith.constant 8 : i32
      %add3A_446 = arith.addi %add3A_256, %add3A_445 : i32
      %add3A_447 = arith.constant 7 : i32
      %add3A_448 = arith.addi %add3A_446, %add3A_447 : i32
      %lt3A_449 = arith.constant 80 : i32
      %lt3A_450 = arith.cmpi slt, %add3A_448, %lt3A_449 : i32
      %convert_element_type3A_451 = arith.extui %lt3A_450 : i1 to i32
      %cond3A_452 = arith.constant 0 : i32
      %cond3A_453 = arith.cmpi ne, %convert_element_type3A_451, %cond3A_452 : i32
      scf.if %cond3A_453 {
        %add3A_454 = arith.constant 7 : i32
        %add3A_455 = arith.addi %add3A_256, %add3A_454 : i32
        %dma_wait3A_456 = arith.constant 0 : i32
        %dma_wait3A_457 = tpu.memref_slice %arg8[%add3A_455, %dma_wait3A_456] : memref<80x128xi32, #tpu.memory_space<vmem>> -> memref<1x128xi32, #tpu.memory_space<vmem>>
        %dma_wait3A_458 = tpu.memref_squeeze %dma_wait3A_457 : memref<1x128xi32, #tpu.memory_space<vmem>> -> memref<128xi32, #tpu.memory_space<vmem>>
        %dma_wait3A_459 = arith.constant 0 : i32
        %dma_wait3A_460 = arith.constant 0 : i32
        %dma_wait3A_461 = tpu.memref_slice %arg33[%dma_wait3A_459, %dma_wait3A_460] : memref<10240x64xf32, #tpu.memory_space<vmem_shared>> -> memref<10240x64xf32, #tpu.memory_space<vmem_shared>>
        tpu.wait_indirect_dma semaphore(%arg32 : memref<!tpu.dma_semaphore, #tpu.memory_space<semaphore_mem>>) src(%arg16 : memref<128x64xf32, #tpu.memory_space<vmem>>) dst(%dma_wait3A_461 : memref<10240x64xf32, #tpu.memory_space<vmem_shared>>)
        %dma_start3A_462 = arith.constant 0 : i32
        %dma_start3A_463 = tpu.memref_slice %arg7[%add3A_448, %dma_start3A_462] : memref<80x128xi32, #tpu.memory_space<vmem>> -> memref<1x128xi32, #tpu.memory_space<vmem>>
        %dma_start3A_464 = tpu.memref_squeeze %dma_start3A_463 : memref<1x128xi32, #tpu.memory_space<vmem>> -> memref<128xi32, #tpu.memory_space<vmem>>
        %dma_start3A_465 = arith.constant 0 : i32
        %dma_start3A_466 = arith.constant 0 : i32
        %dma_start3A_467 = tpu.memref_slice %arg2[%dma_start3A_465, %dma_start3A_466] : memref<20480x64xf32, #tpu.memory_space<hbm>> -> memref<20480x64xf32, #tpu.memory_space<hbm>>
        tpu.enqueue_indirect_dma source(%dma_start3A_467 : memref<20480x64xf32, #tpu.memory_space<hbm>>) target(%arg16 : memref<128x64xf32, #tpu.memory_space<vmem>>) offsets(%dma_start3A_464 : memref<128xi32, #tpu.memory_space<vmem>>) semaphore(%arg24 : memref<!tpu.dma_semaphore, #tpu.memory_space<semaphore_mem>>)
      } else {
      }
    }
    %scan3A_69 = arith.constant 10 : i32
    %dma_wait3A = arith.constant 72 : i32
    %dma_wait3A_70 = arith.constant 0 : i32
    %dma_wait3A_71 = tpu.memref_slice %arg8[%dma_wait3A, %dma_wait3A_70] : memref<80x128xi32, #tpu.memory_space<vmem>> -> memref<1x128xi32, #tpu.memory_space<vmem>>
    %dma_wait3A_72 = tpu.memref_squeeze %dma_wait3A_71 : memref<1x128xi32, #tpu.memory_space<vmem>> -> memref<128xi32, #tpu.memory_space<vmem>>
    %dma_wait3A_73 = arith.constant 0 : i32
    %dma_wait3A_74 = arith.constant 0 : i32
    %dma_wait3A_75 = tpu.memref_slice %arg33[%dma_wait3A_73, %dma_wait3A_74] : memref<10240x64xf32, #tpu.memory_space<vmem_shared>> -> memref<10240x64xf32, #tpu.memory_space<vmem_shared>>
    tpu.wait_indirect_dma semaphore(%arg25 : memref<!tpu.dma_semaphore, #tpu.memory_space<semaphore_mem>>) src(%arg9 : memref<128x64xf32, #tpu.memory_space<vmem>>) dst(%dma_wait3A_75 : memref<10240x64xf32, #tpu.memory_space<vmem_shared>>)
    %dma_wait3A_76 = arith.constant 73 : i32
    %dma_wait3A_77 = arith.constant 0 : i32
    %dma_wait3A_78 = tpu.memref_slice %arg8[%dma_wait3A_76, %dma_wait3A_77] : memref<80x128xi32, #tpu.memory_space<vmem>> -> memref<1x128xi32, #tpu.memory_space<vmem>>
    %dma_wait3A_79 = tpu.memref_squeeze %dma_wait3A_78 : memref<1x128xi32, #tpu.memory_space<vmem>> -> memref<128xi32, #tpu.memory_space<vmem>>
    %dma_wait3A_80 = arith.constant 0 : i32
    %dma_wait3A_81 = arith.constant 0 : i32
    %dma_wait3A_82 = tpu.memref_slice %arg33[%dma_wait3A_80, %dma_wait3A_81] : memref<10240x64xf32, #tpu.memory_space<vmem_shared>> -> memref<10240x64xf32, #tpu.memory_space<vmem_shared>>
    tpu.wait_indirect_dma semaphore(%arg26 : memref<!tpu.dma_semaphore, #tpu.memory_space<semaphore_mem>>) src(%arg10 : memref<128x64xf32, #tpu.memory_space<vmem>>) dst(%dma_wait3A_82 : memref<10240x64xf32, #tpu.memory_space<vmem_shared>>)
    %dma_wait3A_83 = arith.constant 74 : i32
    %dma_wait3A_84 = arith.constant 0 : i32
    %dma_wait3A_85 = tpu.memref_slice %arg8[%dma_wait3A_83, %dma_wait3A_84] : memref<80x128xi32, #tpu.memory_space<vmem>> -> memref<1x128xi32, #tpu.memory_space<vmem>>
    %dma_wait3A_86 = tpu.memref_squeeze %dma_wait3A_85 : memref<1x128xi32, #tpu.memory_space<vmem>> -> memref<128xi32, #tpu.memory_space<vmem>>
    %dma_wait3A_87 = arith.constant 0 : i32
    %dma_wait3A_88 = arith.constant 0 : i32
    %dma_wait3A_89 = tpu.memref_slice %arg33[%dma_wait3A_87, %dma_wait3A_88] : memref<10240x64xf32, #tpu.memory_space<vmem_shared>> -> memref<10240x64xf32, #tpu.memory_space<vmem_shared>>
    tpu.wait_indirect_dma semaphore(%arg27 : memref<!tpu.dma_semaphore, #tpu.memory_space<semaphore_mem>>) src(%arg11 : memref<128x64xf32, #tpu.memory_space<vmem>>) dst(%dma_wait3A_89 : memref<10240x64xf32, #tpu.memory_space<vmem_shared>>)
    %dma_wait3A_90 = arith.constant 75 : i32
    %dma_wait3A_91 = arith.constant 0 : i32
    %dma_wait3A_92 = tpu.memref_slice %arg8[%dma_wait3A_90, %dma_wait3A_91] : memref<80x128xi32, #tpu.memory_space<vmem>> -> memref<1x128xi32, #tpu.memory_space<vmem>>
    %dma_wait3A_93 = tpu.memref_squeeze %dma_wait3A_92 : memref<1x128xi32, #tpu.memory_space<vmem>> -> memref<128xi32, #tpu.memory_space<vmem>>
    %dma_wait3A_94 = arith.constant 0 : i32
    %dma_wait3A_95 = arith.constant 0 : i32
    %dma_wait3A_96 = tpu.memref_slice %arg33[%dma_wait3A_94, %dma_wait3A_95] : memref<10240x64xf32, #tpu.memory_space<vmem_shared>> -> memref<10240x64xf32, #tpu.memory_space<vmem_shared>>
    tpu.wait_indirect_dma semaphore(%arg28 : memref<!tpu.dma_semaphore, #tpu.memory_space<semaphore_mem>>) src(%arg12 : memref<128x64xf32, #tpu.memory_space<vmem>>) dst(%dma_wait3A_96 : memref<10240x64xf32, #tpu.memory_space<vmem_shared>>)
    %dma_wait3A_97 = arith.constant 76 : i32
    %dma_wait3A_98 = arith.constant 0 : i32
    %dma_wait3A_99 = tpu.memref_slice %arg8[%dma_wait3A_97, %dma_wait3A_98] : memref<80x128xi32, #tpu.memory_space<vmem>> -> memref<1x128xi32, #tpu.memory_space<vmem>>
    %dma_wait3A_100 = tpu.memref_squeeze %dma_wait3A_99 : memref<1x128xi32, #tpu.memory_space<vmem>> -> memref<128xi32, #tpu.memory_space<vmem>>
    %dma_wait3A_101 = arith.constant 0 : i32
    %dma_wait3A_102 = arith.constant 0 : i32
    %dma_wait3A_103 = tpu.memref_slice %arg33[%dma_wait3A_101, %dma_wait3A_102] : memref<10240x64xf32, #tpu.memory_space<vmem_shared>> -> memref<10240x64xf32, #tpu.memory_space<vmem_shared>>
    tpu.wait_indirect_dma semaphore(%arg29 : memref<!tpu.dma_semaphore, #tpu.memory_space<semaphore_mem>>) src(%arg13 : memref<128x64xf32, #tpu.memory_space<vmem>>) dst(%dma_wait3A_103 : memref<10240x64xf32, #tpu.memory_space<vmem_shared>>)
    %dma_wait3A_104 = arith.constant 77 : i32
    %dma_wait3A_105 = arith.constant 0 : i32
    %dma_wait3A_106 = tpu.memref_slice %arg8[%dma_wait3A_104, %dma_wait3A_105] : memref<80x128xi32, #tpu.memory_space<vmem>> -> memref<1x128xi32, #tpu.memory_space<vmem>>
    %dma_wait3A_107 = tpu.memref_squeeze %dma_wait3A_106 : memref<1x128xi32, #tpu.memory_space<vmem>> -> memref<128xi32, #tpu.memory_space<vmem>>
    %dma_wait3A_108 = arith.constant 0 : i32
    %dma_wait3A_109 = arith.constant 0 : i32
    %dma_wait3A_110 = tpu.memref_slice %arg33[%dma_wait3A_108, %dma_wait3A_109] : memref<10240x64xf32, #tpu.memory_space<vmem_shared>> -> memref<10240x64xf32, #tpu.memory_space<vmem_shared>>
    tpu.wait_indirect_dma semaphore(%arg30 : memref<!tpu.dma_semaphore, #tpu.memory_space<semaphore_mem>>) src(%arg14 : memref<128x64xf32, #tpu.memory_space<vmem>>) dst(%dma_wait3A_110 : memref<10240x64xf32, #tpu.memory_space<vmem_shared>>)
    %dma_wait3A_111 = arith.constant 78 : i32
    %dma_wait3A_112 = arith.constant 0 : i32
    %dma_wait3A_113 = tpu.memref_slice %arg8[%dma_wait3A_111, %dma_wait3A_112] : memref<80x128xi32, #tpu.memory_space<vmem>> -> memref<1x128xi32, #tpu.memory_space<vmem>>
    %dma_wait3A_114 = tpu.memref_squeeze %dma_wait3A_113 : memref<1x128xi32, #tpu.memory_space<vmem>> -> memref<128xi32, #tpu.memory_space<vmem>>
    %dma_wait3A_115 = arith.constant 0 : i32
    %dma_wait3A_116 = arith.constant 0 : i32
    %dma_wait3A_117 = tpu.memref_slice %arg33[%dma_wait3A_115, %dma_wait3A_116] : memref<10240x64xf32, #tpu.memory_space<vmem_shared>> -> memref<10240x64xf32, #tpu.memory_space<vmem_shared>>
    tpu.wait_indirect_dma semaphore(%arg31 : memref<!tpu.dma_semaphore, #tpu.memory_space<semaphore_mem>>) src(%arg15 : memref<128x64xf32, #tpu.memory_space<vmem>>) dst(%dma_wait3A_117 : memref<10240x64xf32, #tpu.memory_space<vmem_shared>>)
    %dma_wait3A_118 = arith.constant 79 : i32
    %dma_wait3A_119 = arith.constant 0 : i32
    %dma_wait3A_120 = tpu.memref_slice %arg8[%dma_wait3A_118, %dma_wait3A_119] : memref<80x128xi32, #tpu.memory_space<vmem>> -> memref<1x128xi32, #tpu.memory_space<vmem>>
    %dma_wait3A_121 = tpu.memref_squeeze %dma_wait3A_120 : memref<1x128xi32, #tpu.memory_space<vmem>> -> memref<128xi32, #tpu.memory_space<vmem>>
    %dma_wait3A_122 = arith.constant 0 : i32
    %dma_wait3A_123 = arith.constant 0 : i32
    %dma_wait3A_124 = tpu.memref_slice %arg33[%dma_wait3A_122, %dma_wait3A_123] : memref<10240x64xf32, #tpu.memory_space<vmem_shared>> -> memref<10240x64xf32, #tpu.memory_space<vmem_shared>>
    tpu.wait_indirect_dma semaphore(%arg32 : memref<!tpu.dma_semaphore, #tpu.memory_space<semaphore_mem>>) src(%arg16 : memref<128x64xf32, #tpu.memory_space<vmem>>) dst(%dma_wait3A_124 : memref<10240x64xf32, #tpu.memory_space<vmem_shared>>)
    %barrier3A_125 = arith.constant 0 : index
    tpu.barrier barrier_id(%barrier3A_125)
    "tpu.region"() ({
      %run_scoped3A = tpu.sem_alloc : memref<!tpu.dma_semaphore, #tpu.memory_space<semaphore_mem>>
      %dma_start3A_252 = arith.constant 0 : i32
      %dma_start3A_253 = tpu.memref_slice %arg6[%arg0, %multiple_of3A_5, %dma_start3A_252] : memref<2x10240x128xf32, #tpu.memory_space<hbm>> -> memref<1x640x64xf32, #tpu.memory_space<hbm>>
      %dma_start3A_254 = tpu.memref_squeeze %dma_start3A_253 : memref<1x640x64xf32, #tpu.memory_space<hbm>> -> memref<640x64xf32, #tpu.memory_space<hbm>>
      %dma_start3A_255 = arith.constant 0 : i32
      %dma_start3A_256 = tpu.memref_slice %arg33[%multiple_of3A_5, %dma_start3A_255] : memref<10240x64xf32, #tpu.memory_space<vmem_shared>> -> memref<640x64xf32, #tpu.memory_space<vmem_shared>>
      tpu.enqueue_dma source(%dma_start3A_256 : memref<640x64xf32, #tpu.memory_space<vmem_shared>>) target(%dma_start3A_254 : memref<640x64xf32, #tpu.memory_space<hbm>>) target_semaphore(%run_scoped3A : memref<!tpu.dma_semaphore, #tpu.memory_space<semaphore_mem>>)
      %dma_wait3A_257 = arith.constant 0 : i32
      %dma_wait3A_258 = tpu.memref_slice %arg6[%arg0, %multiple_of3A_5, %dma_wait3A_257] : memref<2x10240x128xf32, #tpu.memory_space<hbm>> -> memref<1x640x64xf32, #tpu.memory_space<hbm>>
      %dma_wait3A_259 = tpu.memref_squeeze %dma_wait3A_258 : memref<1x640x64xf32, #tpu.memory_space<hbm>> -> memref<640x64xf32, #tpu.memory_space<hbm>>
      %dma_wait3A_260 = arith.constant 0 : i32
      %dma_wait3A_261 = tpu.memref_slice %arg33[%multiple_of3A_5, %dma_wait3A_260] : memref<10240x64xf32, #tpu.memory_space<vmem_shared>> -> memref<640x64xf32, #tpu.memory_space<vmem_shared>>
      tpu.wait_dma2 semaphore(%run_scoped3A : memref<!tpu.dma_semaphore, #tpu.memory_space<semaphore_mem>>) src(%dma_wait3A_261 : memref<640x64xf32, #tpu.memory_space<vmem_shared>>) dst(%dma_wait3A_259 : memref<640x64xf32, #tpu.memory_space<hbm>>)
      tpu.yield
    }) : () -> ()
    %barrier3A_126 = arith.constant 0 : index
    tpu.barrier barrier_id(%barrier3A_126)
    %scan3A_127 = arith.constant 0 : i32
    %scan3A_128 = arith.constant 80 : i32
    %scan3A_129 = arith.addi %scan3A_127, %scan3A_128 : i32
    %scan3A_130 = arith.constant 1 : i32
    scf.for %scan3A_252 = %scan3A_127 to %scan3A_129 step %scan3A_130  : i32 {
      %mul3A_253 = arith.constant 1 : i32
      %mul3A_254 = arith.muli %scan3A_252, %mul3A_253 : i32
      %add3A_255 = arith.constant 0 : i32
      %add3A_256 = arith.addi %add3A_255, %mul3A_254 : i32
      %get3A = arith.index_cast %add3A_256 : i32 to index
      %get3A_257 = arith.constant 0 : index
      %get3A_258 = tpu.vector_load %arg7[%get3A, %get3A_257] {strides = array<i32>} : memref<80x128xi32, #tpu.memory_space<vmem>>, vector<1x16xi32>,
      %get3A_259 = vector.shape_cast %get3A_258 : vector<1x16xi32> to vector<16xi32>
      %add3A_260 = arith.constant 1 : i32
      %add3A_261 = vector.broadcast %add3A_260 : i32 to vector<16xi32>
      %add3A_262 = arith.addi %get3A_259, %add3A_261 : vector<16xi32>
      %swap3A = arith.index_cast %add3A_256 : i32 to index
      %swap3A_263 = arith.constant 0 : index
      %swap3A_264 = tpu.vector_load %arg7[%swap3A, %swap3A_263] {strides = array<i32>} : memref<80x128xi32, #tpu.memory_space<vmem>>, vector<1x16xi32>,
      %swap3A_265 = vector.shape_cast %swap3A_264 : vector<1x16xi32> to vector<16xi32>
      %swap3A_266 = vector.shape_cast %add3A_262 : vector<16xi32> to vector<1x16xi32>
      tpu.vector_store %arg7[%swap3A, %swap3A_263], %swap3A_266 {strides = array<i32>} : memref<80x128xi32, #tpu.memory_space<vmem>>, vector<1x16xi32>,
      %get3A_267 = arith.index_cast %add3A_256 : i32 to index
      %get3A_268 = arith.constant 16 : index
      %get3A_269 = tpu.vector_load %arg7[%get3A_267, %get3A_268] {strides = array<i32>} : memref<80x128xi32, #tpu.memory_space<vmem>>, vector<1x16xi32>,
      %get3A_270 = vector.shape_cast %get3A_269 : vector<1x16xi32> to vector<16xi32>
      %add3A_271 = arith.constant 1 : i32
      %add3A_272 = vector.broadcast %add3A_271 : i32 to vector<16xi32>
      %add3A_273 = arith.addi %get3A_270, %add3A_272 : vector<16xi32>
      %swap3A_274 = arith.index_cast %add3A_256 : i32 to index
      %swap3A_275 = arith.constant 16 : index
      %swap3A_276 = tpu.vector_load %arg7[%swap3A_274, %swap3A_275] {strides = array<i32>} : memref<80x128xi32, #tpu.memory_space<vmem>>, vector<1x16xi32>,
      %swap3A_277 = vector.shape_cast %swap3A_276 : vector<1x16xi32> to vector<16xi32>
      %swap3A_278 = vector.shape_cast %add3A_273 : vector<16xi32> to vector<1x16xi32>
      tpu.vector_store %arg7[%swap3A_274, %swap3A_275], %swap3A_278 {strides = array<i32>} : memref<80x128xi32, #tpu.memory_space<vmem>>, vector<1x16xi32>,
      %get3A_279 = arith.index_cast %add3A_256 : i32 to index
      %get3A_280 = arith.constant 32 : index
      %get3A_281 = tpu.vector_load %arg7[%get3A_279, %get3A_280] {strides = array<i32>} : memref<80x128xi32, #tpu.memory_space<vmem>>, vector<1x16xi32>,
      %get3A_282 = vector.shape_cast %get3A_281 : vector<1x16xi32> to vector<16xi32>
      %add3A_283 = arith.constant 1 : i32
      %add3A_284 = vector.broadcast %add3A_283 : i32 to vector<16xi32>
      %add3A_285 = arith.addi %get3A_282, %add3A_284 : vector<16xi32>
      %swap3A_286 = arith.index_cast %add3A_256 : i32 to index
      %swap3A_287 = arith.constant 32 : index
      %swap3A_288 = tpu.vector_load %arg7[%swap3A_286, %swap3A_287] {strides = array<i32>} : memref<80x128xi32, #tpu.memory_space<vmem>>, vector<1x16xi32>,
      %swap3A_289 = vector.shape_cast %swap3A_288 : vector<1x16xi32> to vector<16xi32>
      %swap3A_290 = vector.shape_cast %add3A_285 : vector<16xi32> to vector<1x16xi32>
      tpu.vector_store %arg7[%swap3A_286, %swap3A_287], %swap3A_290 {strides = array<i32>} : memref<80x128xi32, #tpu.memory_space<vmem>>, vector<1x16xi32>,
      %get3A_291 = arith.index_cast %add3A_256 : i32 to index
      %get3A_292 = arith.constant 48 : index
      %get3A_293 = tpu.vector_load %arg7[%get3A_291, %get3A_292] {strides = array<i32>} : memref<80x128xi32, #tpu.memory_space<vmem>>, vector<1x16xi32>,
      %get3A_294 = vector.shape_cast %get3A_293 : vector<1x16xi32> to vector<16xi32>
      %add3A_295 = arith.constant 1 : i32
      %add3A_296 = vector.broadcast %add3A_295 : i32 to vector<16xi32>
      %add3A_297 = arith.addi %get3A_294, %add3A_296 : vector<16xi32>
      %swap3A_298 = arith.index_cast %add3A_256 : i32 to index
      %swap3A_299 = arith.constant 48 : index
      %swap3A_300 = tpu.vector_load %arg7[%swap3A_298, %swap3A_299] {strides = array<i32>} : memref<80x128xi32, #tpu.memory_space<vmem>>, vector<1x16xi32>,
      %swap3A_301 = vector.shape_cast %swap3A_300 : vector<1x16xi32> to vector<16xi32>
      %swap3A_302 = vector.shape_cast %add3A_297 : vector<16xi32> to vector<1x16xi32>
      tpu.vector_store %arg7[%swap3A_298, %swap3A_299], %swap3A_302 {strides = array<i32>} : memref<80x128xi32, #tpu.memory_space<vmem>>, vector<1x16xi32>,
      %get3A_303 = arith.index_cast %add3A_256 : i32 to index
      %get3A_304 = arith.constant 64 : index
      %get3A_305 = tpu.vector_load %arg7[%get3A_303, %get3A_304] {strides = array<i32>} : memref<80x128xi32, #tpu.memory_space<vmem>>, vector<1x16xi32>,
      %get3A_306 = vector.shape_cast %get3A_305 : vector<1x16xi32> to vector<16xi32>
      %add3A_307 = arith.constant 1 : i32
      %add3A_308 = vector.broadcast %add3A_307 : i32 to vector<16xi32>
      %add3A_309 = arith.addi %get3A_306, %add3A_308 : vector<16xi32>
      %swap3A_310 = arith.index_cast %add3A_256 : i32 to index
      %swap3A_311 = arith.constant 64 : index
      %swap3A_312 = tpu.vector_load %arg7[%swap3A_310, %swap3A_311] {strides = array<i32>} : memref<80x128xi32, #tpu.memory_space<vmem>>, vector<1x16xi32>,
      %swap3A_313 = vector.shape_cast %swap3A_312 : vector<1x16xi32> to vector<16xi32>
      %swap3A_314 = vector.shape_cast %add3A_309 : vector<16xi32> to vector<1x16xi32>
      tpu.vector_store %arg7[%swap3A_310, %swap3A_311], %swap3A_314 {strides = array<i32>} : memref<80x128xi32, #tpu.memory_space<vmem>>, vector<1x16xi32>,
      %get3A_315 = arith.index_cast %add3A_256 : i32 to index
      %get3A_316 = arith.constant 80 : index
      %get3A_317 = tpu.vector_load %arg7[%get3A_315, %get3A_316] {strides = array<i32>} : memref<80x128xi32, #tpu.memory_space<vmem>>, vector<1x16xi32>,
      %get3A_318 = vector.shape_cast %get3A_317 : vector<1x16xi32> to vector<16xi32>
      %add3A_319 = arith.constant 1 : i32
      %add3A_320 = vector.broadcast %add3A_319 : i32 to vector<16xi32>
      %add3A_321 = arith.addi %get3A_318, %add3A_320 : vector<16xi32>
      %swap3A_322 = arith.index_cast %add3A_256 : i32 to index
      %swap3A_323 = arith.constant 80 : index
      %swap3A_324 = tpu.vector_load %arg7[%swap3A_322, %swap3A_323] {strides = array<i32>} : memref<80x128xi32, #tpu.memory_space<vmem>>, vector<1x16xi32>,
      %swap3A_325 = vector.shape_cast %swap3A_324 : vector<1x16xi32> to vector<16xi32>
      %swap3A_326 = vector.shape_cast %add3A_321 : vector<16xi32> to vector<1x16xi32>
      tpu.vector_store %arg7[%swap3A_322, %swap3A_323], %swap3A_326 {strides = array<i32>} : memref<80x128xi32, #tpu.memory_space<vmem>>, vector<1x16xi32>,
      %get3A_327 = arith.index_cast %add3A_256 : i32 to index
      %get3A_328 = arith.constant 96 : index
      %get3A_329 = tpu.vector_load %arg7[%get3A_327, %get3A_328] {strides = array<i32>} : memref<80x128xi32, #tpu.memory_space<vmem>>, vector<1x16xi32>,
      %get3A_330 = vector.shape_cast %get3A_329 : vector<1x16xi32> to vector<16xi32>
      %add3A_331 = arith.constant 1 : i32
      %add3A_332 = vector.broadcast %add3A_331 : i32 to vector<16xi32>
      %add3A_333 = arith.addi %get3A_330, %add3A_332 : vector<16xi32>
      %swap3A_334 = arith.index_cast %add3A_256 : i32 to index
      %swap3A_335 = arith.constant 96 : index
      %swap3A_336 = tpu.vector_load %arg7[%swap3A_334, %swap3A_335] {strides = array<i32>} : memref<80x128xi32, #tpu.memory_space<vmem>>, vector<1x16xi32>,
      %swap3A_337 = vector.shape_cast %swap3A_336 : vector<1x16xi32> to vector<16xi32>
      %swap3A_338 = vector.shape_cast %add3A_333 : vector<16xi32> to vector<1x16xi32>
      tpu.vector_store %arg7[%swap3A_334, %swap3A_335], %swap3A_338 {strides = array<i32>} : memref<80x128xi32, #tpu.memory_space<vmem>>, vector<1x16xi32>,
      %get3A_339 = arith.index_cast %add3A_256 : i32 to index
      %get3A_340 = arith.constant 112 : index
      %get3A_341 = tpu.vector_load %arg7[%get3A_339, %get3A_340] {strides = array<i32>} : memref<80x128xi32, #tpu.memory_space<vmem>>, vector<1x16xi32>,
      %get3A_342 = vector.shape_cast %get3A_341 : vector<1x16xi32> to vector<16xi32>
      %add3A_343 = arith.constant 1 : i32
      %add3A_344 = vector.broadcast %add3A_343 : i32 to vector<16xi32>
      %add3A_345 = arith.addi %get3A_342, %add3A_344 : vector<16xi32>
      %swap3A_346 = arith.index_cast %add3A_256 : i32 to index
      %swap3A_347 = arith.constant 112 : index
      %swap3A_348 = tpu.vector_load %arg7[%swap3A_346, %swap3A_347] {strides = array<i32>} : memref<80x128xi32, #tpu.memory_space<vmem>>, vector<1x16xi32>,
      %swap3A_349 = vector.shape_cast %swap3A_348 : vector<1x16xi32> to vector<16xi32>
      %swap3A_350 = vector.shape_cast %add3A_345 : vector<16xi32> to vector<1x16xi32>
      tpu.vector_store %arg7[%swap3A_346, %swap3A_347], %swap3A_350 {strides = array<i32>} : memref<80x128xi32, #tpu.memory_space<vmem>>, vector<1x16xi32>,
    }
    %scan3A_131 = arith.constant 80 : i32
    %dma_start3A_132 = arith.constant 0 : i32
    %dma_start3A_133 = arith.constant 0 : i32
    %dma_start3A_134 = tpu.memref_slice %arg7[%dma_start3A_132, %dma_start3A_133] : memref<80x128xi32, #tpu.memory_space<vmem>> -> memref<1x128xi32, #tpu.memory_space<vmem>>
    %dma_start3A_135 = tpu.memref_squeeze %dma_start3A_134 : memref<1x128xi32, #tpu.memory_space<vmem>> -> memref<128xi32, #tpu.memory_space<vmem>>
    %dma_start3A_136 = arith.constant 0 : i32
    %dma_start3A_137 = arith.constant 0 : i32
    %dma_start3A_138 = tpu.memref_slice %arg2[%dma_start3A_136, %dma_start3A_137] : memref<20480x64xf32, #tpu.memory_space<hbm>> -> memref<20480x64xf32, #tpu.memory_space<hbm>>
    tpu.enqueue_indirect_dma source(%dma_start3A_138 : memref<20480x64xf32, #tpu.memory_space<hbm>>) target(%arg9 : memref<128x64xf32, #tpu.memory_space<vmem>>) offsets(%dma_start3A_135 : memref<128xi32, #tpu.memory_space<vmem>>) semaphore(%arg17 : memref<!tpu.dma_semaphore, #tpu.memory_space<semaphore_mem>>)
    %dma_start3A_139 = arith.constant 1 : i32
    %dma_start3A_140 = arith.constant 0 : i32
    %dma_start3A_141 = tpu.memref_slice %arg7[%dma_start3A_139, %dma_start3A_140] : memref<80x128xi32, #tpu.memory_space<vmem>> -> memref<1x128xi32, #tpu.memory_space<vmem>>
    %dma_start3A_142 = tpu.memref_squeeze %dma_start3A_141 : memref<1x128xi32, #tpu.memory_space<vmem>> -> memref<128xi32, #tpu.memory_space<vmem>>
    %dma_start3A_143 = arith.constant 0 : i32
    %dma_start3A_144 = arith.constant 0 : i32
    %dma_start3A_145 = tpu.memref_slice %arg2[%dma_start3A_143, %dma_start3A_144] : memref<20480x64xf32, #tpu.memory_space<hbm>> -> memref<20480x64xf32, #tpu.memory_space<hbm>>
    tpu.enqueue_indirect_dma source(%dma_start3A_145 : memref<20480x64xf32, #tpu.memory_space<hbm>>) target(%arg10 : memref<128x64xf32, #tpu.memory_space<vmem>>) offsets(%dma_start3A_142 : memref<128xi32, #tpu.memory_space<vmem>>) semaphore(%arg18 : memref<!tpu.dma_semaphore, #tpu.memory_space<semaphore_mem>>)
    %dma_start3A_146 = arith.constant 2 : i32
    %dma_start3A_147 = arith.constant 0 : i32
    %dma_start3A_148 = tpu.memref_slice %arg7[%dma_start3A_146, %dma_start3A_147] : memref<80x128xi32, #tpu.memory_space<vmem>> -> memref<1x128xi32, #tpu.memory_space<vmem>>
    %dma_start3A_149 = tpu.memref_squeeze %dma_start3A_148 : memref<1x128xi32, #tpu.memory_space<vmem>> -> memref<128xi32, #tpu.memory_space<vmem>>
    %dma_start3A_150 = arith.constant 0 : i32
    %dma_start3A_151 = arith.constant 0 : i32
    %dma_start3A_152 = tpu.memref_slice %arg2[%dma_start3A_150, %dma_start3A_151] : memref<20480x64xf32, #tpu.memory_space<hbm>> -> memref<20480x64xf32, #tpu.memory_space<hbm>>
    tpu.enqueue_indirect_dma source(%dma_start3A_152 : memref<20480x64xf32, #tpu.memory_space<hbm>>) target(%arg11 : memref<128x64xf32, #tpu.memory_space<vmem>>) offsets(%dma_start3A_149 : memref<128xi32, #tpu.memory_space<vmem>>) semaphore(%arg19 : memref<!tpu.dma_semaphore, #tpu.memory_space<semaphore_mem>>)
    %dma_start3A_153 = arith.constant 3 : i32
    %dma_start3A_154 = arith.constant 0 : i32
    %dma_start3A_155 = tpu.memref_slice %arg7[%dma_start3A_153, %dma_start3A_154] : memref<80x128xi32, #tpu.memory_space<vmem>> -> memref<1x128xi32, #tpu.memory_space<vmem>>
    %dma_start3A_156 = tpu.memref_squeeze %dma_start3A_155 : memref<1x128xi32, #tpu.memory_space<vmem>> -> memref<128xi32, #tpu.memory_space<vmem>>
    %dma_start3A_157 = arith.constant 0 : i32
    %dma_start3A_158 = arith.constant 0 : i32
    %dma_start3A_159 = tpu.memref_slice %arg2[%dma_start3A_157, %dma_start3A_158] : memref<20480x64xf32, #tpu.memory_space<hbm>> -> memref<20480x64xf32, #tpu.memory_space<hbm>>
    tpu.enqueue_indirect_dma source(%dma_start3A_159 : memref<20480x64xf32, #tpu.memory_space<hbm>>) target(%arg12 : memref<128x64xf32, #tpu.memory_space<vmem>>) offsets(%dma_start3A_156 : memref<128xi32, #tpu.memory_space<vmem>>) semaphore(%arg20 : memref<!tpu.dma_semaphore, #tpu.memory_space<semaphore_mem>>)
    %dma_start3A_160 = arith.constant 4 : i32
    %dma_start3A_161 = arith.constant 0 : i32
    %dma_start3A_162 = tpu.memref_slice %arg7[%dma_start3A_160, %dma_start3A_161] : memref<80x128xi32, #tpu.memory_space<vmem>> -> memref<1x128xi32, #tpu.memory_space<vmem>>
    %dma_start3A_163 = tpu.memref_squeeze %dma_start3A_162 : memref<1x128xi32, #tpu.memory_space<vmem>> -> memref<128xi32, #tpu.memory_space<vmem>>
    %dma_start3A_164 = arith.constant 0 : i32
    %dma_start3A_165 = arith.constant 0 : i32
    %dma_start3A_166 = tpu.memref_slice %arg2[%dma_start3A_164, %dma_start3A_165] : memref<20480x64xf32, #tpu.memory_space<hbm>> -> memref<20480x64xf32, #tpu.memory_space<hbm>>
    tpu.enqueue_indirect_dma source(%dma_start3A_166 : memref<20480x64xf32, #tpu.memory_space<hbm>>) target(%arg13 : memref<128x64xf32, #tpu.memory_space<vmem>>) offsets(%dma_start3A_163 : memref<128xi32, #tpu.memory_space<vmem>>) semaphore(%arg21 : memref<!tpu.dma_semaphore, #tpu.memory_space<semaphore_mem>>)
    %dma_start3A_167 = arith.constant 5 : i32
    %dma_start3A_168 = arith.constant 0 : i32
    %dma_start3A_169 = tpu.memref_slice %arg7[%dma_start3A_167, %dma_start3A_168] : memref<80x128xi32, #tpu.memory_space<vmem>> -> memref<1x128xi32, #tpu.memory_space<vmem>>
    %dma_start3A_170 = tpu.memref_squeeze %dma_start3A_169 : memref<1x128xi32, #tpu.memory_space<vmem>> -> memref<128xi32, #tpu.memory_space<vmem>>
    %dma_start3A_171 = arith.constant 0 : i32
    %dma_start3A_172 = arith.constant 0 : i32
    %dma_start3A_173 = tpu.memref_slice %arg2[%dma_start3A_171, %dma_start3A_172] : memref<20480x64xf32, #tpu.memory_space<hbm>> -> memref<20480x64xf32, #tpu.memory_space<hbm>>
    tpu.enqueue_indirect_dma source(%dma_start3A_173 : memref<20480x64xf32, #tpu.memory_space<hbm>>) target(%arg14 : memref<128x64xf32, #tpu.memory_space<vmem>>) offsets(%dma_start3A_170 : memref<128xi32, #tpu.memory_space<vmem>>) semaphore(%arg22 : memref<!tpu.dma_semaphore, #tpu.memory_space<semaphore_mem>>)
    %dma_start3A_174 = arith.constant 6 : i32
    %dma_start3A_175 = arith.constant 0 : i32
    %dma_start3A_176 = tpu.memref_slice %arg7[%dma_start3A_174, %dma_start3A_175] : memref<80x128xi32, #tpu.memory_space<vmem>> -> memref<1x128xi32, #tpu.memory_space<vmem>>
    %dma_start3A_177 = tpu.memref_squeeze %dma_start3A_176 : memref<1x128xi32, #tpu.memory_space<vmem>> -> memref<128xi32, #tpu.memory_space<vmem>>
    %dma_start3A_178 = arith.constant 0 : i32
    %dma_start3A_179 = arith.constant 0 : i32
    %dma_start3A_180 = tpu.memref_slice %arg2[%dma_start3A_178, %dma_start3A_179] : memref<20480x64xf32, #tpu.memory_space<hbm>> -> memref<20480x64xf32, #tpu.memory_space<hbm>>
    tpu.enqueue_indirect_dma source(%dma_start3A_180 : memref<20480x64xf32, #tpu.memory_space<hbm>>) target(%arg15 : memref<128x64xf32, #tpu.memory_space<vmem>>) offsets(%dma_start3A_177 : memref<128xi32, #tpu.memory_space<vmem>>) semaphore(%arg23 : memref<!tpu.dma_semaphore, #tpu.memory_space<semaphore_mem>>)
    %dma_start3A_181 = arith.constant 7 : i32
    %dma_start3A_182 = arith.constant 0 : i32
    %dma_start3A_183 = tpu.memref_slice %arg7[%dma_start3A_181, %dma_start3A_182] : memref<80x128xi32, #tpu.memory_space<vmem>> -> memref<1x128xi32, #tpu.memory_space<vmem>>
    %dma_start3A_184 = tpu.memref_squeeze %dma_start3A_183 : memref<1x128xi32, #tpu.memory_space<vmem>> -> memref<128xi32, #tpu.memory_space<vmem>>
    %dma_start3A_185 = arith.constant 0 : i32
    %dma_start3A_186 = arith.constant 0 : i32
    %dma_start3A_187 = tpu.memref_slice %arg2[%dma_start3A_185, %dma_start3A_186] : memref<20480x64xf32, #tpu.memory_space<hbm>> -> memref<20480x64xf32, #tpu.memory_space<hbm>>
    tpu.enqueue_indirect_dma source(%dma_start3A_187 : memref<20480x64xf32, #tpu.memory_space<hbm>>) target(%arg16 : memref<128x64xf32, #tpu.memory_space<vmem>>) offsets(%dma_start3A_184 : memref<128xi32, #tpu.memory_space<vmem>>) semaphore(%arg24 : memref<!tpu.dma_semaphore, #tpu.memory_space<semaphore_mem>>)
    "tpu.region"() ({
      %run_scoped3A = tpu.sem_alloc : memref<!tpu.dma_semaphore, #tpu.memory_space<semaphore_mem>>
      %dma_start3A_252 = arith.constant 0 : i32
      %dma_start3A_253 = tpu.memref_slice %arg33[%multiple_of3A_5, %dma_start3A_252] : memref<10240x64xf32, #tpu.memory_space<vmem_shared>> -> memref<640x64xf32, #tpu.memory_space<vmem_shared>>
      %dma_start3A_254 = arith.constant 0 : i32
      %dma_start3A_255 = tpu.memref_slice %arg5[%multiple_of3A_5, %dma_start3A_254] : memref<10240x64xf32, #tpu.memory_space<hbm>> -> memref<640x64xf32, #tpu.memory_space<hbm>>
      tpu.enqueue_dma source(%dma_start3A_255 : memref<640x64xf32, #tpu.memory_space<hbm>>) target(%dma_start3A_253 : memref<640x64xf32, #tpu.memory_space<vmem_shared>>) target_semaphore(%run_scoped3A : memref<!tpu.dma_semaphore, #tpu.memory_space<semaphore_mem>>)
      %dma_wait3A_256 = arith.constant 0 : i32
      %dma_wait3A_257 = tpu.memref_slice %arg33[%multiple_of3A_5, %dma_wait3A_256] : memref<10240x64xf32, #tpu.memory_space<vmem_shared>> -> memref<640x64xf32, #tpu.memory_space<vmem_shared>>
      %dma_wait3A_258 = arith.constant 0 : i32
      %dma_wait3A_259 = tpu.memref_slice %arg5[%multiple_of3A_5, %dma_wait3A_258] : memref<10240x64xf32, #tpu.memory_space<hbm>> -> memref<640x64xf32, #tpu.memory_space<hbm>>
      tpu.wait_dma2 semaphore(%run_scoped3A : memref<!tpu.dma_semaphore, #tpu.memory_space<semaphore_mem>>) src(%dma_wait3A_259 : memref<640x64xf32, #tpu.memory_space<hbm>>) dst(%dma_wait3A_257 : memref<640x64xf32, #tpu.memory_space<vmem_shared>>)
      tpu.yield
    }) : () -> ()
    %barrier3A_188 = arith.constant 0 : index
    tpu.barrier barrier_id(%barrier3A_188)
    %scan3A_189 = arith.constant 0 : i32
    %scan3A_190 = arith.constant 10 : i32
    %scan3A_191 = arith.addi %scan3A_189, %scan3A_190 : i32
    %scan3A_192 = arith.constant 1 : i32
    scf.for %scan3A_252 = %scan3A_189 to %scan3A_191 step %scan3A_192  : i32 {
      %mul3A_253 = arith.constant 8 : i32
      %mul3A_254 = arith.muli %scan3A_252, %mul3A_253 : i32
      %add3A_255 = arith.constant 0 : i32
      %add3A_256 = arith.addi %add3A_255, %mul3A_254 : i32
      %add3A_257 = arith.constant 0 : i32
      %add3A_258 = arith.addi %add3A_256, %add3A_257 : i32
      %dma_wait3A_259 = arith.constant 0 : i32
      %dma_wait3A_260 = tpu.memref_slice %arg7[%add3A_258, %dma_wait3A_259] : memref<80x128xi32, #tpu.memory_space<vmem>> -> memref<1x128xi32, #tpu.memory_space<vmem>>
      %dma_wait3A_261 = tpu.memref_squeeze %dma_wait3A_260 : memref<1x128xi32, #tpu.memory_space<vmem>> -> memref<128xi32, #tpu.memory_space<vmem>>
      %dma_wait3A_262 = arith.constant 0 : i32
      %dma_wait3A_263 = arith.constant 0 : i32
      %dma_wait3A_264 = tpu.memref_slice %arg2[%dma_wait3A_262, %dma_wait3A_263] : memref<20480x64xf32, #tpu.memory_space<hbm>> -> memref<20480x64xf32, #tpu.memory_space<hbm>>
      tpu.wait_indirect_dma semaphore(%arg17 : memref<!tpu.dma_semaphore, #tpu.memory_space<semaphore_mem>>) src(%dma_wait3A_264 : memref<20480x64xf32, #tpu.memory_space<hbm>>) dst(%arg9 : memref<128x64xf32, #tpu.memory_space<vmem>>)
      %add3A_265 = arith.constant 0 : i32
      %add3A_266 = arith.addi %add3A_256, %add3A_265 : i32
      %dma_start3A_267 = arith.constant 0 : i32
      %dma_start3A_268 = tpu.memref_slice %arg8[%add3A_266, %dma_start3A_267] : memref<80x128xi32, #tpu.memory_space<vmem>> -> memref<1x128xi32, #tpu.memory_space<vmem>>
      %dma_start3A_269 = tpu.memref_squeeze %dma_start3A_268 : memref<1x128xi32, #tpu.memory_space<vmem>> -> memref<128xi32, #tpu.memory_space<vmem>>
      %dma_start3A_270 = arith.constant 0 : i32
      %dma_start3A_271 = arith.constant 0 : i32
      %dma_start3A_272 = tpu.memref_slice %arg33[%dma_start3A_270, %dma_start3A_271] : memref<10240x64xf32, #tpu.memory_space<vmem_shared>> -> memref<10240x64xf32, #tpu.memory_space<vmem_shared>>
      tpu.enqueue_indirect_dma source(%arg9 : memref<128x64xf32, #tpu.memory_space<vmem>>) target(%dma_start3A_272 : memref<10240x64xf32, #tpu.memory_space<vmem_shared>>) offsets(%dma_start3A_269 : memref<128xi32, #tpu.memory_space<vmem>>) semaphore(%arg25 : memref<!tpu.dma_semaphore, #tpu.memory_space<semaphore_mem>>) {add = true}
      %add3A_273 = arith.constant 1 : i32
      %add3A_274 = arith.addi %add3A_256, %add3A_273 : i32
      %dma_wait3A_275 = arith.constant 0 : i32
      %dma_wait3A_276 = tpu.memref_slice %arg7[%add3A_274, %dma_wait3A_275] : memref<80x128xi32, #tpu.memory_space<vmem>> -> memref<1x128xi32, #tpu.memory_space<vmem>>
      %dma_wait3A_277 = tpu.memref_squeeze %dma_wait3A_276 : memref<1x128xi32, #tpu.memory_space<vmem>> -> memref<128xi32, #tpu.memory_space<vmem>>
      %dma_wait3A_278 = arith.constant 0 : i32
      %dma_wait3A_279 = arith.constant 0 : i32
      %dma_wait3A_280 = tpu.memref_slice %arg2[%dma_wait3A_278, %dma_wait3A_279] : memref<20480x64xf32, #tpu.memory_space<hbm>> -> memref<20480x64xf32, #tpu.memory_space<hbm>>
      tpu.wait_indirect_dma semaphore(%arg18 : memref<!tpu.dma_semaphore, #tpu.memory_space<semaphore_mem>>) src(%dma_wait3A_280 : memref<20480x64xf32, #tpu.memory_space<hbm>>) dst(%arg10 : memref<128x64xf32, #tpu.memory_space<vmem>>)
      %add3A_281 = arith.constant 1 : i32
      %add3A_282 = arith.addi %add3A_256, %add3A_281 : i32
      %dma_start3A_283 = arith.constant 0 : i32
      %dma_start3A_284 = tpu.memref_slice %arg8[%add3A_282, %dma_start3A_283] : memref<80x128xi32, #tpu.memory_space<vmem>> -> memref<1x128xi32, #tpu.memory_space<vmem>>
      %dma_start3A_285 = tpu.memref_squeeze %dma_start3A_284 : memref<1x128xi32, #tpu.memory_space<vmem>> -> memref<128xi32, #tpu.memory_space<vmem>>
      %dma_start3A_286 = arith.constant 0 : i32
      %dma_start3A_287 = arith.constant 0 : i32
      %dma_start3A_288 = tpu.memref_slice %arg33[%dma_start3A_286, %dma_start3A_287] : memref<10240x64xf32, #tpu.memory_space<vmem_shared>> -> memref<10240x64xf32, #tpu.memory_space<vmem_shared>>
      tpu.enqueue_indirect_dma source(%arg10 : memref<128x64xf32, #tpu.memory_space<vmem>>) target(%dma_start3A_288 : memref<10240x64xf32, #tpu.memory_space<vmem_shared>>) offsets(%dma_start3A_285 : memref<128xi32, #tpu.memory_space<vmem>>) semaphore(%arg26 : memref<!tpu.dma_semaphore, #tpu.memory_space<semaphore_mem>>) {add = true}
      %add3A_289 = arith.constant 2 : i32
      %add3A_290 = arith.addi %add3A_256, %add3A_289 : i32
      %dma_wait3A_291 = arith.constant 0 : i32
      %dma_wait3A_292 = tpu.memref_slice %arg7[%add3A_290, %dma_wait3A_291] : memref<80x128xi32, #tpu.memory_space<vmem>> -> memref<1x128xi32, #tpu.memory_space<vmem>>
      %dma_wait3A_293 = tpu.memref_squeeze %dma_wait3A_292 : memref<1x128xi32, #tpu.memory_space<vmem>> -> memref<128xi32, #tpu.memory_space<vmem>>
      %dma_wait3A_294 = arith.constant 0 : i32
      %dma_wait3A_295 = arith.constant 0 : i32
      %dma_wait3A_296 = tpu.memref_slice %arg2[%dma_wait3A_294, %dma_wait3A_295] : memref<20480x64xf32, #tpu.memory_space<hbm>> -> memref<20480x64xf32, #tpu.memory_space<hbm>>
      tpu.wait_indirect_dma semaphore(%arg19 : memref<!tpu.dma_semaphore, #tpu.memory_space<semaphore_mem>>) src(%dma_wait3A_296 : memref<20480x64xf32, #tpu.memory_space<hbm>>) dst(%arg11 : memref<128x64xf32, #tpu.memory_space<vmem>>)
      %add3A_297 = arith.constant 2 : i32
      %add3A_298 = arith.addi %add3A_256, %add3A_297 : i32
      %dma_start3A_299 = arith.constant 0 : i32
      %dma_start3A_300 = tpu.memref_slice %arg8[%add3A_298, %dma_start3A_299] : memref<80x128xi32, #tpu.memory_space<vmem>> -> memref<1x128xi32, #tpu.memory_space<vmem>>
      %dma_start3A_301 = tpu.memref_squeeze %dma_start3A_300 : memref<1x128xi32, #tpu.memory_space<vmem>> -> memref<128xi32, #tpu.memory_space<vmem>>
      %dma_start3A_302 = arith.constant 0 : i32
      %dma_start3A_303 = arith.constant 0 : i32
      %dma_start3A_304 = tpu.memref_slice %arg33[%dma_start3A_302, %dma_start3A_303] : memref<10240x64xf32, #tpu.memory_space<vmem_shared>> -> memref<10240x64xf32, #tpu.memory_space<vmem_shared>>
      tpu.enqueue_indirect_dma source(%arg11 : memref<128x64xf32, #tpu.memory_space<vmem>>) target(%dma_start3A_304 : memref<10240x64xf32, #tpu.memory_space<vmem_shared>>) offsets(%dma_start3A_301 : memref<128xi32, #tpu.memory_space<vmem>>) semaphore(%arg27 : memref<!tpu.dma_semaphore, #tpu.memory_space<semaphore_mem>>) {add = true}
      %add3A_305 = arith.constant 3 : i32
      %add3A_306 = arith.addi %add3A_256, %add3A_305 : i32
      %dma_wait3A_307 = arith.constant 0 : i32
      %dma_wait3A_308 = tpu.memref_slice %arg7[%add3A_306, %dma_wait3A_307] : memref<80x128xi32, #tpu.memory_space<vmem>> -> memref<1x128xi32, #tpu.memory_space<vmem>>
      %dma_wait3A_309 = tpu.memref_squeeze %dma_wait3A_308 : memref<1x128xi32, #tpu.memory_space<vmem>> -> memref<128xi32, #tpu.memory_space<vmem>>
      %dma_wait3A_310 = arith.constant 0 : i32
      %dma_wait3A_311 = arith.constant 0 : i32
      %dma_wait3A_312 = tpu.memref_slice %arg2[%dma_wait3A_310, %dma_wait3A_311] : memref<20480x64xf32, #tpu.memory_space<hbm>> -> memref<20480x64xf32, #tpu.memory_space<hbm>>
      tpu.wait_indirect_dma semaphore(%arg20 : memref<!tpu.dma_semaphore, #tpu.memory_space<semaphore_mem>>) src(%dma_wait3A_312 : memref<20480x64xf32, #tpu.memory_space<hbm>>) dst(%arg12 : memref<128x64xf32, #tpu.memory_space<vmem>>)
      %add3A_313 = arith.constant 3 : i32
      %add3A_314 = arith.addi %add3A_256, %add3A_313 : i32
      %dma_start3A_315 = arith.constant 0 : i32
      %dma_start3A_316 = tpu.memref_slice %arg8[%add3A_314, %dma_start3A_315] : memref<80x128xi32, #tpu.memory_space<vmem>> -> memref<1x128xi32, #tpu.memory_space<vmem>>
      %dma_start3A_317 = tpu.memref_squeeze %dma_start3A_316 : memref<1x128xi32, #tpu.memory_space<vmem>> -> memref<128xi32, #tpu.memory_space<vmem>>
      %dma_start3A_318 = arith.constant 0 : i32
      %dma_start3A_319 = arith.constant 0 : i32
      %dma_start3A_320 = tpu.memref_slice %arg33[%dma_start3A_318, %dma_start3A_319] : memref<10240x64xf32, #tpu.memory_space<vmem_shared>> -> memref<10240x64xf32, #tpu.memory_space<vmem_shared>>
      tpu.enqueue_indirect_dma source(%arg12 : memref<128x64xf32, #tpu.memory_space<vmem>>) target(%dma_start3A_320 : memref<10240x64xf32, #tpu.memory_space<vmem_shared>>) offsets(%dma_start3A_317 : memref<128xi32, #tpu.memory_space<vmem>>) semaphore(%arg28 : memref<!tpu.dma_semaphore, #tpu.memory_space<semaphore_mem>>) {add = true}
      %add3A_321 = arith.constant 4 : i32
      %add3A_322 = arith.addi %add3A_256, %add3A_321 : i32
      %dma_wait3A_323 = arith.constant 0 : i32
      %dma_wait3A_324 = tpu.memref_slice %arg7[%add3A_322, %dma_wait3A_323] : memref<80x128xi32, #tpu.memory_space<vmem>> -> memref<1x128xi32, #tpu.memory_space<vmem>>
      %dma_wait3A_325 = tpu.memref_squeeze %dma_wait3A_324 : memref<1x128xi32, #tpu.memory_space<vmem>> -> memref<128xi32, #tpu.memory_space<vmem>>
      %dma_wait3A_326 = arith.constant 0 : i32
      %dma_wait3A_327 = arith.constant 0 : i32
      %dma_wait3A_328 = tpu.memref_slice %arg2[%dma_wait3A_326, %dma_wait3A_327] : memref<20480x64xf32, #tpu.memory_space<hbm>> -> memref<20480x64xf32, #tpu.memory_space<hbm>>
      tpu.wait_indirect_dma semaphore(%arg21 : memref<!tpu.dma_semaphore, #tpu.memory_space<semaphore_mem>>) src(%dma_wait3A_328 : memref<20480x64xf32, #tpu.memory_space<hbm>>) dst(%arg13 : memref<128x64xf32, #tpu.memory_space<vmem>>)
      %add3A_329 = arith.constant 4 : i32
      %add3A_330 = arith.addi %add3A_256, %add3A_329 : i32
      %dma_start3A_331 = arith.constant 0 : i32
      %dma_start3A_332 = tpu.memref_slice %arg8[%add3A_330, %dma_start3A_331] : memref<80x128xi32, #tpu.memory_space<vmem>> -> memref<1x128xi32, #tpu.memory_space<vmem>>
      %dma_start3A_333 = tpu.memref_squeeze %dma_start3A_332 : memref<1x128xi32, #tpu.memory_space<vmem>> -> memref<128xi32, #tpu.memory_space<vmem>>
      %dma_start3A_334 = arith.constant 0 : i32
      %dma_start3A_335 = arith.constant 0 : i32
      %dma_start3A_336 = tpu.memref_slice %arg33[%dma_start3A_334, %dma_start3A_335] : memref<10240x64xf32, #tpu.memory_space<vmem_shared>> -> memref<10240x64xf32, #tpu.memory_space<vmem_shared>>
      tpu.enqueue_indirect_dma source(%arg13 : memref<128x64xf32, #tpu.memory_space<vmem>>) target(%dma_start3A_336 : memref<10240x64xf32, #tpu.memory_space<vmem_shared>>) offsets(%dma_start3A_333 : memref<128xi32, #tpu.memory_space<vmem>>) semaphore(%arg29 : memref<!tpu.dma_semaphore, #tpu.memory_space<semaphore_mem>>) {add = true}
      %add3A_337 = arith.constant 5 : i32
      %add3A_338 = arith.addi %add3A_256, %add3A_337 : i32
      %dma_wait3A_339 = arith.constant 0 : i32
      %dma_wait3A_340 = tpu.memref_slice %arg7[%add3A_338, %dma_wait3A_339] : memref<80x128xi32, #tpu.memory_space<vmem>> -> memref<1x128xi32, #tpu.memory_space<vmem>>
      %dma_wait3A_341 = tpu.memref_squeeze %dma_wait3A_340 : memref<1x128xi32, #tpu.memory_space<vmem>> -> memref<128xi32, #tpu.memory_space<vmem>>
      %dma_wait3A_342 = arith.constant 0 : i32
      %dma_wait3A_343 = arith.constant 0 : i32
      %dma_wait3A_344 = tpu.memref_slice %arg2[%dma_wait3A_342, %dma_wait3A_343] : memref<20480x64xf32, #tpu.memory_space<hbm>> -> memref<20480x64xf32, #tpu.memory_space<hbm>>
      tpu.wait_indirect_dma semaphore(%arg22 : memref<!tpu.dma_semaphore, #tpu.memory_space<semaphore_mem>>) src(%dma_wait3A_344 : memref<20480x64xf32, #tpu.memory_space<hbm>>) dst(%arg14 : memref<128x64xf32, #tpu.memory_space<vmem>>)
      %add3A_345 = arith.constant 5 : i32
      %add3A_346 = arith.addi %add3A_256, %add3A_345 : i32
      %dma_start3A_347 = arith.constant 0 : i32
      %dma_start3A_348 = tpu.memref_slice %arg8[%add3A_346, %dma_start3A_347] : memref<80x128xi32, #tpu.memory_space<vmem>> -> memref<1x128xi32, #tpu.memory_space<vmem>>
      %dma_start3A_349 = tpu.memref_squeeze %dma_start3A_348 : memref<1x128xi32, #tpu.memory_space<vmem>> -> memref<128xi32, #tpu.memory_space<vmem>>
      %dma_start3A_350 = arith.constant 0 : i32
      %dma_start3A_351 = arith.constant 0 : i32
      %dma_start3A_352 = tpu.memref_slice %arg33[%dma_start3A_350, %dma_start3A_351] : memref<10240x64xf32, #tpu.memory_space<vmem_shared>> -> memref<10240x64xf32, #tpu.memory_space<vmem_shared>>
      tpu.enqueue_indirect_dma source(%arg14 : memref<128x64xf32, #tpu.memory_space<vmem>>) target(%dma_start3A_352 : memref<10240x64xf32, #tpu.memory_space<vmem_shared>>) offsets(%dma_start3A_349 : memref<128xi32, #tpu.memory_space<vmem>>) semaphore(%arg30 : memref<!tpu.dma_semaphore, #tpu.memory_space<semaphore_mem>>) {add = true}
      %add3A_353 = arith.constant 6 : i32
      %add3A_354 = arith.addi %add3A_256, %add3A_353 : i32
      %dma_wait3A_355 = arith.constant 0 : i32
      %dma_wait3A_356 = tpu.memref_slice %arg7[%add3A_354, %dma_wait3A_355] : memref<80x128xi32, #tpu.memory_space<vmem>> -> memref<1x128xi32, #tpu.memory_space<vmem>>
      %dma_wait3A_357 = tpu.memref_squeeze %dma_wait3A_356 : memref<1x128xi32, #tpu.memory_space<vmem>> -> memref<128xi32, #tpu.memory_space<vmem>>
      %dma_wait3A_358 = arith.constant 0 : i32
      %dma_wait3A_359 = arith.constant 0 : i32
      %dma_wait3A_360 = tpu.memref_slice %arg2[%dma_wait3A_358, %dma_wait3A_359] : memref<20480x64xf32, #tpu.memory_space<hbm>> -> memref<20480x64xf32, #tpu.memory_space<hbm>>
      tpu.wait_indirect_dma semaphore(%arg23 : memref<!tpu.dma_semaphore, #tpu.memory_space<semaphore_mem>>) src(%dma_wait3A_360 : memref<20480x64xf32, #tpu.memory_space<hbm>>) dst(%arg15 : memref<128x64xf32, #tpu.memory_space<vmem>>)
      %add3A_361 = arith.constant 6 : i32
      %add3A_362 = arith.addi %add3A_256, %add3A_361 : i32
      %dma_start3A_363 = arith.constant 0 : i32
      %dma_start3A_364 = tpu.memref_slice %arg8[%add3A_362, %dma_start3A_363] : memref<80x128xi32, #tpu.memory_space<vmem>> -> memref<1x128xi32, #tpu.memory_space<vmem>>
      %dma_start3A_365 = tpu.memref_squeeze %dma_start3A_364 : memref<1x128xi32, #tpu.memory_space<vmem>> -> memref<128xi32, #tpu.memory_space<vmem>>
      %dma_start3A_366 = arith.constant 0 : i32
      %dma_start3A_367 = arith.constant 0 : i32
      %dma_start3A_368 = tpu.memref_slice %arg33[%dma_start3A_366, %dma_start3A_367] : memref<10240x64xf32, #tpu.memory_space<vmem_shared>> -> memref<10240x64xf32, #tpu.memory_space<vmem_shared>>
      tpu.enqueue_indirect_dma source(%arg15 : memref<128x64xf32, #tpu.memory_space<vmem>>) target(%dma_start3A_368 : memref<10240x64xf32, #tpu.memory_space<vmem_shared>>) offsets(%dma_start3A_365 : memref<128xi32, #tpu.memory_space<vmem>>) semaphore(%arg31 : memref<!tpu.dma_semaphore, #tpu.memory_space<semaphore_mem>>) {add = true}
      %add3A_369 = arith.constant 7 : i32
      %add3A_370 = arith.addi %add3A_256, %add3A_369 : i32
      %dma_wait3A_371 = arith.constant 0 : i32
      %dma_wait3A_372 = tpu.memref_slice %arg7[%add3A_370, %dma_wait3A_371] : memref<80x128xi32, #tpu.memory_space<vmem>> -> memref<1x128xi32, #tpu.memory_space<vmem>>
      %dma_wait3A_373 = tpu.memref_squeeze %dma_wait3A_372 : memref<1x128xi32, #tpu.memory_space<vmem>> -> memref<128xi32, #tpu.memory_space<vmem>>
      %dma_wait3A_374 = arith.constant 0 : i32
      %dma_wait3A_375 = arith.constant 0 : i32
      %dma_wait3A_376 = tpu.memref_slice %arg2[%dma_wait3A_374, %dma_wait3A_375] : memref<20480x64xf32, #tpu.memory_space<hbm>> -> memref<20480x64xf32, #tpu.memory_space<hbm>>
      tpu.wait_indirect_dma semaphore(%arg24 : memref<!tpu.dma_semaphore, #tpu.memory_space<semaphore_mem>>) src(%dma_wait3A_376 : memref<20480x64xf32, #tpu.memory_space<hbm>>) dst(%arg16 : memref<128x64xf32, #tpu.memory_space<vmem>>)
      %add3A_377 = arith.constant 7 : i32
      %add3A_378 = arith.addi %add3A_256, %add3A_377 : i32
      %dma_start3A_379 = arith.constant 0 : i32
      %dma_start3A_380 = tpu.memref_slice %arg8[%add3A_378, %dma_start3A_379] : memref<80x128xi32, #tpu.memory_space<vmem>> -> memref<1x128xi32, #tpu.memory_space<vmem>>
      %dma_start3A_381 = tpu.memref_squeeze %dma_start3A_380 : memref<1x128xi32, #tpu.memory_space<vmem>> -> memref<128xi32, #tpu.memory_space<vmem>>
      %dma_start3A_382 = arith.constant 0 : i32
      %dma_start3A_383 = arith.constant 0 : i32
      %dma_start3A_384 = tpu.memref_slice %arg33[%dma_start3A_382, %dma_start3A_383] : memref<10240x64xf32, #tpu.memory_space<vmem_shared>> -> memref<10240x64xf32, #tpu.memory_space<vmem_shared>>
      tpu.enqueue_indirect_dma source(%arg16 : memref<128x64xf32, #tpu.memory_space<vmem>>) target(%dma_start3A_384 : memref<10240x64xf32, #tpu.memory_space<vmem_shared>>) offsets(%dma_start3A_381 : memref<128xi32, #tpu.memory_space<vmem>>) semaphore(%arg32 : memref<!tpu.dma_semaphore, #tpu.memory_space<semaphore_mem>>) {add = true}
      %add3A_385 = arith.constant 8 : i32
      %add3A_386 = arith.addi %add3A_256, %add3A_385 : i32
      %add3A_387 = arith.constant 0 : i32
      %add3A_388 = arith.addi %add3A_386, %add3A_387 : i32
      %lt3A = arith.constant 80 : i32
      %lt3A_389 = arith.cmpi slt, %add3A_388, %lt3A : i32
      %convert_element_type3A = arith.extui %lt3A_389 : i1 to i32
      %cond3A = arith.constant 0 : i32
      %cond3A_390 = arith.cmpi ne, %convert_element_type3A, %cond3A : i32
      scf.if %cond3A_390 {
        %add3A_454 = arith.constant 0 : i32
        %add3A_455 = arith.addi %add3A_256, %add3A_454 : i32
        %dma_wait3A_456 = arith.constant 0 : i32
        %dma_wait3A_457 = tpu.memref_slice %arg8[%add3A_455, %dma_wait3A_456] : memref<80x128xi32, #tpu.memory_space<vmem>> -> memref<1x128xi32, #tpu.memory_space<vmem>>
        %dma_wait3A_458 = tpu.memref_squeeze %dma_wait3A_457 : memref<1x128xi32, #tpu.memory_space<vmem>> -> memref<128xi32, #tpu.memory_space<vmem>>
        %dma_wait3A_459 = arith.constant 0 : i32
        %dma_wait3A_460 = arith.constant 0 : i32
        %dma_wait3A_461 = tpu.memref_slice %arg33[%dma_wait3A_459, %dma_wait3A_460] : memref<10240x64xf32, #tpu.memory_space<vmem_shared>> -> memref<10240x64xf32, #tpu.memory_space<vmem_shared>>
        tpu.wait_indirect_dma semaphore(%arg25 : memref<!tpu.dma_semaphore, #tpu.memory_space<semaphore_mem>>) src(%arg9 : memref<128x64xf32, #tpu.memory_space<vmem>>) dst(%dma_wait3A_461 : memref<10240x64xf32, #tpu.memory_space<vmem_shared>>)
        %dma_start3A_462 = arith.constant 0 : i32
        %dma_start3A_463 = tpu.memref_slice %arg7[%add3A_388, %dma_start3A_462] : memref<80x128xi32, #tpu.memory_space<vmem>> -> memref<1x128xi32, #tpu.memory_space<vmem>>
        %dma_start3A_464 = tpu.memref_squeeze %dma_start3A_463 : memref<1x128xi32, #tpu.memory_space<vmem>> -> memref<128xi32, #tpu.memory_space<vmem>>
        %dma_start3A_465 = arith.constant 0 : i32
        %dma_start3A_466 = arith.constant 0 : i32
        %dma_start3A_467 = tpu.memref_slice %arg2[%dma_start3A_465, %dma_start3A_466] : memref<20480x64xf32, #tpu.memory_space<hbm>> -> memref<20480x64xf32, #tpu.memory_space<hbm>>
        tpu.enqueue_indirect_dma source(%dma_start3A_467 : memref<20480x64xf32, #tpu.memory_space<hbm>>) target(%arg9 : memref<128x64xf32, #tpu.memory_space<vmem>>) offsets(%dma_start3A_464 : memref<128xi32, #tpu.memory_space<vmem>>) semaphore(%arg17 : memref<!tpu.dma_semaphore, #tpu.memory_space<semaphore_mem>>)
      } else {
      }
      %add3A_391 = arith.constant 8 : i32
      %add3A_392 = arith.addi %add3A_256, %add3A_391 : i32
      %add3A_393 = arith.constant 1 : i32
      %add3A_394 = arith.addi %add3A_392, %add3A_393 : i32
      %lt3A_395 = arith.constant 80 : i32
      %lt3A_396 = arith.cmpi slt, %add3A_394, %lt3A_395 : i32
      %convert_element_type3A_397 = arith.extui %lt3A_396 : i1 to i32
      %cond3A_398 = arith.constant 0 : i32
      %cond3A_399 = arith.cmpi ne, %convert_element_type3A_397, %cond3A_398 : i32
      scf.if %cond3A_399 {
        %add3A_454 = arith.constant 1 : i32
        %add3A_455 = arith.addi %add3A_256, %add3A_454 : i32
        %dma_wait3A_456 = arith.constant 0 : i32
        %dma_wait3A_457 = tpu.memref_slice %arg8[%add3A_455, %dma_wait3A_456] : memref<80x128xi32, #tpu.memory_space<vmem>> -> memref<1x128xi32, #tpu.memory_space<vmem>>
        %dma_wait3A_458 = tpu.memref_squeeze %dma_wait3A_457 : memref<1x128xi32, #tpu.memory_space<vmem>> -> memref<128xi32, #tpu.memory_space<vmem>>
        %dma_wait3A_459 = arith.constant 0 : i32
        %dma_wait3A_460 = arith.constant 0 : i32
        %dma_wait3A_461 = tpu.memref_slice %arg33[%dma_wait3A_459, %dma_wait3A_460] : memref<10240x64xf32, #tpu.memory_space<vmem_shared>> -> memref<10240x64xf32, #tpu.memory_space<vmem_shared>>
        tpu.wait_indirect_dma semaphore(%arg26 : memref<!tpu.dma_semaphore, #tpu.memory_space<semaphore_mem>>) src(%arg10 : memref<128x64xf32, #tpu.memory_space<vmem>>) dst(%dma_wait3A_461 : memref<10240x64xf32, #tpu.memory_space<vmem_shared>>)
        %dma_start3A_462 = arith.constant 0 : i32
        %dma_start3A_463 = tpu.memref_slice %arg7[%add3A_394, %dma_start3A_462] : memref<80x128xi32, #tpu.memory_space<vmem>> -> memref<1x128xi32, #tpu.memory_space<vmem>>
        %dma_start3A_464 = tpu.memref_squeeze %dma_start3A_463 : memref<1x128xi32, #tpu.memory_space<vmem>> -> memref<128xi32, #tpu.memory_space<vmem>>
        %dma_start3A_465 = arith.constant 0 : i32
        %dma_start3A_466 = arith.constant 0 : i32
        %dma_start3A_467 = tpu.memref_slice %arg2[%dma_start3A_465, %dma_start3A_466] : memref<20480x64xf32, #tpu.memory_space<hbm>> -> memref<20480x64xf32, #tpu.memory_space<hbm>>
        tpu.enqueue_indirect_dma source(%dma_start3A_467 : memref<20480x64xf32, #tpu.memory_space<hbm>>) target(%arg10 : memref<128x64xf32, #tpu.memory_space<vmem>>) offsets(%dma_start3A_464 : memref<128xi32, #tpu.memory_space<vmem>>) semaphore(%arg18 : memref<!tpu.dma_semaphore, #tpu.memory_space<semaphore_mem>>)
      } else {
      }
      %add3A_400 = arith.constant 8 : i32
      %add3A_401 = arith.addi %add3A_256, %add3A_400 : i32
      %add3A_402 = arith.constant 2 : i32
      %add3A_403 = arith.addi %add3A_401, %add3A_402 : i32
      %lt3A_404 = arith.constant 80 : i32
      %lt3A_405 = arith.cmpi slt, %add3A_403, %lt3A_404 : i32
      %convert_element_type3A_406 = arith.extui %lt3A_405 : i1 to i32
      %cond3A_407 = arith.constant 0 : i32
      %cond3A_408 = arith.cmpi ne, %convert_element_type3A_406, %cond3A_407 : i32
      scf.if %cond3A_408 {
        %add3A_454 = arith.constant 2 : i32
        %add3A_455 = arith.addi %add3A_256, %add3A_454 : i32
        %dma_wait3A_456 = arith.constant 0 : i32
        %dma_wait3A_457 = tpu.memref_slice %arg8[%add3A_455, %dma_wait3A_456] : memref<80x128xi32, #tpu.memory_space<vmem>> -> memref<1x128xi32, #tpu.memory_space<vmem>>
        %dma_wait3A_458 = tpu.memref_squeeze %dma_wait3A_457 : memref<1x128xi32, #tpu.memory_space<vmem>> -> memref<128xi32, #tpu.memory_space<vmem>>
        %dma_wait3A_459 = arith.constant 0 : i32
        %dma_wait3A_460 = arith.constant 0 : i32
        %dma_wait3A_461 = tpu.memref_slice %arg33[%dma_wait3A_459, %dma_wait3A_460] : memref<10240x64xf32, #tpu.memory_space<vmem_shared>> -> memref<10240x64xf32, #tpu.memory_space<vmem_shared>>
        tpu.wait_indirect_dma semaphore(%arg27 : memref<!tpu.dma_semaphore, #tpu.memory_space<semaphore_mem>>) src(%arg11 : memref<128x64xf32, #tpu.memory_space<vmem>>) dst(%dma_wait3A_461 : memref<10240x64xf32, #tpu.memory_space<vmem_shared>>)
        %dma_start3A_462 = arith.constant 0 : i32
        %dma_start3A_463 = tpu.memref_slice %arg7[%add3A_403, %dma_start3A_462] : memref<80x128xi32, #tpu.memory_space<vmem>> -> memref<1x128xi32, #tpu.memory_space<vmem>>
        %dma_start3A_464 = tpu.memref_squeeze %dma_start3A_463 : memref<1x128xi32, #tpu.memory_space<vmem>> -> memref<128xi32, #tpu.memory_space<vmem>>
        %dma_start3A_465 = arith.constant 0 : i32
        %dma_start3A_466 = arith.constant 0 : i32
        %dma_start3A_467 = tpu.memref_slice %arg2[%dma_start3A_465, %dma_start3A_466] : memref<20480x64xf32, #tpu.memory_space<hbm>> -> memref<20480x64xf32, #tpu.memory_space<hbm>>
        tpu.enqueue_indirect_dma source(%dma_start3A_467 : memref<20480x64xf32, #tpu.memory_space<hbm>>) target(%arg11 : memref<128x64xf32, #tpu.memory_space<vmem>>) offsets(%dma_start3A_464 : memref<128xi32, #tpu.memory_space<vmem>>) semaphore(%arg19 : memref<!tpu.dma_semaphore, #tpu.memory_space<semaphore_mem>>)
      } else {
      }
      %add3A_409 = arith.constant 8 : i32
      %add3A_410 = arith.addi %add3A_256, %add3A_409 : i32
      %add3A_411 = arith.constant 3 : i32
      %add3A_412 = arith.addi %add3A_410, %add3A_411 : i32
      %lt3A_413 = arith.constant 80 : i32
      %lt3A_414 = arith.cmpi slt, %add3A_412, %lt3A_413 : i32
      %convert_element_type3A_415 = arith.extui %lt3A_414 : i1 to i32
      %cond3A_416 = arith.constant 0 : i32
      %cond3A_417 = arith.cmpi ne, %convert_element_type3A_415, %cond3A_416 : i32
      scf.if %cond3A_417 {
        %add3A_454 = arith.constant 3 : i32
        %add3A_455 = arith.addi %add3A_256, %add3A_454 : i32
        %dma_wait3A_456 = arith.constant 0 : i32
        %dma_wait3A_457 = tpu.memref_slice %arg8[%add3A_455, %dma_wait3A_456] : memref<80x128xi32, #tpu.memory_space<vmem>> -> memref<1x128xi32, #tpu.memory_space<vmem>>
        %dma_wait3A_458 = tpu.memref_squeeze %dma_wait3A_457 : memref<1x128xi32, #tpu.memory_space<vmem>> -> memref<128xi32, #tpu.memory_space<vmem>>
        %dma_wait3A_459 = arith.constant 0 : i32
        %dma_wait3A_460 = arith.constant 0 : i32
        %dma_wait3A_461 = tpu.memref_slice %arg33[%dma_wait3A_459, %dma_wait3A_460] : memref<10240x64xf32, #tpu.memory_space<vmem_shared>> -> memref<10240x64xf32, #tpu.memory_space<vmem_shared>>
        tpu.wait_indirect_dma semaphore(%arg28 : memref<!tpu.dma_semaphore, #tpu.memory_space<semaphore_mem>>) src(%arg12 : memref<128x64xf32, #tpu.memory_space<vmem>>) dst(%dma_wait3A_461 : memref<10240x64xf32, #tpu.memory_space<vmem_shared>>)
        %dma_start3A_462 = arith.constant 0 : i32
        %dma_start3A_463 = tpu.memref_slice %arg7[%add3A_412, %dma_start3A_462] : memref<80x128xi32, #tpu.memory_space<vmem>> -> memref<1x128xi32, #tpu.memory_space<vmem>>
        %dma_start3A_464 = tpu.memref_squeeze %dma_start3A_463 : memref<1x128xi32, #tpu.memory_space<vmem>> -> memref<128xi32, #tpu.memory_space<vmem>>
        %dma_start3A_465 = arith.constant 0 : i32
        %dma_start3A_466 = arith.constant 0 : i32
        %dma_start3A_467 = tpu.memref_slice %arg2[%dma_start3A_465, %dma_start3A_466] : memref<20480x64xf32, #tpu.memory_space<hbm>> -> memref<20480x64xf32, #tpu.memory_space<hbm>>
        tpu.enqueue_indirect_dma source(%dma_start3A_467 : memref<20480x64xf32, #tpu.memory_space<hbm>>) target(%arg12 : memref<128x64xf32, #tpu.memory_space<vmem>>) offsets(%dma_start3A_464 : memref<128xi32, #tpu.memory_space<vmem>>) semaphore(%arg20 : memref<!tpu.dma_semaphore, #tpu.memory_space<semaphore_mem>>)
      } else {
      }
      %add3A_418 = arith.constant 8 : i32
      %add3A_419 = arith.addi %add3A_256, %add3A_418 : i32
      %add3A_420 = arith.constant 4 : i32
      %add3A_421 = arith.addi %add3A_419, %add3A_420 : i32
      %lt3A_422 = arith.constant 80 : i32
      %lt3A_423 = arith.cmpi slt, %add3A_421, %lt3A_422 : i32
      %convert_element_type3A_424 = arith.extui %lt3A_423 : i1 to i32
      %cond3A_425 = arith.constant 0 : i32
      %cond3A_426 = arith.cmpi ne, %convert_element_type3A_424, %cond3A_425 : i32
      scf.if %cond3A_426 {
        %add3A_454 = arith.constant 4 : i32
        %add3A_455 = arith.addi %add3A_256, %add3A_454 : i32
        %dma_wait3A_456 = arith.constant 0 : i32
        %dma_wait3A_457 = tpu.memref_slice %arg8[%add3A_455, %dma_wait3A_456] : memref<80x128xi32, #tpu.memory_space<vmem>> -> memref<1x128xi32, #tpu.memory_space<vmem>>
        %dma_wait3A_458 = tpu.memref_squeeze %dma_wait3A_457 : memref<1x128xi32, #tpu.memory_space<vmem>> -> memref<128xi32, #tpu.memory_space<vmem>>
        %dma_wait3A_459 = arith.constant 0 : i32
        %dma_wait3A_460 = arith.constant 0 : i32
        %dma_wait3A_461 = tpu.memref_slice %arg33[%dma_wait3A_459, %dma_wait3A_460] : memref<10240x64xf32, #tpu.memory_space<vmem_shared>> -> memref<10240x64xf32, #tpu.memory_space<vmem_shared>>
        tpu.wait_indirect_dma semaphore(%arg29 : memref<!tpu.dma_semaphore, #tpu.memory_space<semaphore_mem>>) src(%arg13 : memref<128x64xf32, #tpu.memory_space<vmem>>) dst(%dma_wait3A_461 : memref<10240x64xf32, #tpu.memory_space<vmem_shared>>)
        %dma_start3A_462 = arith.constant 0 : i32
        %dma_start3A_463 = tpu.memref_slice %arg7[%add3A_421, %dma_start3A_462] : memref<80x128xi32, #tpu.memory_space<vmem>> -> memref<1x128xi32, #tpu.memory_space<vmem>>
        %dma_start3A_464 = tpu.memref_squeeze %dma_start3A_463 : memref<1x128xi32, #tpu.memory_space<vmem>> -> memref<128xi32, #tpu.memory_space<vmem>>
        %dma_start3A_465 = arith.constant 0 : i32
        %dma_start3A_466 = arith.constant 0 : i32
        %dma_start3A_467 = tpu.memref_slice %arg2[%dma_start3A_465, %dma_start3A_466] : memref<20480x64xf32, #tpu.memory_space<hbm>> -> memref<20480x64xf32, #tpu.memory_space<hbm>>
        tpu.enqueue_indirect_dma source(%dma_start3A_467 : memref<20480x64xf32, #tpu.memory_space<hbm>>) target(%arg13 : memref<128x64xf32, #tpu.memory_space<vmem>>) offsets(%dma_start3A_464 : memref<128xi32, #tpu.memory_space<vmem>>) semaphore(%arg21 : memref<!tpu.dma_semaphore, #tpu.memory_space<semaphore_mem>>)
      } else {
      }
      %add3A_427 = arith.constant 8 : i32
      %add3A_428 = arith.addi %add3A_256, %add3A_427 : i32
      %add3A_429 = arith.constant 5 : i32
      %add3A_430 = arith.addi %add3A_428, %add3A_429 : i32
      %lt3A_431 = arith.constant 80 : i32
      %lt3A_432 = arith.cmpi slt, %add3A_430, %lt3A_431 : i32
      %convert_element_type3A_433 = arith.extui %lt3A_432 : i1 to i32
      %cond3A_434 = arith.constant 0 : i32
      %cond3A_435 = arith.cmpi ne, %convert_element_type3A_433, %cond3A_434 : i32
      scf.if %cond3A_435 {
        %add3A_454 = arith.constant 5 : i32
        %add3A_455 = arith.addi %add3A_256, %add3A_454 : i32
        %dma_wait3A_456 = arith.constant 0 : i32
        %dma_wait3A_457 = tpu.memref_slice %arg8[%add3A_455, %dma_wait3A_456] : memref<80x128xi32, #tpu.memory_space<vmem>> -> memref<1x128xi32, #tpu.memory_space<vmem>>
        %dma_wait3A_458 = tpu.memref_squeeze %dma_wait3A_457 : memref<1x128xi32, #tpu.memory_space<vmem>> -> memref<128xi32, #tpu.memory_space<vmem>>
        %dma_wait3A_459 = arith.constant 0 : i32
        %dma_wait3A_460 = arith.constant 0 : i32
        %dma_wait3A_461 = tpu.memref_slice %arg33[%dma_wait3A_459, %dma_wait3A_460] : memref<10240x64xf32, #tpu.memory_space<vmem_shared>> -> memref<10240x64xf32, #tpu.memory_space<vmem_shared>>
        tpu.wait_indirect_dma semaphore(%arg30 : memref<!tpu.dma_semaphore, #tpu.memory_space<semaphore_mem>>) src(%arg14 : memref<128x64xf32, #tpu.memory_space<vmem>>) dst(%dma_wait3A_461 : memref<10240x64xf32, #tpu.memory_space<vmem_shared>>)
        %dma_start3A_462 = arith.constant 0 : i32
        %dma_start3A_463 = tpu.memref_slice %arg7[%add3A_430, %dma_start3A_462] : memref<80x128xi32, #tpu.memory_space<vmem>> -> memref<1x128xi32, #tpu.memory_space<vmem>>
        %dma_start3A_464 = tpu.memref_squeeze %dma_start3A_463 : memref<1x128xi32, #tpu.memory_space<vmem>> -> memref<128xi32, #tpu.memory_space<vmem>>
        %dma_start3A_465 = arith.constant 0 : i32
        %dma_start3A_466 = arith.constant 0 : i32
        %dma_start3A_467 = tpu.memref_slice %arg2[%dma_start3A_465, %dma_start3A_466] : memref<20480x64xf32, #tpu.memory_space<hbm>> -> memref<20480x64xf32, #tpu.memory_space<hbm>>
        tpu.enqueue_indirect_dma source(%dma_start3A_467 : memref<20480x64xf32, #tpu.memory_space<hbm>>) target(%arg14 : memref<128x64xf32, #tpu.memory_space<vmem>>) offsets(%dma_start3A_464 : memref<128xi32, #tpu.memory_space<vmem>>) semaphore(%arg22 : memref<!tpu.dma_semaphore, #tpu.memory_space<semaphore_mem>>)
      } else {
      }
      %add3A_436 = arith.constant 8 : i32
      %add3A_437 = arith.addi %add3A_256, %add3A_436 : i32
      %add3A_438 = arith.constant 6 : i32
      %add3A_439 = arith.addi %add3A_437, %add3A_438 : i32
      %lt3A_440 = arith.constant 80 : i32
      %lt3A_441 = arith.cmpi slt, %add3A_439, %lt3A_440 : i32
      %convert_element_type3A_442 = arith.extui %lt3A_441 : i1 to i32
      %cond3A_443 = arith.constant 0 : i32
      %cond3A_444 = arith.cmpi ne, %convert_element_type3A_442, %cond3A_443 : i32
      scf.if %cond3A_444 {
        %add3A_454 = arith.constant 6 : i32
        %add3A_455 = arith.addi %add3A_256, %add3A_454 : i32
        %dma_wait3A_456 = arith.constant 0 : i32
        %dma_wait3A_457 = tpu.memref_slice %arg8[%add3A_455, %dma_wait3A_456] : memref<80x128xi32, #tpu.memory_space<vmem>> -> memref<1x128xi32, #tpu.memory_space<vmem>>
        %dma_wait3A_458 = tpu.memref_squeeze %dma_wait3A_457 : memref<1x128xi32, #tpu.memory_space<vmem>> -> memref<128xi32, #tpu.memory_space<vmem>>
        %dma_wait3A_459 = arith.constant 0 : i32
        %dma_wait3A_460 = arith.constant 0 : i32
        %dma_wait3A_461 = tpu.memref_slice %arg33[%dma_wait3A_459, %dma_wait3A_460] : memref<10240x64xf32, #tpu.memory_space<vmem_shared>> -> memref<10240x64xf32, #tpu.memory_space<vmem_shared>>
        tpu.wait_indirect_dma semaphore(%arg31 : memref<!tpu.dma_semaphore, #tpu.memory_space<semaphore_mem>>) src(%arg15 : memref<128x64xf32, #tpu.memory_space<vmem>>) dst(%dma_wait3A_461 : memref<10240x64xf32, #tpu.memory_space<vmem_shared>>)
        %dma_start3A_462 = arith.constant 0 : i32
        %dma_start3A_463 = tpu.memref_slice %arg7[%add3A_439, %dma_start3A_462] : memref<80x128xi32, #tpu.memory_space<vmem>> -> memref<1x128xi32, #tpu.memory_space<vmem>>
        %dma_start3A_464 = tpu.memref_squeeze %dma_start3A_463 : memref<1x128xi32, #tpu.memory_space<vmem>> -> memref<128xi32, #tpu.memory_space<vmem>>
        %dma_start3A_465 = arith.constant 0 : i32
        %dma_start3A_466 = arith.constant 0 : i32
        %dma_start3A_467 = tpu.memref_slice %arg2[%dma_start3A_465, %dma_start3A_466] : memref<20480x64xf32, #tpu.memory_space<hbm>> -> memref<20480x64xf32, #tpu.memory_space<hbm>>
        tpu.enqueue_indirect_dma source(%dma_start3A_467 : memref<20480x64xf32, #tpu.memory_space<hbm>>) target(%arg15 : memref<128x64xf32, #tpu.memory_space<vmem>>) offsets(%dma_start3A_464 : memref<128xi32, #tpu.memory_space<vmem>>) semaphore(%arg23 : memref<!tpu.dma_semaphore, #tpu.memory_space<semaphore_mem>>)
      } else {
      }
      %add3A_445 = arith.constant 8 : i32
      %add3A_446 = arith.addi %add3A_256, %add3A_445 : i32
      %add3A_447 = arith.constant 7 : i32
      %add3A_448 = arith.addi %add3A_446, %add3A_447 : i32
      %lt3A_449 = arith.constant 80 : i32
      %lt3A_450 = arith.cmpi slt, %add3A_448, %lt3A_449 : i32
      %convert_element_type3A_451 = arith.extui %lt3A_450 : i1 to i32
      %cond3A_452 = arith.constant 0 : i32
      %cond3A_453 = arith.cmpi ne, %convert_element_type3A_451, %cond3A_452 : i32
      scf.if %cond3A_453 {
        %add3A_454 = arith.constant 7 : i32
        %add3A_455 = arith.addi %add3A_256, %add3A_454 : i32
        %dma_wait3A_456 = arith.constant 0 : i32
        %dma_wait3A_457 = tpu.memref_slice %arg8[%add3A_455, %dma_wait3A_456] : memref<80x128xi32, #tpu.memory_space<vmem>> -> memref<1x128xi32, #tpu.memory_space<vmem>>
        %dma_wait3A_458 = tpu.memref_squeeze %dma_wait3A_457 : memref<1x128xi32, #tpu.memory_space<vmem>> -> memref<128xi32, #tpu.memory_space<vmem>>
        %dma_wait3A_459 = arith.constant 0 : i32
        %dma_wait3A_460 = arith.constant 0 : i32
        %dma_wait3A_461 = tpu.memref_slice %arg33[%dma_wait3A_459, %dma_wait3A_460] : memref<10240x64xf32, #tpu.memory_space<vmem_shared>> -> memref<10240x64xf32, #tpu.memory_space<vmem_shared>>
        tpu.wait_indirect_dma semaphore(%arg32 : memref<!tpu.dma_semaphore, #tpu.memory_space<semaphore_mem>>) src(%arg16 : memref<128x64xf32, #tpu.memory_space<vmem>>) dst(%dma_wait3A_461 : memref<10240x64xf32, #tpu.memory_space<vmem_shared>>)
        %dma_start3A_462 = arith.constant 0 : i32
        %dma_start3A_463 = tpu.memref_slice %arg7[%add3A_448, %dma_start3A_462] : memref<80x128xi32, #tpu.memory_space<vmem>> -> memref<1x128xi32, #tpu.memory_space<vmem>>
        %dma_start3A_464 = tpu.memref_squeeze %dma_start3A_463 : memref<1x128xi32, #tpu.memory_space<vmem>> -> memref<128xi32, #tpu.memory_space<vmem>>
        %dma_start3A_465 = arith.constant 0 : i32
        %dma_start3A_466 = arith.constant 0 : i32
        %dma_start3A_467 = tpu.memref_slice %arg2[%dma_start3A_465, %dma_start3A_466] : memref<20480x64xf32, #tpu.memory_space<hbm>> -> memref<20480x64xf32, #tpu.memory_space<hbm>>
        tpu.enqueue_indirect_dma source(%dma_start3A_467 : memref<20480x64xf32, #tpu.memory_space<hbm>>) target(%arg16 : memref<128x64xf32, #tpu.memory_space<vmem>>) offsets(%dma_start3A_464 : memref<128xi32, #tpu.memory_space<vmem>>) semaphore(%arg24 : memref<!tpu.dma_semaphore, #tpu.memory_space<semaphore_mem>>)
      } else {
      }
    }
    %scan3A_193 = arith.constant 10 : i32
    %dma_wait3A_194 = arith.constant 72 : i32
    %dma_wait3A_195 = arith.constant 0 : i32
    %dma_wait3A_196 = tpu.memref_slice %arg8[%dma_wait3A_194, %dma_wait3A_195] : memref<80x128xi32, #tpu.memory_space<vmem>> -> memref<1x128xi32, #tpu.memory_space<vmem>>
    %dma_wait3A_197 = tpu.memref_squeeze %dma_wait3A_196 : memref<1x128xi32, #tpu.memory_space<vmem>> -> memref<128xi32, #tpu.memory_space<vmem>>
    %dma_wait3A_198 = arith.constant 0 : i32
    %dma_wait3A_199 = arith.constant 0 : i32
    %dma_wait3A_200 = tpu.memref_slice %arg33[%dma_wait3A_198, %dma_wait3A_199] : memref<10240x64xf32, #tpu.memory_space<vmem_shared>> -> memref<10240x64xf32, #tpu.memory_space<vmem_shared>>
    tpu.wait_indirect_dma semaphore(%arg25 : memref<!tpu.dma_semaphore, #tpu.memory_space<semaphore_mem>>) src(%arg9 : memref<128x64xf32, #tpu.memory_space<vmem>>) dst(%dma_wait3A_200 : memref<10240x64xf32, #tpu.memory_space<vmem_shared>>)
    %dma_wait3A_201 = arith.constant 73 : i32
    %dma_wait3A_202 = arith.constant 0 : i32
    %dma_wait3A_203 = tpu.memref_slice %arg8[%dma_wait3A_201, %dma_wait3A_202] : memref<80x128xi32, #tpu.memory_space<vmem>> -> memref<1x128xi32, #tpu.memory_space<vmem>>
    %dma_wait3A_204 = tpu.memref_squeeze %dma_wait3A_203 : memref<1x128xi32, #tpu.memory_space<vmem>> -> memref<128xi32, #tpu.memory_space<vmem>>
    %dma_wait3A_205 = arith.constant 0 : i32
    %dma_wait3A_206 = arith.constant 0 : i32
    %dma_wait3A_207 = tpu.memref_slice %arg33[%dma_wait3A_205, %dma_wait3A_206] : memref<10240x64xf32, #tpu.memory_space<vmem_shared>> -> memref<10240x64xf32, #tpu.memory_space<vmem_shared>>
    tpu.wait_indirect_dma semaphore(%arg26 : memref<!tpu.dma_semaphore, #tpu.memory_space<semaphore_mem>>) src(%arg10 : memref<128x64xf32, #tpu.memory_space<vmem>>) dst(%dma_wait3A_207 : memref<10240x64xf32, #tpu.memory_space<vmem_shared>>)
    %dma_wait3A_208 = arith.constant 74 : i32
    %dma_wait3A_209 = arith.constant 0 : i32
    %dma_wait3A_210 = tpu.memref_slice %arg8[%dma_wait3A_208, %dma_wait3A_209] : memref<80x128xi32, #tpu.memory_space<vmem>> -> memref<1x128xi32, #tpu.memory_space<vmem>>
    %dma_wait3A_211 = tpu.memref_squeeze %dma_wait3A_210 : memref<1x128xi32, #tpu.memory_space<vmem>> -> memref<128xi32, #tpu.memory_space<vmem>>
    %dma_wait3A_212 = arith.constant 0 : i32
    %dma_wait3A_213 = arith.constant 0 : i32
    %dma_wait3A_214 = tpu.memref_slice %arg33[%dma_wait3A_212, %dma_wait3A_213] : memref<10240x64xf32, #tpu.memory_space<vmem_shared>> -> memref<10240x64xf32, #tpu.memory_space<vmem_shared>>
    tpu.wait_indirect_dma semaphore(%arg27 : memref<!tpu.dma_semaphore, #tpu.memory_space<semaphore_mem>>) src(%arg11 : memref<128x64xf32, #tpu.memory_space<vmem>>) dst(%dma_wait3A_214 : memref<10240x64xf32, #tpu.memory_space<vmem_shared>>)
    %dma_wait3A_215 = arith.constant 75 : i32
    %dma_wait3A_216 = arith.constant 0 : i32
    %dma_wait3A_217 = tpu.memref_slice %arg8[%dma_wait3A_215, %dma_wait3A_216] : memref<80x128xi32, #tpu.memory_space<vmem>> -> memref<1x128xi32, #tpu.memory_space<vmem>>
    %dma_wait3A_218 = tpu.memref_squeeze %dma_wait3A_217 : memref<1x128xi32, #tpu.memory_space<vmem>> -> memref<128xi32, #tpu.memory_space<vmem>>
    %dma_wait3A_219 = arith.constant 0 : i32
    %dma_wait3A_220 = arith.constant 0 : i32
    %dma_wait3A_221 = tpu.memref_slice %arg33[%dma_wait3A_219, %dma_wait3A_220] : memref<10240x64xf32, #tpu.memory_space<vmem_shared>> -> memref<10240x64xf32, #tpu.memory_space<vmem_shared>>
    tpu.wait_indirect_dma semaphore(%arg28 : memref<!tpu.dma_semaphore, #tpu.memory_space<semaphore_mem>>) src(%arg12 : memref<128x64xf32, #tpu.memory_space<vmem>>) dst(%dma_wait3A_221 : memref<10240x64xf32, #tpu.memory_space<vmem_shared>>)
    %dma_wait3A_222 = arith.constant 76 : i32
    %dma_wait3A_223 = arith.constant 0 : i32
    %dma_wait3A_224 = tpu.memref_slice %arg8[%dma_wait3A_222, %dma_wait3A_223] : memref<80x128xi32, #tpu.memory_space<vmem>> -> memref<1x128xi32, #tpu.memory_space<vmem>>
    %dma_wait3A_225 = tpu.memref_squeeze %dma_wait3A_224 : memref<1x128xi32, #tpu.memory_space<vmem>> -> memref<128xi32, #tpu.memory_space<vmem>>
    %dma_wait3A_226 = arith.constant 0 : i32
    %dma_wait3A_227 = arith.constant 0 : i32
    %dma_wait3A_228 = tpu.memref_slice %arg33[%dma_wait3A_226, %dma_wait3A_227] : memref<10240x64xf32, #tpu.memory_space<vmem_shared>> -> memref<10240x64xf32, #tpu.memory_space<vmem_shared>>
    tpu.wait_indirect_dma semaphore(%arg29 : memref<!tpu.dma_semaphore, #tpu.memory_space<semaphore_mem>>) src(%arg13 : memref<128x64xf32, #tpu.memory_space<vmem>>) dst(%dma_wait3A_228 : memref<10240x64xf32, #tpu.memory_space<vmem_shared>>)
    %dma_wait3A_229 = arith.constant 77 : i32
    %dma_wait3A_230 = arith.constant 0 : i32
    %dma_wait3A_231 = tpu.memref_slice %arg8[%dma_wait3A_229, %dma_wait3A_230] : memref<80x128xi32, #tpu.memory_space<vmem>> -> memref<1x128xi32, #tpu.memory_space<vmem>>
    %dma_wait3A_232 = tpu.memref_squeeze %dma_wait3A_231 : memref<1x128xi32, #tpu.memory_space<vmem>> -> memref<128xi32, #tpu.memory_space<vmem>>
    %dma_wait3A_233 = arith.constant 0 : i32
    %dma_wait3A_234 = arith.constant 0 : i32
    %dma_wait3A_235 = tpu.memref_slice %arg33[%dma_wait3A_233, %dma_wait3A_234] : memref<10240x64xf32, #tpu.memory_space<vmem_shared>> -> memref<10240x64xf32, #tpu.memory_space<vmem_shared>>
    tpu.wait_indirect_dma semaphore(%arg30 : memref<!tpu.dma_semaphore, #tpu.memory_space<semaphore_mem>>) src(%arg14 : memref<128x64xf32, #tpu.memory_space<vmem>>) dst(%dma_wait3A_235 : memref<10240x64xf32, #tpu.memory_space<vmem_shared>>)
    %dma_wait3A_236 = arith.constant 78 : i32
    %dma_wait3A_237 = arith.constant 0 : i32
    %dma_wait3A_238 = tpu.memref_slice %arg8[%dma_wait3A_236, %dma_wait3A_237] : memref<80x128xi32, #tpu.memory_space<vmem>> -> memref<1x128xi32, #tpu.memory_space<vmem>>
    %dma_wait3A_239 = tpu.memref_squeeze %dma_wait3A_238 : memref<1x128xi32, #tpu.memory_space<vmem>> -> memref<128xi32, #tpu.memory_space<vmem>>
    %dma_wait3A_240 = arith.constant 0 : i32
    %dma_wait3A_241 = arith.constant 0 : i32
    %dma_wait3A_242 = tpu.memref_slice %arg33[%dma_wait3A_240, %dma_wait3A_241] : memref<10240x64xf32, #tpu.memory_space<vmem_shared>> -> memref<10240x64xf32, #tpu.memory_space<vmem_shared>>
    tpu.wait_indirect_dma semaphore(%arg31 : memref<!tpu.dma_semaphore, #tpu.memory_space<semaphore_mem>>) src(%arg15 : memref<128x64xf32, #tpu.memory_space<vmem>>) dst(%dma_wait3A_242 : memref<10240x64xf32, #tpu.memory_space<vmem_shared>>)
    %dma_wait3A_243 = arith.constant 79 : i32
    %dma_wait3A_244 = arith.constant 0 : i32
    %dma_wait3A_245 = tpu.memref_slice %arg8[%dma_wait3A_243, %dma_wait3A_244] : memref<80x128xi32, #tpu.memory_space<vmem>> -> memref<1x128xi32, #tpu.memory_space<vmem>>
    %dma_wait3A_246 = tpu.memref_squeeze %dma_wait3A_245 : memref<1x128xi32, #tpu.memory_space<vmem>> -> memref<128xi32, #tpu.memory_space<vmem>>
    %dma_wait3A_247 = arith.constant 0 : i32
    %dma_wait3A_248 = arith.constant 0 : i32
    %dma_wait3A_249 = tpu.memref_slice %arg33[%dma_wait3A_247, %dma_wait3A_248] : memref<10240x64xf32, #tpu.memory_space<vmem_shared>> -> memref<10240x64xf32, #tpu.memory_space<vmem_shared>>
    tpu.wait_indirect_dma semaphore(%arg32 : memref<!tpu.dma_semaphore, #tpu.memory_space<semaphore_mem>>) src(%arg16 : memref<128x64xf32, #tpu.memory_space<vmem>>) dst(%dma_wait3A_249 : memref<10240x64xf32, #tpu.memory_space<vmem_shared>>)
    %barrier3A_250 = arith.constant 0 : index
    tpu.barrier barrier_id(%barrier3A_250)
    "tpu.region"() ({
      %run_scoped3A = tpu.sem_alloc : memref<!tpu.dma_semaphore, #tpu.memory_space<semaphore_mem>>
      %dma_start3A_252 = arith.constant 64 : i32
      %dma_start3A_253 = tpu.memref_slice %arg6[%arg0, %multiple_of3A_5, %dma_start3A_252] : memref<2x10240x128xf32, #tpu.memory_space<hbm>> -> memref<1x640x64xf32, #tpu.memory_space<hbm>>
      %dma_start3A_254 = tpu.memref_squeeze %dma_start3A_253 : memref<1x640x64xf32, #tpu.memory_space<hbm>> -> memref<640x64xf32, #tpu.memory_space<hbm>>
      %dma_start3A_255 = arith.constant 0 : i32
      %dma_start3A_256 = tpu.memref_slice %arg33[%multiple_of3A_5, %dma_start3A_255] : memref<10240x64xf32, #tpu.memory_space<vmem_shared>> -> memref<640x64xf32, #tpu.memory_space<vmem_shared>>
      tpu.enqueue_dma source(%dma_start3A_256 : memref<640x64xf32, #tpu.memory_space<vmem_shared>>) target(%dma_start3A_254 : memref<640x64xf32, #tpu.memory_space<hbm>>) target_semaphore(%run_scoped3A : memref<!tpu.dma_semaphore, #tpu.memory_space<semaphore_mem>>)
      %dma_wait3A_257 = arith.constant 64 : i32
      %dma_wait3A_258 = tpu.memref_slice %arg6[%arg0, %multiple_of3A_5, %dma_wait3A_257] : memref<2x10240x128xf32, #tpu.memory_space<hbm>> -> memref<1x640x64xf32, #tpu.memory_space<hbm>>
      %dma_wait3A_259 = tpu.memref_squeeze %dma_wait3A_258 : memref<1x640x64xf32, #tpu.memory_space<hbm>> -> memref<640x64xf32, #tpu.memory_space<hbm>>
      %dma_wait3A_260 = arith.constant 0 : i32
      %dma_wait3A_261 = tpu.memref_slice %arg33[%multiple_of3A_5, %dma_wait3A_260] : memref<10240x64xf32, #tpu.memory_space<vmem_shared>> -> memref<640x64xf32, #tpu.memory_space<vmem_shared>>
      tpu.wait_dma2 semaphore(%run_scoped3A : memref<!tpu.dma_semaphore, #tpu.memory_space<semaphore_mem>>) src(%dma_wait3A_261 : memref<640x64xf32, #tpu.memory_space<vmem_shared>>) dst(%dma_wait3A_259 : memref<640x64xf32, #tpu.memory_space<hbm>>)
      tpu.yield
    }) : () -> ()
    %barrier3A_251 = arith.constant 0 : index
    tpu.barrier barrier_id(%barrier3A_251)
    return
  }
}

module attributes {stable_mosaic.version = 14 : i64} {
  func.func @_scale_body(%arg0: i32, %arg1: memref<2x1280xf32, #tpu.memory_space<vmem>>, %arg2: memref<1280x128xf32, #tpu.memory_space<vmem>>, %arg3: memref<128x128xf32, #tpu.memory_space<vmem>>, %arg4: memref<1280x128xf32, #tpu.memory_space<vmem>>, %arg5: memref<1280x8xf32, #tpu.memory_space<vmem>>) attributes {dimension_semantics = [#tpu.dimension_semantics<arbitrary>], iteration_bounds = array<i64: 8>, scalar_prefetch = 0 : i64, scratch_operands = 0 : i64, tpu.core_type = #tpu.core_type<tc>, window_params = [{transform_indices = @transform_0, window_bounds = array<i64: 2, 1280>}, {transform_indices = @transform_1, window_bounds = array<i64: 1280, 128>}, {pipeline_mode = #tpu.pipeline_mode<synchronous>, transform_indices = @transform_2, window_bounds = array<i64: 128, 128>}, {transform_indices = @transform_3, window_bounds = array<i64: 1280, 128>}, {transform_indices = @transform_4, window_bounds = array<i64: 1280, 8>}]} {
    %get3A = arith.constant 0 : index
    %get3A_0 = arith.constant 0 : index
    %get3A_1 = vector.load %arg1[%get3A, %get3A_0] : memref<2x1280xf32, #tpu.memory_space<vmem>>, vector<1x1280xf32>
    %get3A_2 = vector.shape_cast %get3A_1 : vector<1x1280xf32> to vector<1280xf32>
    %get3A_3 = arith.constant 1 : index
    %get3A_4 = arith.constant 0 : index
    %get3A_5 = vector.load %arg1[%get3A_3, %get3A_4] : memref<2x1280xf32, #tpu.memory_space<vmem>>, vector<1x1280xf32>
    %get3A_6 = vector.shape_cast %get3A_5 : vector<1x1280xf32> to vector<1280xf32>
    %add3A = arith.addf %get3A_2, %get3A_6 : vector<1280xf32>
    %add3A_7 = arith.constant 1.000000e+00 : f32
    %add3A_8 = vector.broadcast %add3A_7 : f32 to vector<1280xf32>
    %add3A_9 = arith.addf %add3A, %add3A_8 : vector<1280xf32>
    %rsqrt3A = math.rsqrt %add3A_9 : vector<1280xf32>
    %reshape3A = vector.shape_cast %rsqrt3A : vector<1280xf32> to vector<1280x1xf32>
    %broadcast_in_dim3A = vector.shape_cast %reshape3A : vector<1280x1xf32> to vector<1280x1xf32>
    %broadcast_in_dim3A_10 = vector.broadcast %broadcast_in_dim3A : vector<1280x1xf32> to vector<1280x8xf32>
    %swap3A = arith.constant 0 : index
    %swap3A_11 = arith.constant 0 : index
    %swap3A_12 = vector.load %arg5[%swap3A, %swap3A_11] : memref<1280x8xf32, #tpu.memory_space<vmem>>, vector<1280x8xf32>
    tpu.vector_store %arg5[%swap3A, %swap3A_11], %broadcast_in_dim3A_10 {strides = array<i32>} : memref<1280x8xf32, #tpu.memory_space<vmem>>, vector<1280x8xf32>,
    %get3A_13 = arith.constant 0 : index
    %get3A_14 = arith.constant 0 : index
    %get3A_15 = vector.load %arg2[%get3A_13, %get3A_14] : memref<1280x128xf32, #tpu.memory_space<vmem>>, vector<1280x128xf32>
    %get3A_16 = arith.constant 0 : index
    %get3A_17 = arith.constant 0 : index
    %get3A_18 = vector.load %arg3[%get3A_16, %get3A_17] : memref<128x128xf32, #tpu.memory_space<vmem>>, vector<128x128xf32>
    %dot_general3A = arith.constant dense<0.000000e+00> : vector<1280x128xf32>
    %dot_general3A_19 = tpu.matmul %get3A_15, %get3A_18, %dot_general3A {dimension_numbers = #tpu.dot_dimension_numbers<[1], [0], [0], [1], [0, 0, 1, 1], [], []>, transpose_lhs_hint = false} : vector<1280x128xf32>, vector<128x128xf32>, vector<1280x128xf32> -> vector<1280x128xf32>
    %mul3A = vector.broadcast %reshape3A : vector<1280x1xf32> to vector<1280x128xf32>
    %mul3A_20 = arith.mulf %dot_general3A_19, %mul3A : vector<1280x128xf32>
    %swap3A_21 = arith.constant 0 : index
    %swap3A_22 = arith.constant 0 : index
    %swap3A_23 = vector.load %arg4[%swap3A_21, %swap3A_22] : memref<1280x128xf32, #tpu.memory_space<vmem>>, vector<1280x128xf32>
    tpu.vector_store %arg4[%swap3A_21, %swap3A_22], %mul3A_20 {strides = array<i32>} : memref<1280x128xf32, #tpu.memory_space<vmem>>, vector<1280x128xf32>,
    return
  }
  func.func @transform_0(%arg0: i32) -> (i32, i32) {
    %c0_i32 = arith.constant 0 : i32
    %c0_i32_0 = arith.constant 0 : i32
    return %c0_i32, %arg0 : i32, i32
  }
  func.func @transform_1(%arg0: i32) -> (i32, i32) {
    %c0_i32 = arith.constant 0 : i32
    %c0_i32_0 = arith.constant 0 : i32
    return %arg0, %c0_i32 : i32, i32
  }
  func.func @transform_2(%arg0: i32) -> (i32, i32) {
    %c0_i32 = arith.constant 0 : i32
    %c0_i32_0 = arith.constant 0 : i32
    %c0_i32_1 = arith.constant 0 : i32
    return %c0_i32, %c0_i32_0 : i32, i32
  }
  func.func @transform_3(%arg0: i32) -> (i32, i32) {
    %c0_i32 = arith.constant 0 : i32
    %c0_i32_0 = arith.constant 0 : i32
    return %arg0, %c0_i32 : i32, i32
  }
  func.func @transform_4(%arg0: i32) -> (i32, i32) {
    %c0_i32 = arith.constant 0 : i32
    %c0_i32_0 = arith.constant 0 : i32
    return %arg0, %c0_i32 : i32, i32
  }
}

module attributes {stable_mosaic.version = 14 : i64} {
  func.func @_head_body(%arg0: i32, %arg1: memref<2x80x16x128xf32, #tpu.memory_space<vmem>>, %arg2: memref<80x16x128xf32, #tpu.memory_space<vmem>>, %arg3: memref<80x16x8xf32, #tpu.memory_space<vmem>>, %arg4: memref<1x1x128xf32, #tpu.memory_space<vmem>>, %arg5: memref<16x128x128xf32, #tpu.memory_space<vmem>>, %arg6: memref<1x128xf32, #tpu.memory_space<vmem>>, %arg7: memref<128x64xf32, #tpu.memory_space<vmem>>, %arg8: memref<1x64xf32, #tpu.memory_space<vmem>>, %arg9: memref<80x64xf32, #tpu.memory_space<vmem>>, %arg10: memref<80x128xf32, #tpu.memory_space<vmem>>) attributes {dimension_semantics = [#tpu.dimension_semantics<arbitrary>], iteration_bounds = array<i64: 8>, scalar_prefetch = 0 : i64, scratch_operands = 1 : i64, tpu.core_type = #tpu.core_type<tc>, window_params = [{transform_indices = @transform_0, window_bounds = array<i64: 2, 80, 16, 128>}, {transform_indices = @transform_1, window_bounds = array<i64: 80, 16, 128>}, {transform_indices = @transform_2, window_bounds = array<i64: 80, 16, 8>}, {pipeline_mode = #tpu.pipeline_mode<synchronous>, transform_indices = @transform_3, window_bounds = array<i64: 1, 1, 128>}, {transform_indices = @transform_4, window_bounds = array<i64: 16, 128, 128>}, {pipeline_mode = #tpu.pipeline_mode<synchronous>, transform_indices = @transform_5, window_bounds = array<i64: 1, 128>}, {pipeline_mode = #tpu.pipeline_mode<synchronous>, transform_indices = @transform_6, window_bounds = array<i64: 128, 64>}, {pipeline_mode = #tpu.pipeline_mode<synchronous>, transform_indices = @transform_7, window_bounds = array<i64: 1, 64>}, {pipeline_mode = #tpu.pipeline_mode<synchronous>, transform_indices = @transform_8, window_bounds = array<i64: 80, 64>}]} {
    %get3A = arith.constant 0 : index
    %get3A_0 = arith.constant 0 : index
    %get3A_1 = arith.constant 0 : index
    %get3A_2 = vector.load %arg3[%get3A, %get3A_0, %get3A_1] : memref<80x16x8xf32, #tpu.memory_space<vmem>>, vector<80x16x1xf32>
    %get3A_3 = arith.constant 0 : index
    %get3A_4 = arith.constant 0 : index
    %get3A_5 = arith.constant 0 : index
    %get3A_6 = arith.constant 0 : index
    %get3A_7 = vector.load %arg1[%get3A_3, %get3A_4, %get3A_5, %get3A_6] : memref<2x80x16x128xf32, #tpu.memory_space<vmem>>, vector<1x80x16x128xf32>
    %get3A_8 = vector.shape_cast %get3A_7 : vector<1x80x16x128xf32> to vector<80x16x128xf32>
    %get3A_9 = arith.constant 1 : index
    %get3A_10 = arith.constant 0 : index
    %get3A_11 = arith.constant 0 : index
    %get3A_12 = arith.constant 0 : index
    %get3A_13 = vector.load %arg1[%get3A_9, %get3A_10, %get3A_11, %get3A_12] : memref<2x80x16x128xf32, #tpu.memory_space<vmem>>, vector<1x80x16x128xf32>
    %get3A_14 = vector.shape_cast %get3A_13 : vector<1x80x16x128xf32> to vector<80x16x128xf32>
    %add3A = arith.addf %get3A_8, %get3A_14 : vector<80x16x128xf32>
    %get3A_15 = arith.constant 0 : index
    %get3A_16 = arith.constant 0 : index
    %get3A_17 = arith.constant 0 : index
    %get3A_18 = vector.load %arg2[%get3A_15, %get3A_16, %get3A_17] : memref<80x16x128xf32, #tpu.memory_space<vmem>>, vector<80x16x128xf32>
    %add3A_19 = arith.addf %add3A, %get3A_18 : vector<80x16x128xf32>
    %mul3A = vector.broadcast %get3A_2 : vector<80x16x1xf32> to vector<80x16x128xf32>
    %mul3A_20 = arith.mulf %add3A_19, %mul3A : vector<80x16x128xf32>
    %get3A_21 = arith.constant 0 : index
    %get3A_22 = arith.constant 0 : index
    %get3A_23 = arith.constant 0 : index
    %get3A_24 = vector.load %arg4[%get3A_21, %get3A_22, %get3A_23] : memref<1x1x128xf32, #tpu.memory_space<vmem>>, vector<1x1x128xf32>
    %add3A_25 = vector.broadcast %get3A_24 : vector<1x1x128xf32> to vector<80x16x128xf32>
    %add3A_26 = arith.addf %mul3A_20, %add3A_25 : vector<80x16x128xf32>
    %ge3A = arith.constant 0.000000e+00 : f32
    %ge3A_27 = vector.broadcast %ge3A : f32 to vector<80x16x128xf32>
    %ge3A_28 = arith.cmpf oge, %add3A_26, %ge3A_27 : vector<80x16x128xf32>
    %mul3A_29 = arith.constant 0.00999999977 : f32
    %mul3A_30 = vector.broadcast %mul3A_29 : f32 to vector<80x16x128xf32>
    %mul3A_31 = arith.mulf %mul3A_30, %add3A_26 : vector<80x16x128xf32>
    %select_n3A = arith.select %ge3A_28, %add3A_26, %mul3A_31 : vector<80x16x128xi1>, vector<80x16x128xf32>
    %slice3A = vector.extract_strided_slice %select_n3A {offsets = [0, 0, 0], sizes = [80, 1, 128], strides = [1, 1, 1]} : vector<80x16x128xf32> to vector<80x1x128xf32>
    %squeeze3A = vector.shape_cast %slice3A : vector<80x1x128xf32> to vector<80x128xf32>
    %get3A_32 = arith.constant 0 : index
    %get3A_33 = arith.constant 0 : index
    %get3A_34 = arith.constant 0 : index
    %get3A_35 = vector.load %arg5[%get3A_32, %get3A_33, %get3A_34] : memref<16x128x128xf32, #tpu.memory_space<vmem>>, vector<1x128x128xf32>
    %get3A_36 = vector.shape_cast %get3A_35 : vector<1x128x128xf32> to vector<128x128xf32>
    %dot_general3A = arith.constant dense<0.000000e+00> : vector<80x128xf32>
    %dot_general3A_37 = tpu.matmul %squeeze3A, %get3A_36, %dot_general3A {dimension_numbers = #tpu.dot_dimension_numbers<[1], [0], [0], [1], [0, 0, 1, 1], [], []>, transpose_lhs_hint = false} : vector<80x128xf32>, vector<128x128xf32>, vector<80x128xf32> -> vector<80x128xf32>
    %slice3A_38 = vector.extract_strided_slice %select_n3A {offsets = [0, 1, 0], sizes = [80, 1, 128], strides = [1, 1, 1]} : vector<80x16x128xf32> to vector<80x1x128xf32>
    %squeeze3A_39 = vector.shape_cast %slice3A_38 : vector<80x1x128xf32> to vector<80x128xf32>
    %get3A_40 = arith.constant 1 : index
    %get3A_41 = arith.constant 0 : index
    %get3A_42 = arith.constant 0 : index
    %get3A_43 = vector.load %arg5[%get3A_40, %get3A_41, %get3A_42] : memref<16x128x128xf32, #tpu.memory_space<vmem>>, vector<1x128x128xf32>
    %get3A_44 = vector.shape_cast %get3A_43 : vector<1x128x128xf32> to vector<128x128xf32>
    %dot_general3A_45 = arith.constant dense<0.000000e+00> : vector<80x128xf32>
    %dot_general3A_46 = tpu.matmul %squeeze3A_39, %get3A_44, %dot_general3A_45 {dimension_numbers = #tpu.dot_dimension_numbers<[1], [0], [0], [1], [0, 0, 1, 1], [], []>, transpose_lhs_hint = false} : vector<80x128xf32>, vector<128x128xf32>, vector<80x128xf32> -> vector<80x128xf32>
    %add3A_47 = arith.addf %dot_general3A_37, %dot_general3A_46 : vector<80x128xf32>
    %slice3A_48 = vector.extract_strided_slice %select_n3A {offsets = [0, 2, 0], sizes = [80, 1, 128], strides = [1, 1, 1]} : vector<80x16x128xf32> to vector<80x1x128xf32>
    %squeeze3A_49 = vector.shape_cast %slice3A_48 : vector<80x1x128xf32> to vector<80x128xf32>
    %get3A_50 = arith.constant 2 : index
    %get3A_51 = arith.constant 0 : index
    %get3A_52 = arith.constant 0 : index
    %get3A_53 = vector.load %arg5[%get3A_50, %get3A_51, %get3A_52] : memref<16x128x128xf32, #tpu.memory_space<vmem>>, vector<1x128x128xf32>
    %get3A_54 = vector.shape_cast %get3A_53 : vector<1x128x128xf32> to vector<128x128xf32>
    %dot_general3A_55 = arith.constant dense<0.000000e+00> : vector<80x128xf32>
    %dot_general3A_56 = tpu.matmul %squeeze3A_49, %get3A_54, %dot_general3A_55 {dimension_numbers = #tpu.dot_dimension_numbers<[1], [0], [0], [1], [0, 0, 1, 1], [], []>, transpose_lhs_hint = false} : vector<80x128xf32>, vector<128x128xf32>, vector<80x128xf32> -> vector<80x128xf32>
    %add3A_57 = arith.addf %add3A_47, %dot_general3A_56 : vector<80x128xf32>
    %slice3A_58 = vector.extract_strided_slice %select_n3A {offsets = [0, 3, 0], sizes = [80, 1, 128], strides = [1, 1, 1]} : vector<80x16x128xf32> to vector<80x1x128xf32>
    %squeeze3A_59 = vector.shape_cast %slice3A_58 : vector<80x1x128xf32> to vector<80x128xf32>
    %get3A_60 = arith.constant 3 : index
    %get3A_61 = arith.constant 0 : index
    %get3A_62 = arith.constant 0 : index
    %get3A_63 = vector.load %arg5[%get3A_60, %get3A_61, %get3A_62] : memref<16x128x128xf32, #tpu.memory_space<vmem>>, vector<1x128x128xf32>
    %get3A_64 = vector.shape_cast %get3A_63 : vector<1x128x128xf32> to vector<128x128xf32>
    %dot_general3A_65 = arith.constant dense<0.000000e+00> : vector<80x128xf32>
    %dot_general3A_66 = tpu.matmul %squeeze3A_59, %get3A_64, %dot_general3A_65 {dimension_numbers = #tpu.dot_dimension_numbers<[1], [0], [0], [1], [0, 0, 1, 1], [], []>, transpose_lhs_hint = false} : vector<80x128xf32>, vector<128x128xf32>, vector<80x128xf32> -> vector<80x128xf32>
    %add3A_67 = arith.addf %add3A_57, %dot_general3A_66 : vector<80x128xf32>
    %slice3A_68 = vector.extract_strided_slice %select_n3A {offsets = [0, 4, 0], sizes = [80, 1, 128], strides = [1, 1, 1]} : vector<80x16x128xf32> to vector<80x1x128xf32>
    %squeeze3A_69 = vector.shape_cast %slice3A_68 : vector<80x1x128xf32> to vector<80x128xf32>
    %get3A_70 = arith.constant 4 : index
    %get3A_71 = arith.constant 0 : index
    %get3A_72 = arith.constant 0 : index
    %get3A_73 = vector.load %arg5[%get3A_70, %get3A_71, %get3A_72] : memref<16x128x128xf32, #tpu.memory_space<vmem>>, vector<1x128x128xf32>
    %get3A_74 = vector.shape_cast %get3A_73 : vector<1x128x128xf32> to vector<128x128xf32>
    %dot_general3A_75 = arith.constant dense<0.000000e+00> : vector<80x128xf32>
    %dot_general3A_76 = tpu.matmul %squeeze3A_69, %get3A_74, %dot_general3A_75 {dimension_numbers = #tpu.dot_dimension_numbers<[1], [0], [0], [1], [0, 0, 1, 1], [], []>, transpose_lhs_hint = false} : vector<80x128xf32>, vector<128x128xf32>, vector<80x128xf32> -> vector<80x128xf32>
    %add3A_77 = arith.addf %add3A_67, %dot_general3A_76 : vector<80x128xf32>
    %slice3A_78 = vector.extract_strided_slice %select_n3A {offsets = [0, 5, 0], sizes = [80, 1, 128], strides = [1, 1, 1]} : vector<80x16x128xf32> to vector<80x1x128xf32>
    %squeeze3A_79 = vector.shape_cast %slice3A_78 : vector<80x1x128xf32> to vector<80x128xf32>
    %get3A_80 = arith.constant 5 : index
    %get3A_81 = arith.constant 0 : index
    %get3A_82 = arith.constant 0 : index
    %get3A_83 = vector.load %arg5[%get3A_80, %get3A_81, %get3A_82] : memref<16x128x128xf32, #tpu.memory_space<vmem>>, vector<1x128x128xf32>
    %get3A_84 = vector.shape_cast %get3A_83 : vector<1x128x128xf32> to vector<128x128xf32>
    %dot_general3A_85 = arith.constant dense<0.000000e+00> : vector<80x128xf32>
    %dot_general3A_86 = tpu.matmul %squeeze3A_79, %get3A_84, %dot_general3A_85 {dimension_numbers = #tpu.dot_dimension_numbers<[1], [0], [0], [1], [0, 0, 1, 1], [], []>, transpose_lhs_hint = false} : vector<80x128xf32>, vector<128x128xf32>, vector<80x128xf32> -> vector<80x128xf32>
    %add3A_87 = arith.addf %add3A_77, %dot_general3A_86 : vector<80x128xf32>
    %slice3A_88 = vector.extract_strided_slice %select_n3A {offsets = [0, 6, 0], sizes = [80, 1, 128], strides = [1, 1, 1]} : vector<80x16x128xf32> to vector<80x1x128xf32>
    %squeeze3A_89 = vector.shape_cast %slice3A_88 : vector<80x1x128xf32> to vector<80x128xf32>
    %get3A_90 = arith.constant 6 : index
    %get3A_91 = arith.constant 0 : index
    %get3A_92 = arith.constant 0 : index
    %get3A_93 = vector.load %arg5[%get3A_90, %get3A_91, %get3A_92] : memref<16x128x128xf32, #tpu.memory_space<vmem>>, vector<1x128x128xf32>
    %get3A_94 = vector.shape_cast %get3A_93 : vector<1x128x128xf32> to vector<128x128xf32>
    %dot_general3A_95 = arith.constant dense<0.000000e+00> : vector<80x128xf32>
    %dot_general3A_96 = tpu.matmul %squeeze3A_89, %get3A_94, %dot_general3A_95 {dimension_numbers = #tpu.dot_dimension_numbers<[1], [0], [0], [1], [0, 0, 1, 1], [], []>, transpose_lhs_hint = false} : vector<80x128xf32>, vector<128x128xf32>, vector<80x128xf32> -> vector<80x128xf32>
    %add3A_97 = arith.addf %add3A_87, %dot_general3A_96 : vector<80x128xf32>
    %slice3A_98 = vector.extract_strided_slice %select_n3A {offsets = [0, 7, 0], sizes = [80, 1, 128], strides = [1, 1, 1]} : vector<80x16x128xf32> to vector<80x1x128xf32>
    %squeeze3A_99 = vector.shape_cast %slice3A_98 : vector<80x1x128xf32> to vector<80x128xf32>
    %get3A_100 = arith.constant 7 : index
    %get3A_101 = arith.constant 0 : index
    %get3A_102 = arith.constant 0 : index
    %get3A_103 = vector.load %arg5[%get3A_100, %get3A_101, %get3A_102] : memref<16x128x128xf32, #tpu.memory_space<vmem>>, vector<1x128x128xf32>
    %get3A_104 = vector.shape_cast %get3A_103 : vector<1x128x128xf32> to vector<128x128xf32>
    %dot_general3A_105 = arith.constant dense<0.000000e+00> : vector<80x128xf32>
    %dot_general3A_106 = tpu.matmul %squeeze3A_99, %get3A_104, %dot_general3A_105 {dimension_numbers = #tpu.dot_dimension_numbers<[1], [0], [0], [1], [0, 0, 1, 1], [], []>, transpose_lhs_hint = false} : vector<80x128xf32>, vector<128x128xf32>, vector<80x128xf32> -> vector<80x128xf32>
    %add3A_107 = arith.addf %add3A_97, %dot_general3A_106 : vector<80x128xf32>
    %slice3A_108 = vector.extract_strided_slice %select_n3A {offsets = [0, 8, 0], sizes = [80, 1, 128], strides = [1, 1, 1]} : vector<80x16x128xf32> to vector<80x1x128xf32>
    %squeeze3A_109 = vector.shape_cast %slice3A_108 : vector<80x1x128xf32> to vector<80x128xf32>
    %get3A_110 = arith.constant 8 : index
    %get3A_111 = arith.constant 0 : index
    %get3A_112 = arith.constant 0 : index
    %get3A_113 = vector.load %arg5[%get3A_110, %get3A_111, %get3A_112] : memref<16x128x128xf32, #tpu.memory_space<vmem>>, vector<1x128x128xf32>
    %get3A_114 = vector.shape_cast %get3A_113 : vector<1x128x128xf32> to vector<128x128xf32>
    %dot_general3A_115 = arith.constant dense<0.000000e+00> : vector<80x128xf32>
    %dot_general3A_116 = tpu.matmul %squeeze3A_109, %get3A_114, %dot_general3A_115 {dimension_numbers = #tpu.dot_dimension_numbers<[1], [0], [0], [1], [0, 0, 1, 1], [], []>, transpose_lhs_hint = false} : vector<80x128xf32>, vector<128x128xf32>, vector<80x128xf32> -> vector<80x128xf32>
    %add3A_117 = arith.addf %add3A_107, %dot_general3A_116 : vector<80x128xf32>
    %slice3A_118 = vector.extract_strided_slice %select_n3A {offsets = [0, 9, 0], sizes = [80, 1, 128], strides = [1, 1, 1]} : vector<80x16x128xf32> to vector<80x1x128xf32>
    %squeeze3A_119 = vector.shape_cast %slice3A_118 : vector<80x1x128xf32> to vector<80x128xf32>
    %get3A_120 = arith.constant 9 : index
    %get3A_121 = arith.constant 0 : index
    %get3A_122 = arith.constant 0 : index
    %get3A_123 = vector.load %arg5[%get3A_120, %get3A_121, %get3A_122] : memref<16x128x128xf32, #tpu.memory_space<vmem>>, vector<1x128x128xf32>
    %get3A_124 = vector.shape_cast %get3A_123 : vector<1x128x128xf32> to vector<128x128xf32>
    %dot_general3A_125 = arith.constant dense<0.000000e+00> : vector<80x128xf32>
    %dot_general3A_126 = tpu.matmul %squeeze3A_119, %get3A_124, %dot_general3A_125 {dimension_numbers = #tpu.dot_dimension_numbers<[1], [0], [0], [1], [0, 0, 1, 1], [], []>, transpose_lhs_hint = false} : vector<80x128xf32>, vector<128x128xf32>, vector<80x128xf32> -> vector<80x128xf32>
    %add3A_127 = arith.addf %add3A_117, %dot_general3A_126 : vector<80x128xf32>
    %slice3A_128 = vector.extract_strided_slice %select_n3A {offsets = [0, 10, 0], sizes = [80, 1, 128], strides = [1, 1, 1]} : vector<80x16x128xf32> to vector<80x1x128xf32>
    %squeeze3A_129 = vector.shape_cast %slice3A_128 : vector<80x1x128xf32> to vector<80x128xf32>
    %get3A_130 = arith.constant 10 : index
    %get3A_131 = arith.constant 0 : index
    %get3A_132 = arith.constant 0 : index
    %get3A_133 = vector.load %arg5[%get3A_130, %get3A_131, %get3A_132] : memref<16x128x128xf32, #tpu.memory_space<vmem>>, vector<1x128x128xf32>
    %get3A_134 = vector.shape_cast %get3A_133 : vector<1x128x128xf32> to vector<128x128xf32>
    %dot_general3A_135 = arith.constant dense<0.000000e+00> : vector<80x128xf32>
    %dot_general3A_136 = tpu.matmul %squeeze3A_129, %get3A_134, %dot_general3A_135 {dimension_numbers = #tpu.dot_dimension_numbers<[1], [0], [0], [1], [0, 0, 1, 1], [], []>, transpose_lhs_hint = false} : vector<80x128xf32>, vector<128x128xf32>, vector<80x128xf32> -> vector<80x128xf32>
    %add3A_137 = arith.addf %add3A_127, %dot_general3A_136 : vector<80x128xf32>
    %slice3A_138 = vector.extract_strided_slice %select_n3A {offsets = [0, 11, 0], sizes = [80, 1, 128], strides = [1, 1, 1]} : vector<80x16x128xf32> to vector<80x1x128xf32>
    %squeeze3A_139 = vector.shape_cast %slice3A_138 : vector<80x1x128xf32> to vector<80x128xf32>
    %get3A_140 = arith.constant 11 : index
    %get3A_141 = arith.constant 0 : index
    %get3A_142 = arith.constant 0 : index
    %get3A_143 = vector.load %arg5[%get3A_140, %get3A_141, %get3A_142] : memref<16x128x128xf32, #tpu.memory_space<vmem>>, vector<1x128x128xf32>
    %get3A_144 = vector.shape_cast %get3A_143 : vector<1x128x128xf32> to vector<128x128xf32>
    %dot_general3A_145 = arith.constant dense<0.000000e+00> : vector<80x128xf32>
    %dot_general3A_146 = tpu.matmul %squeeze3A_139, %get3A_144, %dot_general3A_145 {dimension_numbers = #tpu.dot_dimension_numbers<[1], [0], [0], [1], [0, 0, 1, 1], [], []>, transpose_lhs_hint = false} : vector<80x128xf32>, vector<128x128xf32>, vector<80x128xf32> -> vector<80x128xf32>
    %add3A_147 = arith.addf %add3A_137, %dot_general3A_146 : vector<80x128xf32>
    %slice3A_148 = vector.extract_strided_slice %select_n3A {offsets = [0, 12, 0], sizes = [80, 1, 128], strides = [1, 1, 1]} : vector<80x16x128xf32> to vector<80x1x128xf32>
    %squeeze3A_149 = vector.shape_cast %slice3A_148 : vector<80x1x128xf32> to vector<80x128xf32>
    %get3A_150 = arith.constant 12 : index
    %get3A_151 = arith.constant 0 : index
    %get3A_152 = arith.constant 0 : index
    %get3A_153 = vector.load %arg5[%get3A_150, %get3A_151, %get3A_152] : memref<16x128x128xf32, #tpu.memory_space<vmem>>, vector<1x128x128xf32>
    %get3A_154 = vector.shape_cast %get3A_153 : vector<1x128x128xf32> to vector<128x128xf32>
    %dot_general3A_155 = arith.constant dense<0.000000e+00> : vector<80x128xf32>
    %dot_general3A_156 = tpu.matmul %squeeze3A_149, %get3A_154, %dot_general3A_155 {dimension_numbers = #tpu.dot_dimension_numbers<[1], [0], [0], [1], [0, 0, 1, 1], [], []>, transpose_lhs_hint = false} : vector<80x128xf32>, vector<128x128xf32>, vector<80x128xf32> -> vector<80x128xf32>
    %add3A_157 = arith.addf %add3A_147, %dot_general3A_156 : vector<80x128xf32>
    %slice3A_158 = vector.extract_strided_slice %select_n3A {offsets = [0, 13, 0], sizes = [80, 1, 128], strides = [1, 1, 1]} : vector<80x16x128xf32> to vector<80x1x128xf32>
    %squeeze3A_159 = vector.shape_cast %slice3A_158 : vector<80x1x128xf32> to vector<80x128xf32>
    %get3A_160 = arith.constant 13 : index
    %get3A_161 = arith.constant 0 : index
    %get3A_162 = arith.constant 0 : index
    %get3A_163 = vector.load %arg5[%get3A_160, %get3A_161, %get3A_162] : memref<16x128x128xf32, #tpu.memory_space<vmem>>, vector<1x128x128xf32>
    %get3A_164 = vector.shape_cast %get3A_163 : vector<1x128x128xf32> to vector<128x128xf32>
    %dot_general3A_165 = arith.constant dense<0.000000e+00> : vector<80x128xf32>
    %dot_general3A_166 = tpu.matmul %squeeze3A_159, %get3A_164, %dot_general3A_165 {dimension_numbers = #tpu.dot_dimension_numbers<[1], [0], [0], [1], [0, 0, 1, 1], [], []>, transpose_lhs_hint = false} : vector<80x128xf32>, vector<128x128xf32>, vector<80x128xf32> -> vector<80x128xf32>
    %add3A_167 = arith.addf %add3A_157, %dot_general3A_166 : vector<80x128xf32>
    %slice3A_168 = vector.extract_strided_slice %select_n3A {offsets = [0, 14, 0], sizes = [80, 1, 128], strides = [1, 1, 1]} : vector<80x16x128xf32> to vector<80x1x128xf32>
    %squeeze3A_169 = vector.shape_cast %slice3A_168 : vector<80x1x128xf32> to vector<80x128xf32>
    %get3A_170 = arith.constant 14 : index
    %get3A_171 = arith.constant 0 : index
    %get3A_172 = arith.constant 0 : index
    %get3A_173 = vector.load %arg5[%get3A_170, %get3A_171, %get3A_172] : memref<16x128x128xf32, #tpu.memory_space<vmem>>, vector<1x128x128xf32>
    %get3A_174 = vector.shape_cast %get3A_173 : vector<1x128x128xf32> to vector<128x128xf32>
    %dot_general3A_175 = arith.constant dense<0.000000e+00> : vector<80x128xf32>
    %dot_general3A_176 = tpu.matmul %squeeze3A_169, %get3A_174, %dot_general3A_175 {dimension_numbers = #tpu.dot_dimension_numbers<[1], [0], [0], [1], [0, 0, 1, 1], [], []>, transpose_lhs_hint = false} : vector<80x128xf32>, vector<128x128xf32>, vector<80x128xf32> -> vector<80x128xf32>
    %add3A_177 = arith.addf %add3A_167, %dot_general3A_176 : vector<80x128xf32>
    %slice3A_178 = vector.extract_strided_slice %select_n3A {offsets = [0, 15, 0], sizes = [80, 1, 128], strides = [1, 1, 1]} : vector<80x16x128xf32> to vector<80x1x128xf32>
    %squeeze3A_179 = vector.shape_cast %slice3A_178 : vector<80x1x128xf32> to vector<80x128xf32>
    %get3A_180 = arith.constant 15 : index
    %get3A_181 = arith.constant 0 : index
    %get3A_182 = arith.constant 0 : index
    %get3A_183 = vector.load %arg5[%get3A_180, %get3A_181, %get3A_182] : memref<16x128x128xf32, #tpu.memory_space<vmem>>, vector<1x128x128xf32>
    %get3A_184 = vector.shape_cast %get3A_183 : vector<1x128x128xf32> to vector<128x128xf32>
    %dot_general3A_185 = arith.constant dense<0.000000e+00> : vector<80x128xf32>
    %dot_general3A_186 = tpu.matmul %squeeze3A_179, %get3A_184, %dot_general3A_185 {dimension_numbers = #tpu.dot_dimension_numbers<[1], [0], [0], [1], [0, 0, 1, 1], [], []>, transpose_lhs_hint = false} : vector<80x128xf32>, vector<128x128xf32>, vector<80x128xf32> -> vector<80x128xf32>
    %add3A_187 = arith.addf %add3A_177, %dot_general3A_186 : vector<80x128xf32>
    %eq3A = arith.constant 0 : i32
    %eq3A_188 = arith.cmpi eq, %arg0, %eq3A : i32
    %convert_element_type3A = arith.extui %eq3A_188 : i1 to i32
    %cond3A = arith.constant 0 : i32
    %cond3A_189 = arith.cmpi ne, %convert_element_type3A, %cond3A : i32
    scf.if %cond3A_189 {
      %swap3A = arith.constant 0 : index
      %swap3A_199 = arith.constant 0 : index
      %swap3A_200 = vector.load %arg10[%swap3A, %swap3A_199] : memref<80x128xf32, #tpu.memory_space<vmem>>, vector<80x128xf32>
      tpu.vector_store %arg10[%swap3A, %swap3A_199], %add3A_187 {strides = array<i32>} : memref<80x128xf32, #tpu.memory_space<vmem>>, vector<80x128xf32>,
    } else {
    }
    %gt3A = arith.constant 0 : i32
    %gt3A_190 = arith.cmpi sgt, %arg0, %gt3A : i32
    %convert_element_type3A_191 = arith.extui %gt3A_190 : i1 to i32
    %cond3A_192 = arith.constant 0 : i32
    %cond3A_193 = arith.cmpi ne, %convert_element_type3A_191, %cond3A_192 : i32
    scf.if %cond3A_193 {
      %get3A_199 = arith.constant 0 : index
      %get3A_200 = arith.constant 0 : index
      %get3A_201 = vector.load %arg10[%get3A_199, %get3A_200] : memref<80x128xf32, #tpu.memory_space<vmem>>, vector<80x128xf32>
      %add3A_202 = arith.addf %get3A_201, %add3A_187 : vector<80x128xf32>
      %swap3A = arith.constant 0 : index
      %swap3A_203 = arith.constant 0 : index
      %swap3A_204 = vector.load %arg10[%swap3A, %swap3A_203] : memref<80x128xf32, #tpu.memory_space<vmem>>, vector<80x128xf32>
      tpu.vector_store %arg10[%swap3A, %swap3A_203], %add3A_202 {strides = array<i32>} : memref<80x128xf32, #tpu.memory_space<vmem>>, vector<80x128xf32>,
    } else {
    }
    %eq3A_194 = arith.constant 7 : i32
    %eq3A_195 = arith.cmpi eq, %arg0, %eq3A_194 : i32
    %convert_element_type3A_196 = arith.extui %eq3A_195 : i1 to i32
    %cond3A_197 = arith.constant 0 : i32
    %cond3A_198 = arith.cmpi ne, %convert_element_type3A_196, %cond3A_197 : i32
    scf.if %cond3A_198 {
      %get3A_199 = arith.constant 0 : index
      %get3A_200 = arith.constant 0 : index
      %get3A_201 = vector.load %arg10[%get3A_199, %get3A_200] : memref<80x128xf32, #tpu.memory_space<vmem>>, vector<80x128xf32>
      %get3A_202 = arith.constant 0 : index
      %get3A_203 = arith.constant 0 : index
      %get3A_204 = vector.load %arg6[%get3A_202, %get3A_203] : memref<1x128xf32, #tpu.memory_space<vmem>>, vector<1x128xf32>
      %add3A_205 = vector.broadcast %get3A_204 : vector<1x128xf32> to vector<80x128xf32>
      %add3A_206 = arith.addf %get3A_201, %add3A_205 : vector<80x128xf32>
      %ge3A_207 = arith.constant 0.000000e+00 : f32
      %ge3A_208 = vector.broadcast %ge3A_207 : f32 to vector<80x128xf32>
      %ge3A_209 = arith.cmpf oge, %add3A_206, %ge3A_208 : vector<80x128xf32>
      %mul3A_210 = arith.constant 0.00999999977 : f32
      %mul3A_211 = vector.broadcast %mul3A_210 : f32 to vector<80x128xf32>
      %mul3A_212 = arith.mulf %mul3A_211, %add3A_206 : vector<80x128xf32>
      %select_n3A_213 = arith.select %ge3A_209, %add3A_206, %mul3A_212 : vector<80x128xi1>, vector<80x128xf32>
      %get3A_214 = arith.constant 0 : index
      %get3A_215 = arith.constant 0 : index
      %get3A_216 = vector.load %arg7[%get3A_214, %get3A_215] : memref<128x64xf32, #tpu.memory_space<vmem>>, vector<128x64xf32>
      %dot_general3A_217 = arith.constant dense<0.000000e+00> : vector<80x64xf32>
      %dot_general3A_218 = tpu.matmul %select_n3A_213, %get3A_216, %dot_general3A_217 {dimension_numbers = #tpu.dot_dimension_numbers<[1], [0], [0], [1], [0, 0, 1, 1], [], []>, transpose_lhs_hint = false} : vector<80x128xf32>, vector<128x64xf32>, vector<80x64xf32> -> vector<80x64xf32>
      %get3A_219 = arith.constant 0 : index
      %get3A_220 = arith.constant 0 : index
      %get3A_221 = vector.load %arg8[%get3A_219, %get3A_220] : memref<1x64xf32, #tpu.memory_space<vmem>>, vector<1x64xf32>
      %add3A_222 = vector.broadcast %get3A_221 : vector<1x64xf32> to vector<80x64xf32>
      %add3A_223 = arith.addf %dot_general3A_218, %add3A_222 : vector<80x64xf32>
      %swap3A = arith.constant 0 : index
      %swap3A_224 = arith.constant 0 : index
      %swap3A_225 = vector.load %arg9[%swap3A, %swap3A_224] : memref<80x64xf32, #tpu.memory_space<vmem>>, vector<80x64xf32>
      tpu.vector_store %arg9[%swap3A, %swap3A_224], %add3A_223 {strides = array<i32>} : memref<80x64xf32, #tpu.memory_space<vmem>>, vector<80x64xf32>,
    } else {
    }
    return
  }
  func.func @transform_0(%arg0: i32) -> (i32, i32, i32, i32) {
    %c0_i32 = arith.constant 0 : i32
    %c0_i32_0 = arith.constant 0 : i32
    %c0_i32_1 = arith.constant 0 : i32
    %c0_i32_2 = arith.constant 0 : i32
    return %c0_i32, %c0_i32_0, %arg0, %c0_i32_1 : i32, i32, i32, i32
  }
  func.func @transform_1(%arg0: i32) -> (i32, i32, i32) {
    %c0_i32 = arith.constant 0 : i32
    %c0_i32_0 = arith.constant 0 : i32
    %c0_i32_1 = arith.constant 0 : i32
    return %c0_i32, %arg0, %c0_i32_0 : i32, i32, i32
  }
  func.func @transform_2(%arg0: i32) -> (i32, i32, i32) {
    %c0_i32 = arith.constant 0 : i32
    %c0_i32_0 = arith.constant 0 : i32
    %c0_i32_1 = arith.constant 0 : i32
    return %c0_i32, %arg0, %c0_i32_0 : i32, i32, i32
  }
  func.func @transform_3(%arg0: i32) -> (i32, i32, i32) {
    %c0_i32 = arith.constant 0 : i32
    %c0_i32_0 = arith.constant 0 : i32
    %c0_i32_1 = arith.constant 0 : i32
    %c0_i32_2 = arith.constant 0 : i32
    return %c0_i32, %c0_i32_0, %c0_i32_1 : i32, i32, i32
  }
  func.func @transform_4(%arg0: i32) -> (i32, i32, i32) {
    %c0_i32 = arith.constant 0 : i32
    %c0_i32_0 = arith.constant 0 : i32
    %c0_i32_1 = arith.constant 0 : i32
    return %arg0, %c0_i32, %c0_i32_0 : i32, i32, i32
  }
  func.func @transform_5(%arg0: i32) -> (i32, i32) {
    %c0_i32 = arith.constant 0 : i32
    %c0_i32_0 = arith.constant 0 : i32
    %c0_i32_1 = arith.constant 0 : i32
    return %c0_i32, %c0_i32_0 : i32, i32
  }
  func.func @transform_6(%arg0: i32) -> (i32, i32) {
    %c0_i32 = arith.constant 0 : i32
    %c0_i32_0 = arith.constant 0 : i32
    %c0_i32_1 = arith.constant 0 : i32
    return %c0_i32, %c0_i32_0 : i32, i32
  }
  func.func @transform_7(%arg0: i32) -> (i32, i32) {
    %c0_i32 = arith.constant 0 : i32
    %c0_i32_0 = arith.constant 0 : i32
    %c0_i32_1 = arith.constant 0 : i32
    return %c0_i32, %c0_i32_0 : i32, i32
  }
  func.func @transform_8(%arg0: i32) -> (i32, i32) {
    %c0_i32 = arith.constant 0 : i32
    %c0_i32_0 = arith.constant 0 : i32
    %c0_i32_1 = arith.constant 0 : i32
    return %c0_i32, %c0_i32_0 : i32, i32
  }
}

</mosaic_0001>

<sc_bundles>
// kernel: kernel.6.cloned.1.call-start
scs
__scs_entry_jumppad:
0x0: {  	(pc) =	sbr.rel $0x88, $3  }
0x1: {  	(tag) =	ssettag $0x0;
	lr =	simm.s32 $0x1  }
0x2: {  	[smem:$0x3F99] =	sst lr;
	_ =	strace $0xD0000000  }
0x3: {  	_ = 	snop  }
0x4: {  	_ = 	snop  }
0x5: {  	_ = 	snop  }
0x6: {  	_ = 	snop  }
0x7: {  	_ = 	snop  }
__scs_overlays_trampoline_lowered:
0x8: {  	[smem:$0x3FA8] =	sst s0  }
0x9: {  	[smem:$0x3FA9] =	sst s1  }
0xa: {  	[smem:$0x3FAA] =	sst s2  }
0xb: {  	[smem:$0x3FAB] =	sst s3  }
0xc: {  	[smem:$0x3FAC] =	sst s4  }
0xd: {  	[smem:$0x3FAD] =	sst s5  }
0xe: {  	[smem:$0x3FAE] =	sst s6  }
0xf: {  	[smem:$0x3FAF] =	sst s7  }
0x10: {  	[smem:$0x3FB0] =	sst s8  }
0x11: {  	[smem:$0x3FB1] =	sst s9;
	s0 =	simm.s32 @!p0 $0x0  }
0x12: {  	s1 =	sld [smem:$0x3F97];
	s0 =	simm.s32 @p0 $0x1  }
0x13: {  	[smem:$0x3FB2] =	sst s0;
	s0 =	simm.s32 @!p1 $0x0  }
0x14: {  	s2 =	sld [smem:$0x3F96];
	s0 =	simm.s32 @p1 $0x1  }
0x15: {  	[smem:$0x3FB3] =	sst s0;
	s0 =	simm.s32 @!p2 $0x0  }
0x16: {  	s3 =	sld [smem:$0x3FDB];
	s0 =	simm.s32 @p2 $0x1  }
0x17: {  	s4 =	simm.s32 $0x1BF5;
	[smem:$0x3FB5] =	sst s0  }
0x18: {  	s0 =	sld [smem:$0x3F98];
	_ =	swait.ge [sflag:s4], $0x0  }
0x19: {  	s7 =	sld [smem:$0x3F99]  }
0x1a: {  	s8 =	sadd.s32 $0xFFFFE003, lr  }
0x1b: {  	s9 =	sadd.s32 $0xFFFFFEF7, lr;
	s5 =	simm.s32 $0xFFFFFFFF;
	p2 =	slt.u32 s8, $0xFFFFF086  }
0x1c: {  	p1 =	slt.u32 s9, $0xF7A;
	s5 =	simm.s32 @!p2 $0x0  }
0x1d: {  	s5 =	simm.s32 @p1 $0x1;
	p0 =	seq.s32 s7, s2  }
0x1e: {  	s7 =	smul.u32 @!p0 $0xF7A, s2;
	p2 =	seq.s32 @!p0 s5, $0x0  }
0x1f: {  	s9 =	smul.u32 $0xF7A, s1;
	s8 =	simm.s32 @!p0 $0x1BF5;
	p2 =	por !p2, p0  }
0x20: {  	[sflag:s8] =	ssyncset.s32 @!p0 $0xFFFFF086;
	s6 =	sadd.s32 @!p0 s3, s7;
	s7 =	simm.s32 @!p0 $0x108  }
0x21: {  	s3 =	sadd.s32 s3, s9;
	s6 =	sadd.s32 @!p0 $0x88, s6;
	s7 =	simm.s32 @p2 $0x1082  }
0x22: {  	[simem:s7], [sflag:s8] =	dma.local @!p0 [hbm:s6], $0xF7A  }
0x23: {  	s9 =	sor.u32 $0xD0000000, s2;
	s6 =	simm.s32 $0x108;
	_ =	swait.ge @!p0 [sflag:s8], $0x0  }
0x24: {  	s3 =	sadd.s32 $0x88, s3;
	s6 =	simm.s32 @!p1 $0x1082;
	[sflag:s4] =	ssyncset.s32 $0xFFFFF086  }
0x25: {  	[simem:s6], [sflag:s4] =	dma.local [hbm:s3], $0xF7A  }
0x26: {  	[smem:$0x3F99] =	sst s1;
	(tag) =	ssettag s2;
	_ =	strace s9  }
0x27: {  	s1 =	sld [smem:$0x3FA9]  }
0x28: {  	s2 =	sld [smem:$0x3FAA]  }
0x29: {  	s4 =	sld [smem:$0x3FAC]  }
0x2a: {  	p0 =	seq.s32 s5, $0x0;
	s5 =	sld [smem:$0x3FAD]  }
0x2b: {  	s6 =	sld [smem:$0x3FAE]  }
0x2c: {  	s7 =	sld [smem:$0x3FAF]  }
0x2d: {  	s3 =	simm.s32 $0x108;
	s8 =	sld [smem:$0x3FB0]  }
0x2e: {  	s3 =	simm.s32 @!p0 $0x1082;
	s9 =	sld [smem:$0x3FB1]  }
0x2f: {  	lr =	sadd.s32 s0, s3;
	s0 =	sld [smem:$0x3FA8]  }
0x30: {  	s3 =	sld [smem:$0x3FAB]  }
0x31: {  	[smem:$0x3FB4] =	sst s10  }
0x32: {  	s10 =	sld [smem:$0x3FB2];
	_ =	sdelay $0x3  }
0x33: {  	p0 =	seq.s32 s10, $0x1;
	s10 =	sld [smem:$0x3FB4];
	_ =	sdelay $0x3  }
0x34: {  	[smem:$0x3FB4] =	sst s10  }
0x35: {  	s10 =	sld [smem:$0x3FB3];
	_ =	sdelay $0x3  }
0x36: {  	p1 =	seq.s32 s10, $0x1;
	s10 =	sld [smem:$0x3FB4];
	_ =	sdelay $0x3  }
0x37: {  	[smem:$0x3FB4] =	sst s10  }
0x38: {  	s10 =	sld [smem:$0x3FB5]  }
0x39: {  	_ = 	snop;
	(pc) =	sbr.ind lr, $3  }
0x3a: {  	_ = 	snop  }
0x3b: {  	_ = 	snop  }
0x3c: {  	p2 =	seq.s32 s10, $0x1;
	s10 =	sld [smem:$0x3FB4]  }
0x3d: {  	_ =	shalt  }
0x3e: {  	_ =	shalt  }
0x3f: {  	_ =	shalt  }
0x40: {  	_ =	shalt  }
0x41: {  	_ =	shalt  }
0x42: {  	_ =	shalt  }
0x43: {  	_ =	shalt  }
0x44: {  	_ =	shalt  }
0x45: {  	_ =	shalt  }
0x46: {  	_ =	shalt  }
0x47: {  	_ =	shalt  }
0x48: {  	_ =	shalt  }
0x49: {  	_ =	shalt  }
0x4a: {  	_ =	shalt  }
0x4b: {  	_ =	shalt  }
0x4c: {  	_ =	shalt  }
0x4d: {  	_ =	shalt  }
0x4e: {  	_ =	shalt  }
0x4f: {  	_ =	shalt  }
0x50: {  	_ =	shalt  }
0x51: {  	_ =	shalt  }
0x52: {  	_ =	shalt  }
0x53: {  	_ =	shalt  }
0x54: {  	_ =	shalt  }
0x55: {  	_ =	shalt  }
0x56: {  	_ =	shalt  }
0x57: {  	_ =	shalt  }
0x58: {  	_ =	shalt  }
0x59: {  	_ =	shalt  }
0x5a: {  	_ =	shalt  }
0x5b: {  	_ =	shalt  }
0x5c: {  	_ =	shalt  }
0x5d: {  	_ =	shalt  }
0x5e: {  	_ =	shalt  }
0x5f: {  	_ =	shalt  }
0x60: {  	_ =	shalt  }
0x61: {  	_ =	shalt  }
0x62: {  	_ =	shalt  }
0x63: {  	_ =	shalt  }
0x64: {  	_ =	shalt  }
0x65: {  	_ =	shalt  }
0x66: {  	_ =	shalt  }
0x67: {  	_ =	shalt  }
0x68: {  	_ =	shalt  }
0x69: {  	_ =	shalt  }
0x6a: {  	_ =	shalt  }
0x6b: {  	_ =	shalt  }
0x6c: {  	_ =	shalt  }
0x6d: {  	_ =	shalt  }
0x6e: {  	_ =	shalt  }
0x6f: {  	_ =	shalt  }
0x70: {  	_ =	shalt  }
0x71: {  	_ =	shalt  }
0x72: {  	_ =	shalt  }
0x73: {  	_ =	shalt  }
0x74: {  	_ =	shalt  }
0x75: {  	_ =	shalt  }
0x76: {  	_ =	shalt  }
0x77: {  	_ =	shalt  }
0x78: {  	_ =	shalt  }
0x79: {  	_ =	shalt  }
0x7a: {  	_ =	shalt  }
0x7b: {  	_ =	shalt  }
0x7c: {  	_ =	shalt  }
0x7d: {  	_ =	shalt  }
0x7e: {  	_ =	shalt  }
0x7f: {  	_ =	shalt  }
0x80: {  	_ =	shalt  }
0x81: {  	_ =	shalt  }
0x82: {  	_ =	shalt  }
0x83: {  	_ =	shalt  }
0x84: {  	_ =	shalt  }
0x85: {  	_ =	shalt  }
0x86: {  	_ =	shalt  }
0x87: {  	_ =	shalt  }
.Lfunc_end0:
.L_simem_size_0:
called_computation_lowered:
.L_overlay_start_0:
0x88: {  	s2 =	sld [smem:$0x3FD9]  }
0x89: {  	s3 =	sld [smem:$0x3FFE];
	_ =	sdelay $0x1  }
0x8a: {  	s1 =	srdreg.scid  }
0x8b: {  	s0 =	sand.u32 $0x1, s1  }
0x8c: {  	s17 =	sshll.u32 s0, $0xA;
	s2 =	sadd.s32 s3, s2  }
0x8d: {  	s2 =	sadd.s32 s2, s17  }
0x8e: {  	[smem:$0x3FC0] =	sst s2  }
0x8f: {  	_ = 	snop  }
0x90: {  	s2 =	sld [smem:$0x3FD0];
	(tm) =	ssettm $0x1  }
0x91: {  	s18 =	sld [smem:$0x3FFB];
	_ =	sdelay $0x3  }
0x92: {  	_ =	strace s18  }
0x93: {  	s3 =	sld [smem:$0x3FFC];
	_ =	sdelay $0x3  }
0x94: {  	_ =	strace s3  }
0x95: {  	s3 =	sld [smem:$0x3FFD];
	_ =	sdelay $0x3  }
0x96: {  	_ =	strace s3  }
0x97: {  	_ =	strace $0x8FFFFFFF  }
0x98: {  	s19 =	sld [smem:$0x3FDB];
	_ =	sdelay $0x1  }
0x99: {  	s4 =	simm.s32 $_scs_section_size  }
0x9a: {  	s5 =	simm.s32 $_size__tile_overlayer_lowered;
	s6 =	simm.s32 $_tile_overlayer_lowered  }
0x9b: {  	s22 =	simm.s32 $0x1BFF;
	s21 =	sshll.u32 s6, $0x1;
	s3 =	sadd.s32 s4, s19  }
0x9c: {  	s7 =	simm.s32 $0x0;
	s20 =	sshll.u32 s5, $0x1;
	s5 =	sadd.s32 s21, s3  }
0x9d: {  	[timem:s7], [sflag:s22] =	dma.local [hbm:s5], s20  }
0x9e: {  	_ =	swait.ge [sflag:s22], s20  }
0x9f: {  	s4 =	ssub.s32 $0x0, s20;
	[sflag:s22] =	ssyncset.done $0x0  }
0xa0: {  	[sflag:s22] =	ssyncadd.s32 s4;
	_ =	sdelay $0x1  }
0xa1: {  	s23 =	simm.s32 $0x1B8B  }
0xa2: {  	_ =	swait.ge [sflag:s23], $0x1  }
0xa3: {  	[sflag:s23] =	ssyncset.done $0x0  }
0xa4: {  	s25 =	simm.s32 $0x1B8E;
	s24 =	sld [smem:$0x3FFE];
	[sflag:s23] =	ssyncadd.s32 $0xFFFFFFFF  }
0xa5: {  	s26 =	simm.s32 $execute0_lowered;
	[smem:$0x3FD2] =	sst s25  }
0xa6: {  	s5 =	sshll.u32 s26, $0x1;
	_ =	strace $0x80000046;
	[dreg:$0x1] =	wrdreg $0xFFFFFFFF  }
0xa7: {  	s28 =	simm.s32 $_size_execute0_lowered;
	s3 =	sadd.s32 s3, s5;
	[dreg:$0x0] =	wrdreg $0x0  }
0xa8: {  	s5 =	sshll.u32 s28, $0x1;
	[dreg:$0x2] =	wrdreg s3  }
0xa9: {  	[dreg:$0x3] =	wrdreg s5  }
0xaa: {  	[dreg:$0x4] =	wrdreg $0xC0  }
0xab: {  	_ =	task [dreg:s7], $0x5FFFF  }
0xac: {  	[dreg:$0x1] =	wrdreg $0xFFFFFFFF  }
0xad: {  	[dreg:$0x0] =	wrdreg $0x60  }
0xae: {  	[dreg:$0x2] =	wrdreg s24  }
0xaf: {  	[dreg:$0x3] =	wrdreg s2  }
0xb0: {  	[dreg:$0x4] =	wrdreg $0x28800  }
0xb1: {  	[dreg:$0x5] =	wrdreg $0x9  }
0xb2: {  	_ =	task.clear_ibuf [dreg:s7], $0x6FFFF;
	_ =	strace $0x90000046  }
0xb3: {  	s29 =	simm.s32 $0x9;
	_ =	strace $0x80000048  }
0xb4: {  	_ =	swait.ge [sflag:s29], $0x1  }
0xb5: {  	[sflag:s29] =	ssyncadd.s32 $0xFFFFFFFF  }
0xb6: {  	_ =	strace $0x90000048  }
0xb7: {  	_ =	sfence  }
0xb8: {  	s30 =	sld [smem:$0x0];
	_ =	sdelay $0x2  }
0xb9: {  	s31 =	sshll.u32 s1, $0xD;
	s1 =	sshrl.u32 s1, $0x2  }
0xba: {  	s3 =	sand.u32 $0x4000, s31;
	s1 =	sadd.s32 s1, s30  }
0xbb: {  	s0 =	sor.u32 s3, s0;
	s1 =	sshll.u32 s1, $0x11  }
0xbc: {  	s0 =	sor.u32 s1, s0  }
0xbd: {  	s0 =	sadd.s32 $0x8F2B, s0  }
0xbe: {  	[sflag:s0] =	ssyncadd.remote.s32 $0x1  }
0xbf: {  	_ =	sfence.sel $0xFFFF  }
0xc0: {  	[dreg:$0x0] =	wrdreg $0xFFFFFFFF;
	(pc) =	sbr.abs _section_cstart, $3  }
0xc1: {  	[dreg:$0x1] =	wrdreg $0xFFFFFFFF  }
0xc2: {  	_ =	task.clear_ibuf [dreg:s7], $0x2FFFF;
	_ =	strace $0x9FFFFFFF  }
0xc3: {  	(tm) =	ssettm $0x7FFFFFFF  }
tec
execute0_lowered:
.L_overlay_start_1:
0x0: {  	(tag) =	ssettag $0x1  }
0x1: {  	s5 =	rddreg [dreg:$0x0];
	s1 =	srdreg.scid  }
0x2: {  	s0 =	stileid.u32;
	s2 =	rddreg [dreg:$0x1]  }
0x3: {  	s3 =	rddreg [dreg:$0x2];
	s4 =	simm.s32 $0x0;
	s13 =	simm.s32 $0x80  }
0x4: {  	s14 =	simm.s32 $0x1;
	s15 =	simm.s32 $0x20;
	s16 =	simm.s32 $0x10  }
0x5: {  	s17 =	simm.s32 $0x0;
	s6 =	sand.u32 $0x1, s1;
	s1 =	rddreg [dreg:$0x3]  }
0x6: {  	s29 =	sshll.u32 s0, $0x1;
	[smem:$0x7FF] =	sst s4;
	s8 =	smul.u32 $0x500, s0  }
0x7: {  	s9 =	smul.u32 $0x280, s0;
	s31 =	sshll.u32 s0, $0x6;
	s7 =	sor.u32 s6, s29  }
0x8: {  	_ =	strace $0x80000047;
	s10 =	sshll.u32 s6, $0x7;
	s6 =	ssub.s32 $0x2, s6  }
0x9: {  	s7 =	smul.u32 $0x500, s7;
	s8 =	sor.u32 s10, s8;
	s30 =	sshrl.u32 s9, $0x3  }
0xa: {  	s11 =	sshrl.u32 s6, $0x1;
	s12 =	sadd.s32 s9, s3;
	s9 =	simm.s32 $0x2  }
0xb: {  	s8 =	sshrl.u32 s8, $0x3;
	s10 =	sadd.s32 s30, s5;
	s11 =	ssub.s32 s6, s11  }
0xc: {  	s12 =	sshrl.u32 s12, $0x3;
	s7 =	sadd.s32 s7, s5;
	s8 =	sadd.s32 s8, s5  }
0xd: {  	s6 =	sadd.s32 $0x17200, s10;
	s10 =	simm.s32 $0x2800;
	s5 =	sadd.s32 $0xD200, s7  }
0xe: {  	s7 =	sadd.s32 $0x17800, s8;
	s8 =	smax.u32 s11, $0x1;
	s11 =	sor.u32 $0x1C02, s31  }
.LBB2_1:
0xf: {  	[tilespmem:s4], [sflag:$0x2] =	stream.linear.gather [hbm4b:s5+s4], $0x2800, $0x38;
	[tilespmem:$0x2B00] =	vst v63  }
0x10: {  	_ =	swait.ge [sflag:s9], $0x2800  }
0x11: {  	[sflag:s9] =	ssyncset.done $0x0  }
0x12: {  	[sflag:s9] =	ssyncadd.s32 $0xFFFFD800  }
0x13: {  	[tilespmem:s10], [sflag:$0x2] =	stream.linear.gather [hbm4b:s2+s4], $0x80, $0x38;
	[tilespmem:$0x2B00] =	vst v63  }
0x14: {  	_ =	swait.ge [sflag:s9], $0x80  }
0x15: {  	[sflag:s9] =	ssyncset.done $0x0  }
0x16: {  	[sflag:s9] =	ssyncadd.s32 $0xFFFFFF80  }
0x17: {  	[spmem:s12], [sflag:s11] =	dma.local [hbm:s6], $0x50  }
0x18: {  	_ =	swait.ge [sflag:s9], $0x50  }
0x19: {  	[sflag:s9] =	ssyncset.done $0x0  }
0x1a: {  	[sflag:s9] =	ssyncadd.s32 $0xFFFFFFB0  }
0x1b: {  	s18 =	simm.s32 $0x0;
	[bflag:$0x0] =	sbarrier.arrive $0xFFFF  }
.LBB2_2:
0x1c: {  	p0 =	sne.s32 s18, $0x9E00  }
.Ltmp0:
0x1d: {  	_ = 	snop;
	(pc) =	sbr.rel @p0 .LBB2_2-.Ltmp0, $3  }
0x1e: {  	_ =	sdelay $0x1  }
0x1f: {  	s19 =	sshra.s32 s18, $0x2;
	s18 =	sadd.s32 $0x200, s18  }
0x20: {  	[spmem:s3] =	stream.indirect.scatter.add.f32 [tilespmem:s10], [sflag:$0x1], $0x1, s19, s13, $0xb8;
	[tilespmem:$0x2B00] =	vst v63  }
0x21: {  	_ =	swait.ge [sflag:s14], $0x80  }
0x22: {  	s18 =	simm.s32 $0x4F;
	[sflag:s14] =	ssyncset.done $0x0  }
.LBB2_4:
0x23: {  	p0 =	sne.s32 s18, $0x1;
	s18 =	sadd.s32 $0xFFFFFFFF, s18;
	[sflag:s14] =	ssyncadd.s32 $0xFFFFFF80  }
.Ltmp1:
0x24: {  	(pc) =	sbr.rel @p0 .LBB2_4-.Ltmp1, $3  }
0x25: {  	_ =	sdelay $0x1  }
0x26: {  	_ =	swait.ge [sflag:s14], $0x80  }
0x27: {  	[sflag:s14] =	ssyncset.done $0x0  }
0x28: {  	s17 =	sadd.s32 $0x1, s17  }
0x29: {  	[sflag:s14] =	ssyncadd.s32 $0xFFFFFF80;
	p0 =	sne.s32 s17, s8  }
.Ltmp2:
0x2a: {  	[bflag:$0x0] =	sbarrier.arrive $0xFFFF;
	(pc) =	sbr.rel @p0 .LBB2_1-.Ltmp2, $4  }
0x2b: {  	[hbm:s7@s15], [sflag:s11] =	dma.strided [spmem:s12@s16], $0x50, s14, $0x10   }
0x2c: {  	_ =	swait.ge [sflag:s9], $0x50  }
0x2d: {  	[sflag:s9] =	ssyncset.done $0x0  }
0x2e: {  	[sflag:s9] =	ssyncadd.s32 $0xFFFFFFB0  }
0x2f: {  	_ =	sfence.sel $0x180000  }
0x30: {  	[bflag:$0x0] =	sbarrier.arrive $0xFFFF  }
0x31: {  	p0 =	sne.s32 s0, $0x0;
	_ =	strace $0x90000047  }
0x32: {  	s0 =	sadd.s32 @!p0 $0x100000, s1;
	[bflag:$0x2] =	sbarrier.arrive $0xFFFF  }
0x33: {  	[sflag:s0] =	ssyncadd.tile.s32 @!p0 $0x1;
	_ =	shalt  }
.Lfunc_end2:
_tile_overlayer_lowered:
.L_overlay_start_2:
0x34: {  	(tag) =	ssettag $0x2  }
0x35: {  	s0 =	rddreg [dreg:$0x0];
	s2 =	stileid.u32  }
0x36: {  	s1 =	rddreg [dreg:$0x1];
	p0 =	sne.s32 s2, $0x0  }
0x37: {  	s3 =	rddreg [dreg:$0x2];
	[bflag:$0x3] =	sbarrier.arrive $0xFFFF;
	s2 =	simm.s32 @!p0 $0x1C02  }
0x38: {  	[timem:s3], [sflag:s2] =	dma.local @!p0 [hbm:s0], s1  }
0x39: {  	s0 =	simm.s32 @!p0 $0x2  }
0x3a: {  	_ =	swait.ge @!p0 [sflag:s0], s1  }
0x3b: {  	s1 =	ssub.s32 @!p0 $0x0, s1;
	[sflag:s0] =	ssyncset.done @!p0 $0x0  }
0x3c: {  	[sflag:s0] =	ssyncadd.s32 @!p0 s1  }
0x3d: {  	[bflag:$0x3] =	sbarrier.arrive $0xFFFF  }
0x3e: {  	_ =	shalt  }

// kernel: kernel.9.cloned.1.call-start
scs
__scs_entry_jumppad:
0x0: {  	(pc) =	sbr.rel $0x88, $3  }
0x1: {  	(tag) =	ssettag $0x0;
	lr =	simm.s32 $0x1  }
0x2: {  	[smem:$0x3F99] =	sst lr;
	_ =	strace $0xD0000000  }
0x3: {  	_ = 	snop  }
0x4: {  	_ = 	snop  }
0x5: {  	_ = 	snop  }
0x6: {  	_ = 	snop  }
0x7: {  	_ = 	snop  }
__scs_overlays_trampoline_lowered:
0x8: {  	[smem:$0x3FA8] =	sst s0  }
0x9: {  	[smem:$0x3FA9] =	sst s1  }
0xa: {  	[smem:$0x3FAA] =	sst s2  }
0xb: {  	[smem:$0x3FAB] =	sst s3  }
0xc: {  	[smem:$0x3FAC] =	sst s4  }
0xd: {  	[smem:$0x3FAD] =	sst s5  }
0xe: {  	[smem:$0x3FAE] =	sst s6  }
0xf: {  	[smem:$0x3FAF] =	sst s7  }
0x10: {  	[smem:$0x3FB0] =	sst s8  }
0x11: {  	[smem:$0x3FB1] =	sst s9;
	s0 =	simm.s32 @!p0 $0x0  }
0x12: {  	s1 =	sld [smem:$0x3F97];
	s0 =	simm.s32 @p0 $0x1  }
0x13: {  	[smem:$0x3FB2] =	sst s0;
	s0 =	simm.s32 @!p1 $0x0  }
0x14: {  	s2 =	sld [smem:$0x3F96];
	s0 =	simm.s32 @p1 $0x1  }
0x15: {  	[smem:$0x3FB3] =	sst s0;
	s0 =	simm.s32 @!p2 $0x0  }
0x16: {  	s3 =	sld [smem:$0x3FDB];
	s0 =	simm.s32 @p2 $0x1  }
0x17: {  	s4 =	simm.s32 $0x1BF5;
	[smem:$0x3FB5] =	sst s0  }
0x18: {  	s0 =	sld [smem:$0x3F98];
	_ =	swait.ge [sflag:s4], $0x0  }
0x19: {  	s7 =	sld [smem:$0x3F99]  }
0x1a: {  	s8 =	sadd.s32 $0xFFFFE003, lr  }
0x1b: {  	s9 =	sadd.s32 $0xFFFFFEF7, lr;
	s5 =	simm.s32 $0xFFFFFFFF;
	p2 =	slt.u32 s8, $0xFFFFF086  }
0x1c: {  	p1 =	slt.u32 s9, $0xF7A;
	s5 =	simm.s32 @!p2 $0x0  }
0x1d: {  	s5 =	simm.s32 @p1 $0x1;
	p0 =	seq.s32 s7, s2  }
0x1e: {  	s7 =	smul.u32 @!p0 $0xF7A, s2;
	p2 =	seq.s32 @!p0 s5, $0x0  }
0x1f: {  	s9 =	smul.u32 $0xF7A, s1;
	s8 =	simm.s32 @!p0 $0x1BF5;
	p2 =	por !p2, p0  }
0x20: {  	[sflag:s8] =	ssyncset.s32 @!p0 $0xFFFFF086;
	s6 =	sadd.s32 @!p0 s3, s7;
	s7 =	simm.s32 @!p0 $0x108  }
0x21: {  	s3 =	sadd.s32 s3, s9;
	s6 =	sadd.s32 @!p0 $0x88, s6;
	s7 =	simm.s32 @p2 $0x1082  }
0x22: {  	[simem:s7], [sflag:s8] =	dma.local @!p0 [hbm:s6], $0xF7A  }
0x23: {  	s9 =	sor.u32 $0xD0000000, s2;
	s6 =	simm.s32 $0x108;
	_ =	swait.ge @!p0 [sflag:s8], $0x0  }
0x24: {  	s3 =	sadd.s32 $0x88, s3;
	s6 =	simm.s32 @!p1 $0x1082;
	[sflag:s4] =	ssyncset.s32 $0xFFFFF086  }
0x25: {  	[simem:s6], [sflag:s4] =	dma.local [hbm:s3], $0xF7A  }
0x26: {  	[smem:$0x3F99] =	sst s1;
	(tag) =	ssettag s2;
	_ =	strace s9  }
0x27: {  	s1 =	sld [smem:$0x3FA9]  }
0x28: {  	s2 =	sld [smem:$0x3FAA]  }
0x29: {  	s4 =	sld [smem:$0x3FAC]  }
0x2a: {  	p0 =	seq.s32 s5, $0x0;
	s5 =	sld [smem:$0x3FAD]  }
0x2b: {  	s6 =	sld [smem:$0x3FAE]  }
0x2c: {  	s7 =	sld [smem:$0x3FAF]  }
0x2d: {  	s3 =	simm.s32 $0x108;
	s8 =	sld [smem:$0x3FB0]  }
0x2e: {  	s3 =	simm.s32 @!p0 $0x1082;
	s9 =	sld [smem:$0x3FB1]  }
0x2f: {  	lr =	sadd.s32 s0, s3;
	s0 =	sld [smem:$0x3FA8]  }
0x30: {  	s3 =	sld [smem:$0x3FAB]  }
0x31: {  	[smem:$0x3FB4] =	sst s10  }
0x32: {  	s10 =	sld [smem:$0x3FB2];
	_ =	sdelay $0x3  }
0x33: {  	p0 =	seq.s32 s10, $0x1;
	s10 =	sld [smem:$0x3FB4];
	_ =	sdelay $0x3  }
0x34: {  	[smem:$0x3FB4] =	sst s10  }
0x35: {  	s10 =	sld [smem:$0x3FB3];
	_ =	sdelay $0x3  }
0x36: {  	p1 =	seq.s32 s10, $0x1;
	s10 =	sld [smem:$0x3FB4];
	_ =	sdelay $0x3  }
0x37: {  	[smem:$0x3FB4] =	sst s10  }
0x38: {  	s10 =	sld [smem:$0x3FB5]  }
0x39: {  	_ = 	snop;
	(pc) =	sbr.ind lr, $3  }
0x3a: {  	_ = 	snop  }
0x3b: {  	_ = 	snop  }
0x3c: {  	p2 =	seq.s32 s10, $0x1;
	s10 =	sld [smem:$0x3FB4]  }
0x3d: {  	_ =	shalt  }
0x3e: {  	_ =	shalt  }
0x3f: {  	_ =	shalt  }
0x40: {  	_ =	shalt  }
0x41: {  	_ =	shalt  }
0x42: {  	_ =	shalt  }
0x43: {  	_ =	shalt  }
0x44: {  	_ =	shalt  }
0x45: {  	_ =	shalt  }
0x46: {  	_ =	shalt  }
0x47: {  	_ =	shalt  }
0x48: {  	_ =	shalt  }
0x49: {  	_ =	shalt  }
0x4a: {  	_ =	shalt  }
0x4b: {  	_ =	shalt  }
0x4c: {  	_ =	shalt  }
0x4d: {  	_ =	shalt  }
0x4e: {  	_ =	shalt  }
0x4f: {  	_ =	shalt  }
0x50: {  	_ =	shalt  }
0x51: {  	_ =	shalt  }
0x52: {  	_ =	shalt  }
0x53: {  	_ =	shalt  }
0x54: {  	_ =	shalt  }
0x55: {  	_ =	shalt  }
0x56: {  	_ =	shalt  }
0x57: {  	_ =	shalt  }
0x58: {  	_ =	shalt  }
0x59: {  	_ =	shalt  }
0x5a: {  	_ =	shalt  }
0x5b: {  	_ =	shalt  }
0x5c: {  	_ =	shalt  }
0x5d: {  	_ =	shalt  }
0x5e: {  	_ =	shalt  }
0x5f: {  	_ =	shalt  }
0x60: {  	_ =	shalt  }
0x61: {  	_ =	shalt  }
0x62: {  	_ =	shalt  }
0x63: {  	_ =	shalt  }
0x64: {  	_ =	shalt  }
0x65: {  	_ =	shalt  }
0x66: {  	_ =	shalt  }
0x67: {  	_ =	shalt  }
0x68: {  	_ =	shalt  }
0x69: {  	_ =	shalt  }
0x6a: {  	_ =	shalt  }
0x6b: {  	_ =	shalt  }
0x6c: {  	_ =	shalt  }
0x6d: {  	_ =	shalt  }
0x6e: {  	_ =	shalt  }
0x6f: {  	_ =	shalt  }
0x70: {  	_ =	shalt  }
0x71: {  	_ =	shalt  }
0x72: {  	_ =	shalt  }
0x73: {  	_ =	shalt  }
0x74: {  	_ =	shalt  }
0x75: {  	_ =	shalt  }
0x76: {  	_ =	shalt  }
0x77: {  	_ =	shalt  }
0x78: {  	_ =	shalt  }
0x79: {  	_ =	shalt  }
0x7a: {  	_ =	shalt  }
0x7b: {  	_ =	shalt  }
0x7c: {  	_ =	shalt  }
0x7d: {  	_ =	shalt  }
0x7e: {  	_ =	shalt  }
0x7f: {  	_ =	shalt  }
0x80: {  	_ =	shalt  }
0x81: {  	_ =	shalt  }
0x82: {  	_ =	shalt  }
0x83: {  	_ =	shalt  }
0x84: {  	_ =	shalt  }
0x85: {  	_ =	shalt  }
0x86: {  	_ =	shalt  }
0x87: {  	_ =	shalt  }
.Lfunc_end0:
.L_simem_size_0:
called_computation.1_lowered:
.L_overlay_start_0:
0x88: {  	s2 =	sld [smem:$0x3FD9]  }
0x89: {  	s3 =	sld [smem:$0x3FFE];
	_ =	sdelay $0x1  }
0x8a: {  	s1 =	srdreg.scid  }
0x8b: {  	s0 =	sand.u32 $0x1, s1  }
0x8c: {  	s16 =	sshll.u32 s0, $0xA;
	s2 =	sadd.s32 s3, s2  }
0x8d: {  	s2 =	sadd.s32 s2, s16  }
0x8e: {  	[smem:$0x3FC0] =	sst s2  }
0x8f: {  	_ = 	snop  }
0x90: {  	(tm) =	ssettm $0x1  }
0x91: {  	s17 =	sld [smem:$0x3FFB];
	_ =	sdelay $0x3  }
0x92: {  	_ =	strace s17  }
0x93: {  	s2 =	sld [smem:$0x3FFC];
	_ =	sdelay $0x3  }
0x94: {  	_ =	strace s2  }
0x95: {  	s2 =	sld [smem:$0x3FFD];
	_ =	sdelay $0x3  }
0x96: {  	_ =	strace s2  }
0x97: {  	_ =	strace $0x8FFFFFFF  }
0x98: {  	s18 =	sld [smem:$0x3FDB];
	_ =	sdelay $0x1  }
0x99: {  	s19 =	simm.s32 $_scs_section_size  }
0x9a: {  	s4 =	simm.s32 $_size__tile_overlayer_lowered;
	s5 =	simm.s32 $_tile_overlayer_lowered  }
0x9b: {  	s22 =	simm.s32 $0x1BFF;
	s21 =	sshll.u32 s5, $0x1;
	s2 =	sadd.s32 s19, s18  }
0x9c: {  	s6 =	simm.s32 $0x0;
	s20 =	sshll.u32 s4, $0x1;
	s4 =	sadd.s32 s21, s2  }
0x9d: {  	[timem:s6], [sflag:s22] =	dma.local [hbm:s4], s20  }
0x9e: {  	_ =	swait.ge [sflag:s22], s20  }
0x9f: {  	s3 =	ssub.s32 $0x0, s20;
	[sflag:s22] =	ssyncset.done $0x0  }
0xa0: {  	[sflag:s22] =	ssyncadd.s32 s3;
	_ =	sdelay $0x1  }
0xa1: {  	s23 =	simm.s32 $0x1B8B  }
0xa2: {  	_ =	swait.ge [sflag:s23], $0x1  }
0xa3: {  	[sflag:s23] =	ssyncset.done $0x0  }
0xa4: {  	s25 =	simm.s32 $0x1B8E;
	s24 =	sld [smem:$0x3FFE];
	[sflag:s23] =	ssyncadd.s32 $0xFFFFFFFF  }
0xa5: {  	s26 =	simm.s32 $execute0_lowered;
	[smem:$0x3FD2] =	sst s25  }
0xa6: {  	s4 =	sshll.u32 s26, $0x1;
	_ =	strace $0x80000049;
	[dreg:$0x1] =	wrdreg $0xFFFFFFFF  }
0xa7: {  	s28 =	simm.s32 $_size_execute0_lowered;
	s2 =	sadd.s32 s2, s4;
	[dreg:$0x0] =	wrdreg $0x0  }
0xa8: {  	s4 =	sshll.u32 s28, $0x1;
	[dreg:$0x2] =	wrdreg s2  }
0xa9: {  	[dreg:$0x3] =	wrdreg s4  }
0xaa: {  	[dreg:$0x4] =	wrdreg $0xC0  }
0xab: {  	_ =	task [dreg:s6], $0x5FFFF  }
0xac: {  	[dreg:$0x1] =	wrdreg $0xFFFFFFFF  }
0xad: {  	[dreg:$0x0] =	wrdreg $0x60  }
0xae: {  	[dreg:$0x2] =	wrdreg s24  }
0xaf: {  	[dreg:$0x3] =	wrdreg $0x150000  }
0xb0: {  	[dreg:$0x4] =	wrdreg $0x9  }
0xb1: {  	_ =	task.clear_ibuf [dreg:s6], $0x5FFFF;
	_ =	strace $0x90000049  }
0xb2: {  	s29 =	simm.s32 $0x9;
	_ =	strace $0x8000004B  }
0xb3: {  	_ =	swait.ge [sflag:s29], $0x1  }
0xb4: {  	[sflag:s29] =	ssyncadd.s32 $0xFFFFFFFF  }
0xb5: {  	_ =	strace $0x9000004B  }
0xb6: {  	_ =	sfence  }
0xb7: {  	s30 =	sld [smem:$0x0];
	_ =	sdelay $0x2  }
0xb8: {  	s31 =	sshll.u32 s1, $0xD;
	s1 =	sshrl.u32 s1, $0x2  }
0xb9: {  	s3 =	sand.u32 $0x4000, s31;
	s1 =	sadd.s32 s1, s30  }
0xba: {  	s0 =	sor.u32 s3, s0;
	s1 =	sshll.u32 s1, $0x11  }
0xbb: {  	s0 =	sor.u32 s1, s0  }
0xbc: {  	s0 =	sadd.s32 $0x8F2B, s0  }
0xbd: {  	[sflag:s0] =	ssyncadd.remote.s32 $0x1  }
0xbe: {  	_ =	sfence.sel $0xFFFF  }
0xbf: {  	[dreg:$0x0] =	wrdreg $0xFFFFFFFF;
	(pc) =	sbr.abs _section_cstart, $3  }
0xc0: {  	[dreg:$0x1] =	wrdreg $0xFFFFFFFF  }
0xc1: {  	_ =	task.clear_ibuf [dreg:s6], $0x2FFFF;
	_ =	strace $0x9FFFFFFF  }
0xc2: {  	(tm) =	ssettm $0x7FFFFFFF  }
0xc3: {  	_ =	shalt  }
tec
execute0_lowered:
.L_overlay_start_1:
0x0: {  	(tag) =	ssettag $0x1  }
0x1: {  	s0 =	srdreg.scid;
	s3 =	rddreg [dreg:$0x0]  }
0x2: {  	s4 =	stileid.u32;
	s2 =	rddreg [dreg:$0x1];
	s7 =	simm.s32 $0x0  }
0x3: {  	s12 =	simm.s32 $0x11;
	s14 =	simm.s32 $0x80;
	s15 =	simm.s32 $0x5000  }
0x4: {  	s16 =	simm.s32 $0x7000;
	s18 =	simm.s32 $0x9000;
	s29 =	simm.s32 $0x13000  }
0x5: {  	s30 =	simm.s32 $0x1;
	s31 =	simm.s32 $0x2;
	s13 =	simm.s32 $0x4  }
0x6: {  	s17 =	simm.s32 $0x7;
	s19 =	simm.s32 $0xA;
	s9 =	simm.s32 $0xD  }
0x7: {  	s10 =	simm.s32 $0xE;
	s11 =	simm.s32 $0x10;
	s0 =	sand.u32 $0x1, s0  }
0x8: {  	s1 =	sshll.u32 s4, $0x1;
	s5 =	smul.u32 $0xA000, s4;
	[smem:$0x7FF] =	sst s7  }
0x9: {  	s20 =	smul.u32 $0x14000, s4;
	s4 =	sadd.s32 $0x17200, s3;
	s7 =	simm.s32 $0xB  }
0xa: {  	s1 =	sor.u32 s0, s1;
	s6 =	smul.u32 $0x140000, s0;
	_ =	strace $0x8000004A  }
0xb: {  	s0 =	ssub.s32 $0x2, s0;
	s1 =	smul.u32 $0x500, s1;
	s8 =	sshrl.u32 s5, $0x3  }
0xc: {  	s22 =	sshrl.u32 s0, $0x1;
	s24 =	sadd.s32 s5, s2;
	s5 =	simm.s32 $0x8  }
0xd: {  	s6 =	sadd.s32 s20, s6;
	s21 =	sadd.s32 s8, s3;
	s0 =	ssub.s32 s0, s22  }
0xe: {  	[dreg:$0x5] =	wrdreg s24;
	s20 =	simm.s32 $0xB000;
	s22 =	simm.s32 $0xD000  }
0xf: {  	s24 =	simm.s32 $0xF000;
	s1 =	sadd.s32 s1, s3;
	s6 =	sshrl.u32 s6, $0x3  }
0x10: {  	s25 =	sadd.s32 $0x3F200, s21;
	s0 =	smax.u32 s0, $0x1;
	s21 =	simm.s32 $0xC  }
0x11: {  	s3 =	sadd.s32 s6, s3;
	s23 =	sadd.s32 $0x3200, s1;
	[dreg:$0x6] =	wrdreg s25  }
0x12: {  	s1 =	sadd.s32 $0xD200, s1;
	[dreg:$0x9] =	wrdreg s0;
	s0 =	simm.s32 $0x5  }
0x13: {  	s6 =	simm.s32 $0x9;
	s25 =	simm.s32 $0x0;
	[dreg:$0x3] =	wrdreg s23  }
0x14: {  	[dreg:$0x4] =	wrdreg s1;
	s26 =	sadd.s32 $0x53200, s3;
	s28 =	sadd.s32 $0x53208, s3  }
0x15: {  	s1 =	simm.s32 $0x3;
	s3 =	simm.s32 $0x6;
	[dreg:$0x7] =	wrdreg s26  }
0x16: {  	s23 =	simm.s32 $0xF;
	[dreg:$0x8] =	wrdreg s28;
	s26 =	simm.s32 $0x11000  }
.LBB2_1:
0x17: {  	[dreg:$0xa] =	wrdreg s25  }
0x18: {  	s8 =	simm.s32 $0x0;
	s25 =	rddreg [dreg:$0x3]  }
0x19: {  	[tilespmem:s8], [sflag:$0x11] =	stream.linear.gather [hbm4b:s25+s8], $0x2800, $0x38;
	[tilespmem:$0x1F000] =	vst v63  }
0x1a: {  	_ =	swait.ge [sflag:s12], $0x2800  }
0x1b: {  	[sflag:s12] =	ssyncset.done $0x0  }
0x1c: {  	s28 =	simm.s32 $0x2800;
	s25 =	rddreg [dreg:$0x4];
	[sflag:s12] =	ssyncadd.s32 $0xFFFFD800  }
0x1d: {  	[tilespmem:s28], [sflag:$0x11] =	stream.linear.gather [hbm4b:s25+s8], $0x2800, $0x38;
	[tilespmem:$0x1F000] =	vst v63  }
0x1e: {  	_ =	swait.ge [sflag:s12], $0x2800  }
0x1f: {  	[sflag:s12] =	ssyncset.done $0x0  }
0x20: {  	s8 =	simm.s32 $0x0;
	[sflag:s12] =	ssyncadd.s32 $0xFFFFD800  }
0x21: {  	v2 =	vld [tilespmem:s8+$0x0]  }
0x22: {  	v4 =	vld [tilespmem:s8+$0x10]  }
0x23: {  	v3 =	vld [tilespmem:s8+$0x20]  }
0x24: {  	v1 =	vld [tilespmem:s8+$0x30]  }
0x25: {  	v0 =	vld [tilespmem:s8+$0x40]  }
0x26: {  	v5 =	vshll.u32 v2, $0x1;
	v2 =	vld [tilespmem:s8+$0x50]  }
0x27: {  	s28 =	simm.s32 $0x200;
	[tilespmem:s8+$0x0] =	vst v5;
	v5 =	vshll.u32 v4, $0x1;
	v4 =	vld [tilespmem:s8+$0x60]  }
.LBB2_2:
0x28: {  	s25 =	sshra.s32 s28, $0x2;
	p0 =	sne.s32 s28, $0x9E00;
	[tilespmem:s8+$0x10] =	vst v5;
	v3 =	vshll.u32 v3, $0x1;
	v5 =	vld [tilespmem:s8+$0x70]  }
0x29: {  	v6 =	vld [tilespmem:s25+$0x0];
	[tilespmem:s8+$0x20] =	vst v3;
	v1 =	vshll.u32 v1, $0x1  }
0x2a: {  	v7 =	vld [tilespmem:s25+$0x10];
	[tilespmem:s8+$0x30] =	vst v1;
	v0 =	vshll.u32 v0, $0x1  }
.Ltmp0:
0x2b: {  	v3 =	vld [tilespmem:s25+$0x20];
	[tilespmem:s8+$0x40] =	vst v0;
	v0 =	vshll.u32 v2, $0x1;
	(pc) =	sbr.rel @p0 .LBB2_2-.Ltmp0, $4  }
0x2c: {  	v1 =	vld [tilespmem:s25+$0x30];
	[tilespmem:s8+$0x50] =	vst v0;
	v2 =	vshll.u32 v4, $0x1  }
0x2d: {  	v0 =	vld [tilespmem:s25+$0x40];
	[tilespmem:s8+$0x60] =	vst v2;
	v4 =	vshll.u32 v5, $0x1  }
0x2e: {  	v5 =	vshll.u32 v6, $0x1;
	v2 =	vld [tilespmem:s25+$0x50];
	[tilespmem:s8+$0x70] =	vst v4;
	s8 =	smov.u32 s25  }
0x2f: {  	s28 =	sadd.s32 $0x200, s28;
	[tilespmem:s8+$0x0] =	vst v5;
	v5 =	vshll.u32 v7, $0x1;
	v4 =	vld [tilespmem:s8+$0x60]  }
0x30: {  	[tilespmem:s8+$0x10] =	vst v5;
	v3 =	vshll.u32 v3, $0x1;
	v60 =	vld [tilespmem:s8+$0x70]  }
0x31: {  	[tilespmem:s8+$0x20] =	vst v3;
	v1 =	vshll.u32 v1, $0x1  }
0x32: {  	[tilespmem:s8+$0x30] =	vst v1;
	v0 =	vshll.u32 v0, $0x1  }
0x33: {  	[tilespmem:s8+$0x40] =	vst v0;
	v61 =	vshll.u32 v2, $0x1  }
0x34: {  	[tilespmem:s8+$0x50] =	vst v61;
	v62 =	vshll.u32 v4, $0x1  }
0x35: {  	[tilespmem:s8+$0x60] =	vst v62;
	v63 =	vshll.u32 v60, $0x1  }
0x36: {  	s25 =	simm.s32 $0x0;
	[tilespmem:s8+$0x70] =	vst v63  }
0x37: {  	[tilespmem:s15], [sflag:$0x1] =	stream.indirect.gather [hbm4b:s4+s14], $0x40, s25, s14, $0xb8;
	[tilespmem:$0x1F000] =	vst v63  }
0x38: {  	_ = 	snop  }
0x39: {  	[tilespmem:s16], [sflag:$0x2] =	stream.indirect.gather [hbm4b:s4+s14], $0x40, s14, s14, $0xb8;
	[tilespmem:$0x1F000] =	vst v63  }
0x3a: {  	s25 =	simm.s32 $0x100  }
0x3b: {  	[tilespmem:s18], [sflag:$0x3] =	stream.indirect.gather [hbm4b:s4+s14], $0x40, s25, s14, $0xb8;
	[tilespmem:$0x1F000] =	vst v63  }
0x3c: {  	s25 =	simm.s32 $0x180  }
0x3d: {  	[tilespmem:s20], [sflag:$0x4] =	stream.indirect.gather [hbm4b:s4+s14], $0x40, s25, s14, $0xb8;
	[tilespmem:$0x1F000] =	vst v63  }
0x3e: {  	s25 =	simm.s32 $0x200  }
0x3f: {  	[tilespmem:s22], [sflag:$0x5] =	stream.indirect.gather [hbm4b:s4+s14], $0x40, s25, s14, $0xb8;
	[tilespmem:$0x1F000] =	vst v63  }
0x40: {  	s25 =	simm.s32 $0x280  }
0x41: {  	[tilespmem:s24], [sflag:$0x6] =	stream.indirect.gather [hbm4b:s4+s14], $0x40, s25, s14, $0xb8;
	[tilespmem:$0x1F000] =	vst v63  }
0x42: {  	s25 =	simm.s32 $0x300  }
0x43: {  	[tilespmem:s26], [sflag:$0x7] =	stream.indirect.gather [hbm4b:s4+s14], $0x40, s25, s14, $0xb8;
	[tilespmem:$0x1F000] =	vst v63  }
0x44: {  	s25 =	simm.s32 $0x380  }
0x45: {  	[tilespmem:s29], [sflag:$0x8] =	stream.indirect.gather [hbm4b:s4+s14], $0x40, s25, s14, $0xb8;
	[tilespmem:$0x1F000] =	vst v63  }
0x46: {  	s25 =	stileid.u32  }
0x47: {  	s8 =	sshll.u32 s25, $0x6  }
0x48: {  	s25 =	sor.u32 $0x1C11, s8;
	s8 =	rddreg [dreg:$0x5]  }
0x49: {  	s28 =	sshrl.u32 s8, $0x3;
	s8 =	rddreg [dreg:$0x6]  }
0x4a: {  	[dreg:$0xb] =	wrdreg s25  }
0x4b: {  	[dreg:$0xc] =	wrdreg s28  }
0x4c: {  	[spmem:s28], [sflag:s25] =	dma.local [hbm:s8], $0x1400  }
0x4d: {  	_ =	swait.ge [sflag:s12], $0x1400  }
0x4e: {  	[sflag:s12] =	ssyncset.done $0x0  }
0x4f: {  	[sflag:s12] =	ssyncadd.s32 $0xFFFFEC00  }
0x50: {  	[bflag:$0x0] =	sbarrier.arrive $0xFFFF  }
0x51: {  	_ =	swait.ge [sflag:s30], $0x2000  }
0x52: {  	[sflag:s30] =	ssyncset.done $0x0  }
0x53: {  	s25 =	simm.s32 $0x2800;
	[sflag:s30] =	ssyncadd.s32 $0xFFFFE000  }
0x54: {  	[spmem:s2] =	stream.indirect.scatter.add.f32 [tilespmem:s15], [sflag:$0x9], $0x40, s25, s14, $0xb8;
	[tilespmem:$0x1F000] =	vst v63  }
0x55: {  	_ =	swait.ge [sflag:s31], $0x2000  }
0x56: {  	[sflag:s31] =	ssyncset.done $0x0  }
0x57: {  	s25 =	simm.s32 $0x2880;
	[sflag:s31] =	ssyncadd.s32 $0xFFFFE000  }
0x58: {  	[spmem:s2] =	stream.indirect.scatter.add.f32 [tilespmem:s16], [sflag:$0xA], $0x40, s25, s14, $0xb8;
	[tilespmem:$0x1F000] =	vst v63  }
0x59: {  	_ =	swait.ge [sflag:s1], $0x2000  }
0x5a: {  	[sflag:s1] =	ssyncset.done $0x0  }
0x5b: {  	s25 =	simm.s32 $0x2900;
	[sflag:s1] =	ssyncadd.s32 $0xFFFFE000  }
0x5c: {  	[spmem:s2] =	stream.indirect.scatter.add.f32 [tilespmem:s18], [sflag:$0xB], $0x40, s25, s14, $0xb8;
	[tilespmem:$0x1F000] =	vst v63  }
0x5d: {  	_ =	swait.ge [sflag:s13], $0x2000  }
0x5e: {  	[sflag:s13] =	ssyncset.done $0x0  }
0x5f: {  	s25 =	simm.s32 $0x2980;
	[sflag:s13] =	ssyncadd.s32 $0xFFFFE000  }
0x60: {  	[spmem:s2] =	stream.indirect.scatter.add.f32 [tilespmem:s20], [sflag:$0xC], $0x40, s25, s14, $0xb8;
	[tilespmem:$0x1F000] =	vst v63  }
0x61: {  	_ =	swait.ge [sflag:s0], $0x2000  }
0x62: {  	[sflag:s0] =	ssyncset.done $0x0  }
0x63: {  	s25 =	simm.s32 $0x2A00;
	[sflag:s0] =	ssyncadd.s32 $0xFFFFE000  }
0x64: {  	[spmem:s2] =	stream.indirect.scatter.add.f32 [tilespmem:s22], [sflag:$0xD], $0x40, s25, s14, $0xb8;
	[tilespmem:$0x1F000] =	vst v63  }
0x65: {  	_ =	swait.ge [sflag:s3], $0x2000  }
0x66: {  	[sflag:s3] =	ssyncset.done $0x0  }
0x67: {  	s25 =	simm.s32 $0x2A80;
	[sflag:s3] =	ssyncadd.s32 $0xFFFFE000  }
0x68: {  	[spmem:s2] =	stream.indirect.scatter.add.f32 [tilespmem:s24], [sflag:$0xE], $0x40, s25, s14, $0xb8;
	[tilespmem:$0x1F000] =	vst v63  }
0x69: {  	_ =	swait.ge [sflag:s17], $0x2000  }
0x6a: {  	[sflag:s17] =	ssyncset.done $0x0  }
0x6b: {  	s25 =	simm.s32 $0x2B00;
	[sflag:s17] =	ssyncadd.s32 $0xFFFFE000  }
0x6c: {  	[spmem:s2] =	stream.indirect.scatter.add.f32 [tilespmem:s26], [sflag:$0xF], $0x40, s25, s14, $0xb8;
	[tilespmem:$0x1F000] =	vst v63  }
0x6d: {  	_ =	swait.ge [sflag:s5], $0x2000  }
0x6e: {  	[sflag:s5] =	ssyncset.done $0x0  }
0x6f: {  	s25 =	simm.s32 $0x2B80;
	[sflag:s5] =	ssyncadd.s32 $0xFFFFE000  }
0x70: {  	[spmem:s2] =	stream.indirect.scatter.add.f32 [tilespmem:s29], [sflag:$0x10], $0x40, s25, s14, $0xb8;
	[tilespmem:$0x1F000] =	vst v63  }
0x71: {  	_ =	swait.ge [sflag:s6], $0x2000  }
0x72: {  	[sflag:s6] =	ssyncset.done $0x0  }
0x73: {  	s25 =	simm.s32 $0x400;
	[sflag:s6] =	ssyncadd.s32 $0xFFFFE000  }
0x74: {  	[tilespmem:s15], [sflag:$0x1] =	stream.indirect.gather [hbm4b:s4+s14], $0x40, s25, s14, $0xb8;
	[tilespmem:$0x1F000] =	vst v63  }
0x75: {  	_ =	swait.ge [sflag:s19], $0x2000  }
0x76: {  	[sflag:s19] =	ssyncset.done $0x0  }
0x77: {  	s25 =	simm.s32 $0x480;
	[sflag:s19] =	ssyncadd.s32 $0xFFFFE000  }
0x78: {  	[tilespmem:s16], [sflag:$0x2] =	stream.indirect.gather [hbm4b:s4+s14], $0x40, s25, s14, $0xb8;
	[tilespmem:$0x1F000] =	vst v63  }
0x79: {  	_ =	swait.ge [sflag:s7], $0x2000  }
0x7a: {  	[sflag:s7] =	ssyncset.done $0x0  }
0x7b: {  	s25 =	simm.s32 $0x500;
	[sflag:s7] =	ssyncadd.s32 $0xFFFFE000  }
0x7c: {  	[tilespmem:s18], [sflag:$0x3] =	stream.indirect.gather [hbm4b:s4+s14], $0x40, s25, s14, $0xb8;
	[tilespmem:$0x1F000] =	vst v63  }
0x7d: {  	_ =	swait.ge [sflag:s21], $0x2000  }
0x7e: {  	[sflag:s21] =	ssyncset.done $0x0  }
0x7f: {  	s25 =	simm.s32 $0x580;
	[sflag:s21] =	ssyncadd.s32 $0xFFFFE000  }
0x80: {  	[tilespmem:s20], [sflag:$0x4] =	stream.indirect.gather [hbm4b:s4+s14], $0x40, s25, s14, $0xb8;
	[tilespmem:$0x1F000] =	vst v63  }
0x81: {  	_ =	swait.ge [sflag:s9], $0x2000  }
0x82: {  	[sflag:s9] =	ssyncset.done $0x0  }
0x83: {  	s25 =	simm.s32 $0x600;
	[sflag:s9] =	ssyncadd.s32 $0xFFFFE000  }
0x84: {  	[tilespmem:s22], [sflag:$0x5] =	stream.indirect.gather [hbm4b:s4+s14], $0x40, s25, s14, $0xb8;
	[tilespmem:$0x1F000] =	vst v63  }
0x85: {  	_ =	swait.ge [sflag:s10], $0x2000  }
0x86: {  	[sflag:s10] =	ssyncset.done $0x0  }
0x87: {  	s25 =	simm.s32 $0x680;
	[sflag:s10] =	ssyncadd.s32 $0xFFFFE000  }
0x88: {  	[tilespmem:s24], [sflag:$0x6] =	stream.indirect.gather [hbm4b:s4+s14], $0x40, s25, s14, $0xb8;
	[tilespmem:$0x1F000] =	vst v63  }
0x89: {  	_ =	swait.ge [sflag:s23], $0x2000  }
0x8a: {  	[sflag:s23] =	ssyncset.done $0x0  }
0x8b: {  	s25 =	simm.s32 $0x700;
	[sflag:s23] =	ssyncadd.s32 $0xFFFFE000  }
0x8c: {  	[tilespmem:s26], [sflag:$0x7] =	stream.indirect.gather [hbm4b:s4+s14], $0x40, s25, s14, $0xb8;
	[tilespmem:$0x1F000] =	vst v63  }
0x8d: {  	_ =	swait.ge [sflag:s11], $0x2000  }
0x8e: {  	[sflag:s11] =	ssyncset.done $0x0  }
0x8f: {  	s28 =	simm.s32 $0x1000;
	s8 =	simm.s32 $0x780;
	[sflag:s11] =	ssyncadd.s32 $0xFFFFE000  }
.LBB2_4:
0x90: {  	[tilespmem:s29], [sflag:$0x8] =	stream.indirect.gather [hbm4b:s4+s14], $0x40, s8, s14, $0xb8;
	[tilespmem:$0x1F000] =	vst v63  }
0x91: {  	s8 =	smov.u32 s28  }
0x92: {  	p0 =	sne.s32 s28, $0x8000;
	s28 =	sadd.s32 $0x1000, s28;
	_ =	swait.ge [sflag:s30], $0x2000  }
0x93: {  	s8 =	sshra.s32 s8, $0x2;
	[sflag:s30] =	ssyncset.done $0x0  }
0x94: {  	s25 =	sadd.s32 $0x2800, s8;
	[sflag:s30] =	ssyncadd.s32 $0xFFFFE000  }
0x95: {  	[spmem:s2] =	stream.indirect.scatter.add.f32 [tilespmem:s15], [sflag:$0x9], $0x40, s25, s14, $0xb8;
	[tilespmem:$0x1F000] =	vst v63  }
0x96: {  	_ =	swait.ge [sflag:s31], $0x2000  }
0x97: {  	[sflag:s31] =	ssyncset.done $0x0  }
0x98: {  	s25 =	sadd.s32 $0x2880, s8;
	[sflag:s31] =	ssyncadd.s32 $0xFFFFE000  }
0x99: {  	[spmem:s2] =	stream.indirect.scatter.add.f32 [tilespmem:s16], [sflag:$0xA], $0x40, s25, s14, $0xb8;
	[tilespmem:$0x1F000] =	vst v63  }
0x9a: {  	_ =	swait.ge [sflag:s1], $0x2000  }
0x9b: {  	[sflag:s1] =	ssyncset.done $0x0  }
0x9c: {  	s25 =	sadd.s32 $0x2900, s8;
	[sflag:s1] =	ssyncadd.s32 $0xFFFFE000  }
0x9d: {  	[spmem:s2] =	stream.indirect.scatter.add.f32 [tilespmem:s18], [sflag:$0xB], $0x40, s25, s14, $0xb8;
	[tilespmem:$0x1F000] =	vst v63  }
0x9e: {  	_ =	swait.ge [sflag:s13], $0x2000  }
0x9f: {  	[sflag:s13] =	ssyncset.done $0x0  }
0xa0: {  	s25 =	sadd.s32 $0x2980, s8;
	[sflag:s13] =	ssyncadd.s32 $0xFFFFE000  }
0xa1: {  	[spmem:s2] =	stream.indirect.scatter.add.f32 [tilespmem:s20], [sflag:$0xC], $0x40, s25, s14, $0xb8;
	[tilespmem:$0x1F000] =	vst v63  }
0xa2: {  	_ =	swait.ge [sflag:s0], $0x2000  }
0xa3: {  	[sflag:s0] =	ssyncset.done $0x0  }
0xa4: {  	s25 =	sadd.s32 $0x2A00, s8;
	[sflag:s0] =	ssyncadd.s32 $0xFFFFE000  }
0xa5: {  	[spmem:s2] =	stream.indirect.scatter.add.f32 [tilespmem:s22], [sflag:$0xD], $0x40, s25, s14, $0xb8;
	[tilespmem:$0x1F000] =	vst v63  }
0xa6: {  	_ =	swait.ge [sflag:s3], $0x2000  }
0xa7: {  	[sflag:s3] =	ssyncset.done $0x0  }
0xa8: {  	s25 =	sadd.s32 $0x2A80, s8;
	[sflag:s3] =	ssyncadd.s32 $0xFFFFE000  }
0xa9: {  	[spmem:s2] =	stream.indirect.scatter.add.f32 [tilespmem:s24], [sflag:$0xE], $0x40, s25, s14, $0xb8;
	[tilespmem:$0x1F000] =	vst v63  }
0xaa: {  	_ =	swait.ge [sflag:s17], $0x2000  }
0xab: {  	[sflag:s17] =	ssyncset.done $0x0  }
0xac: {  	s25 =	sadd.s32 $0x2B00, s8;
	[sflag:s17] =	ssyncadd.s32 $0xFFFFE000  }
0xad: {  	[spmem:s2] =	stream.indirect.scatter.add.f32 [tilespmem:s26], [sflag:$0xF], $0x40, s25, s14, $0xb8;
	[tilespmem:$0x1F000] =	vst v63  }
0xae: {  	_ =	swait.ge [sflag:s5], $0x2000  }
0xaf: {  	[sflag:s5] =	ssyncset.done $0x0  }
0xb0: {  	s25 =	sadd.s32 $0x2B80, s8;
	[sflag:s5] =	ssyncadd.s32 $0xFFFFE000  }
0xb1: {  	[spmem:s2] =	stream.indirect.scatter.add.f32 [tilespmem:s29], [sflag:$0x10], $0x40, s25, s14, $0xb8;
	[tilespmem:$0x1F000] =	vst v63  }
0xb2: {  	_ =	swait.ge [sflag:s6], $0x2000  }
0xb3: {  	[sflag:s6] =	ssyncset.done $0x0  }
0xb4: {  	s25 =	sadd.s32 $0x400, s8;
	[sflag:s6] =	ssyncadd.s32 $0xFFFFE000  }
0xb5: {  	[tilespmem:s15], [sflag:$0x1] =	stream.indirect.gather [hbm4b:s4+s14], $0x40, s25, s14, $0xb8;
	[tilespmem:$0x1F000] =	vst v63  }
0xb6: {  	_ =	swait.ge [sflag:s19], $0x2000  }
0xb7: {  	[sflag:s19] =	ssyncset.done $0x0  }
0xb8: {  	s25 =	sadd.s32 $0x480, s8;
	[sflag:s19] =	ssyncadd.s32 $0xFFFFE000  }
0xb9: {  	[tilespmem:s16], [sflag:$0x2] =	stream.indirect.gather [hbm4b:s4+s14], $0x40, s25, s14, $0xb8;
	[tilespmem:$0x1F000] =	vst v63  }
0xba: {  	_ =	swait.ge [sflag:s7], $0x2000  }
0xbb: {  	[sflag:s7] =	ssyncset.done $0x0  }
0xbc: {  	s25 =	sadd.s32 $0x500, s8;
	[sflag:s7] =	ssyncadd.s32 $0xFFFFE000  }
0xbd: {  	[tilespmem:s18], [sflag:$0x3] =	stream.indirect.gather [hbm4b:s4+s14], $0x40, s25, s14, $0xb8;
	[tilespmem:$0x1F000] =	vst v63  }
0xbe: {  	_ =	swait.ge [sflag:s21], $0x2000  }
0xbf: {  	[sflag:s21] =	ssyncset.done $0x0  }
0xc0: {  	s25 =	sadd.s32 $0x580, s8;
	[sflag:s21] =	ssyncadd.s32 $0xFFFFE000  }
0xc1: {  	[tilespmem:s20], [sflag:$0x4] =	stream.indirect.gather [hbm4b:s4+s14], $0x40, s25, s14, $0xb8;
	[tilespmem:$0x1F000] =	vst v63  }
0xc2: {  	_ =	swait.ge [sflag:s9], $0x2000  }
0xc3: {  	[sflag:s9] =	ssyncset.done $0x0  }
0xc4: {  	s25 =	sadd.s32 $0x600, s8;
	[sflag:s9] =	ssyncadd.s32 $0xFFFFE000  }
0xc5: {  	[tilespmem:s22], [sflag:$0x5] =	stream.indirect.gather [hbm4b:s4+s14], $0x40, s25, s14, $0xb8;
	[tilespmem:$0x1F000] =	vst v63  }
0xc6: {  	_ =	swait.ge [sflag:s10], $0x2000  }
0xc7: {  	[sflag:s10] =	ssyncset.done $0x0  }
0xc8: {  	s25 =	sadd.s32 $0x680, s8;
	[sflag:s10] =	ssyncadd.s32 $0xFFFFE000  }
0xc9: {  	[tilespmem:s24], [sflag:$0x6] =	stream.indirect.gather [hbm4b:s4+s14], $0x40, s25, s14, $0xb8;
	[tilespmem:$0x1F000] =	vst v63  }
0xca: {  	_ =	swait.ge [sflag:s23], $0x2000  }
0xcb: {  	[sflag:s23] =	ssyncset.done $0x0  }
.Ltmp1:
0xcc: {  	s25 =	sadd.s32 $0x700, s8;
	[sflag:s23] =	ssyncadd.s32 $0xFFFFE000;
	(pc) =	sbr.rel @p0 .LBB2_4-.Ltmp1, $4  }
0xcd: {  	[tilespmem:s26], [sflag:$0x7] =	stream.indirect.gather [hbm4b:s4+s14], $0x40, s25, s14, $0xb8;
	[tilespmem:$0x1F000] =	vst v63  }
0xce: {  	_ =	swait.ge [sflag:s11], $0x2000  }
0xcf: {  	[sflag:s11] =	ssyncset.done $0x0  }
0xd0: {  	s8 =	sadd.s32 $0x780, s8;
	[sflag:s11] =	ssyncadd.s32 $0xFFFFE000  }
0xd1: {  	[tilespmem:s29], [sflag:$0x8] =	stream.indirect.gather [hbm4b:s4+s14], $0x40, s8, s14, $0xb8;
	[tilespmem:$0x1F000] =	vst v63  }
0xd2: {  	_ =	swait.ge [sflag:s30], $0x2000  }
0xd3: {  	[sflag:s30] =	ssyncset.done $0x0  }
0xd4: {  	s25 =	simm.s32 $0x4C00;
	[sflag:s30] =	ssyncadd.s32 $0xFFFFE000  }
0xd5: {  	[spmem:s2] =	stream.indirect.scatter.add.f32 [tilespmem:s15], [sflag:$0x9], $0x40, s25, s14, $0xb8;
	[tilespmem:$0x1F000] =	vst v63  }
0xd6: {  	_ =	swait.ge [sflag:s31], $0x2000  }
0xd7: {  	[sflag:s31] =	ssyncset.done $0x0  }
0xd8: {  	s25 =	simm.s32 $0x4C80;
	[sflag:s31] =	ssyncadd.s32 $0xFFFFE000  }
0xd9: {  	[spmem:s2] =	stream.indirect.scatter.add.f32 [tilespmem:s16], [sflag:$0xA], $0x40, s25, s14, $0xb8;
	[tilespmem:$0x1F000] =	vst v63  }
0xda: {  	_ =	swait.ge [sflag:s1], $0x2000  }
0xdb: {  	[sflag:s1] =	ssyncset.done $0x0  }
0xdc: {  	s25 =	simm.s32 $0x4D00;
	[sflag:s1] =	ssyncadd.s32 $0xFFFFE000  }
0xdd: {  	[spmem:s2] =	stream.indirect.scatter.add.f32 [tilespmem:s18], [sflag:$0xB], $0x40, s25, s14, $0xb8;
	[tilespmem:$0x1F000] =	vst v63  }
0xde: {  	_ =	swait.ge [sflag:s13], $0x2000  }
0xdf: {  	[sflag:s13] =	ssyncset.done $0x0  }
0xe0: {  	s25 =	simm.s32 $0x4D80;
	[sflag:s13] =	ssyncadd.s32 $0xFFFFE000  }
0xe1: {  	[spmem:s2] =	stream.indirect.scatter.add.f32 [tilespmem:s20], [sflag:$0xC], $0x40, s25, s14, $0xb8;
	[tilespmem:$0x1F000] =	vst v63  }
0xe2: {  	_ =	swait.ge [sflag:s0], $0x2000  }
0xe3: {  	[sflag:s0] =	ssyncset.done $0x0  }
0xe4: {  	s25 =	simm.s32 $0x4E00;
	[sflag:s0] =	ssyncadd.s32 $0xFFFFE000  }
0xe5: {  	[spmem:s2] =	stream.indirect.scatter.add.f32 [tilespmem:s22], [sflag:$0xD], $0x40, s25, s14, $0xb8;
	[tilespmem:$0x1F000] =	vst v63  }
0xe6: {  	_ =	swait.ge [sflag:s3], $0x2000  }
0xe7: {  	[sflag:s3] =	ssyncset.done $0x0  }
0xe8: {  	s25 =	simm.s32 $0x4E80;
	[sflag:s3] =	ssyncadd.s32 $0xFFFFE000  }
0xe9: {  	[spmem:s2] =	stream.indirect.scatter.add.f32 [tilespmem:s24], [sflag:$0xE], $0x40, s25, s14, $0xb8;
	[tilespmem:$0x1F000] =	vst v63  }
0xea: {  	_ =	swait.ge [sflag:s17], $0x2000  }
0xeb: {  	[sflag:s17] =	ssyncset.done $0x0  }
0xec: {  	s25 =	simm.s32 $0x4F00;
	[sflag:s17] =	ssyncadd.s32 $0xFFFFE000  }
0xed: {  	[spmem:s2] =	stream.indirect.scatter.add.f32 [tilespmem:s26], [sflag:$0xF], $0x40, s25, s14, $0xb8;
	[tilespmem:$0x1F000] =	vst v63  }
0xee: {  	_ =	swait.ge [sflag:s5], $0x2000  }
0xef: {  	[sflag:s5] =	ssyncset.done $0x0  }
0xf0: {  	s25 =	simm.s32 $0x4F80;
	[sflag:s5] =	ssyncadd.s32 $0xFFFFE000  }
0xf1: {  	[spmem:s2] =	stream.indirect.scatter.add.f32 [tilespmem:s29], [sflag:$0x10], $0x40, s25, s14, $0xb8;
	[tilespmem:$0x1F000] =	vst v63  }
0xf2: {  	_ =	swait.ge [sflag:s6], $0x2000  }
0xf3: {  	[sflag:s6] =	ssyncset.done $0x0  }
0xf4: {  	[sflag:s6] =	ssyncadd.s32 $0xFFFFE000  }
0xf5: {  	_ =	swait.ge [sflag:s19], $0x2000  }
0xf6: {  	[sflag:s19] =	ssyncset.done $0x0  }
0xf7: {  	[sflag:s19] =	ssyncadd.s32 $0xFFFFE000  }
0xf8: {  	_ =	swait.ge [sflag:s7], $0x2000  }
0xf9: {  	[sflag:s7] =	ssyncset.done $0x0  }
0xfa: {  	[sflag:s7] =	ssyncadd.s32 $0xFFFFE000  }
0xfb: {  	_ =	swait.ge [sflag:s21], $0x2000  }
0xfc: {  	[sflag:s21] =	ssyncset.done $0x0  }
0xfd: {  	[sflag:s21] =	ssyncadd.s32 $0xFFFFE000  }
0xfe: {  	_ =	swait.ge [sflag:s9], $0x2000  }
0xff: {  	[sflag:s9] =	ssyncset.done $0x0  }
0x100: {  	[sflag:s9] =	ssyncadd.s32 $0xFFFFE000  }
0x101: {  	_ =	swait.ge [sflag:s10], $0x2000  }
0x102: {  	[sflag:s10] =	ssyncset.done $0x0  }
0x103: {  	[sflag:s10] =	ssyncadd.s32 $0xFFFFE000  }
0x104: {  	_ =	swait.ge [sflag:s23], $0x2000  }
0x105: {  	[sflag:s23] =	ssyncset.done $0x0  }
0x106: {  	[sflag:s23] =	ssyncadd.s32 $0xFFFFE000  }
0x107: {  	_ =	swait.ge [sflag:s11], $0x2000  }
0x108: {  	[sflag:s11] =	ssyncset.done $0x0  }
0x109: {  	[sflag:s11] =	ssyncadd.s32 $0xFFFFE000  }
0x10a: {  	[bflag:$0x0] =	sbarrier.arrive $0xFFFF  }
0x10b: {  	s8 =	rddreg [dreg:$0x7]  }
0x10c: {  	s25 =	rddreg [dreg:$0xb]  }
0x10d: {  	s28 =	rddreg [dreg:$0xc]  }
0x10e: {  	[hbm:s8@s11], [sflag:s25] =	dma.strided [spmem:s28@s5], $0x1400, s30, $0x8   }
0x10f: {  	_ =	swait.ge [sflag:s12], $0x1400  }
0x110: {  	[sflag:s12] =	ssyncset.done $0x0  }
0x111: {  	[sflag:s12] =	ssyncadd.s32 $0xFFFFEC00  }
0x112: {  	s8 =	simm.s32 $0x0;
	[bflag:$0x0] =	sbarrier.arrive $0xFFFF  }
0x113: {  	v2 =	vld [tilespmem:s8+$0x0]  }
0x114: {  	v4 =	vld [tilespmem:s8+$0x10]  }
0x115: {  	v3 =	vld [tilespmem:s8+$0x20]  }
0x116: {  	v1 =	vld [tilespmem:s8+$0x30]  }
0x117: {  	v0 =	vld [tilespmem:s8+$0x40]  }
0x118: {  	v5 =	vadd.s32 $0x1, v2;
	v2 =	vld [tilespmem:s8+$0x50]  }
0x119: {  	s28 =	simm.s32 $0x200;
	[tilespmem:s8+$0x0] =	vst v5;
	v5 =	vadd.s32 $0x1, v4;
	v4 =	vld [tilespmem:s8+$0x60]  }
.LBB2_6:
0x11a: {  	s25 =	sshra.s32 s28, $0x2;
	p0 =	sne.s32 s28, $0x9E00;
	[tilespmem:s8+$0x10] =	vst v5;
	v3 =	vadd.s32 $0x1, v3;
	v5 =	vld [tilespmem:s8+$0x70]  }
0x11b: {  	v6 =	vld [tilespmem:s25+$0x0];
	[tilespmem:s8+$0x20] =	vst v3;
	v1 =	vadd.s32 $0x1, v1  }
0x11c: {  	v7 =	vld [tilespmem:s25+$0x10];
	[tilespmem:s8+$0x30] =	vst v1;
	v0 =	vadd.s32 $0x1, v0  }
.Ltmp2:
0x11d: {  	v3 =	vld [tilespmem:s25+$0x20];
	[tilespmem:s8+$0x40] =	vst v0;
	v0 =	vadd.s32 $0x1, v2;
	(pc) =	sbr.rel @p0 .LBB2_6-.Ltmp2, $4  }
0x11e: {  	v1 =	vld [tilespmem:s25+$0x30];
	[tilespmem:s8+$0x50] =	vst v0;
	v2 =	vadd.s32 $0x1, v4  }
0x11f: {  	v0 =	vld [tilespmem:s25+$0x40];
	[tilespmem:s8+$0x60] =	vst v2;
	v4 =	vadd.s32 $0x1, v5  }
0x120: {  	v5 =	vadd.s32 $0x1, v6;
	v2 =	vld [tilespmem:s25+$0x50];
	[tilespmem:s8+$0x70] =	vst v4;
	s8 =	smov.u32 s25  }
0x121: {  	s28 =	sadd.s32 $0x200, s28;
	[tilespmem:s8+$0x0] =	vst v5;
	v5 =	vadd.s32 $0x1, v7;
	v4 =	vld [tilespmem:s8+$0x60]  }
0x122: {  	[tilespmem:s8+$0x10] =	vst v5;
	v3 =	vadd.s32 $0x1, v3;
	v60 =	vld [tilespmem:s8+$0x70]  }
0x123: {  	[tilespmem:s8+$0x20] =	vst v3;
	v1 =	vadd.s32 $0x1, v1  }
0x124: {  	[tilespmem:s8+$0x30] =	vst v1;
	v0 =	vadd.s32 $0x1, v0  }
0x125: {  	[tilespmem:s8+$0x40] =	vst v0;
	v61 =	vadd.s32 $0x1, v2  }
0x126: {  	[tilespmem:s8+$0x50] =	vst v61;
	v62 =	vadd.s32 $0x1, v4  }
0x127: {  	[tilespmem:s8+$0x60] =	vst v62;
	v63 =	vadd.s32 $0x1, v60  }
0x128: {  	s25 =	simm.s32 $0x0;
	[tilespmem:s8+$0x70] =	vst v63  }
0x129: {  	[tilespmem:s15], [sflag:$0x1] =	stream.indirect.gather [hbm4b:s4+s14], $0x40, s25, s14, $0xb8;
	[tilespmem:$0x1F000] =	vst v63  }
0x12a: {  	_ = 	snop  }
0x12b: {  	[tilespmem:s16], [sflag:$0x2] =	stream.indirect.gather [hbm4b:s4+s14], $0x40, s14, s14, $0xb8;
	[tilespmem:$0x1F000] =	vst v63  }
0x12c: {  	s25 =	simm.s32 $0x100  }
0x12d: {  	[tilespmem:s18], [sflag:$0x3] =	stream.indirect.gather [hbm4b:s4+s14], $0x40, s25, s14, $0xb8;
	[tilespmem:$0x1F000] =	vst v63  }
0x12e: {  	s25 =	simm.s32 $0x180  }
0x12f: {  	[tilespmem:s20], [sflag:$0x4] =	stream.indirect.gather [hbm4b:s4+s14], $0x40, s25, s14, $0xb8;
	[tilespmem:$0x1F000] =	vst v63  }
0x130: {  	s25 =	simm.s32 $0x200  }
0x131: {  	[tilespmem:s22], [sflag:$0x5] =	stream.indirect.gather [hbm4b:s4+s14], $0x40, s25, s14, $0xb8;
	[tilespmem:$0x1F000] =	vst v63  }
0x132: {  	s25 =	simm.s32 $0x280  }
0x133: {  	[tilespmem:s24], [sflag:$0x6] =	stream.indirect.gather [hbm4b:s4+s14], $0x40, s25, s14, $0xb8;
	[tilespmem:$0x1F000] =	vst v63  }
0x134: {  	s28 =	rddreg [dreg:$0xc];
	s25 =	simm.s32 $0x300  }
0x135: {  	[tilespmem:s26], [sflag:$0x7] =	stream.indirect.gather [hbm4b:s4+s14], $0x40, s25, s14, $0xb8;
	[tilespmem:$0x1F000] =	vst v63  }
0x136: {  	s8 =	rddreg [dreg:$0x6];
	s25 =	simm.s32 $0x380  }
0x137: {  	[tilespmem:s29], [sflag:$0x8] =	stream.indirect.gather [hbm4b:s4+s14], $0x40, s25, s14, $0xb8;
	[tilespmem:$0x1F000] =	vst v63  }
0x138: {  	s25 =	rddreg [dreg:$0xb]  }
0x139: {  	[spmem:s28], [sflag:s25] =	dma.local [hbm:s8], $0x1400  }
0x13a: {  	_ =	swait.ge [sflag:s12], $0x1400  }
0x13b: {  	[sflag:s12] =	ssyncset.done $0x0  }
0x13c: {  	[sflag:s12] =	ssyncadd.s32 $0xFFFFEC00  }
0x13d: {  	[bflag:$0x0] =	sbarrier.arrive $0xFFFF  }
0x13e: {  	_ =	swait.ge [sflag:s30], $0x2000  }
0x13f: {  	[sflag:s30] =	ssyncset.done $0x0  }
0x140: {  	s25 =	simm.s32 $0x2800;
	[sflag:s30] =	ssyncadd.s32 $0xFFFFE000  }
0x141: {  	[spmem:s2] =	stream.indirect.scatter.add.f32 [tilespmem:s15], [sflag:$0x9], $0x40, s25, s14, $0xb8;
	[tilespmem:$0x1F000] =	vst v63  }
0x142: {  	_ =	swait.ge [sflag:s31], $0x2000  }
0x143: {  	[sflag:s31] =	ssyncset.done $0x0  }
0x144: {  	s25 =	simm.s32 $0x2880;
	[sflag:s31] =	ssyncadd.s32 $0xFFFFE000  }
0x145: {  	[spmem:s2] =	stream.indirect.scatter.add.f32 [tilespmem:s16], [sflag:$0xA], $0x40, s25, s14, $0xb8;
	[tilespmem:$0x1F000] =	vst v63  }
0x146: {  	_ =	swait.ge [sflag:s1], $0x2000  }
0x147: {  	[sflag:s1] =	ssyncset.done $0x0  }
0x148: {  	s25 =	simm.s32 $0x2900;
	[sflag:s1] =	ssyncadd.s32 $0xFFFFE000  }
0x149: {  	[spmem:s2] =	stream.indirect.scatter.add.f32 [tilespmem:s18], [sflag:$0xB], $0x40, s25, s14, $0xb8;
	[tilespmem:$0x1F000] =	vst v63  }
0x14a: {  	_ =	swait.ge [sflag:s13], $0x2000  }
0x14b: {  	[sflag:s13] =	ssyncset.done $0x0  }
0x14c: {  	s25 =	simm.s32 $0x2980;
	[sflag:s13] =	ssyncadd.s32 $0xFFFFE000  }
0x14d: {  	[spmem:s2] =	stream.indirect.scatter.add.f32 [tilespmem:s20], [sflag:$0xC], $0x40, s25, s14, $0xb8;
	[tilespmem:$0x1F000] =	vst v63  }
0x14e: {  	_ =	swait.ge [sflag:s0], $0x2000  }
0x14f: {  	[sflag:s0] =	ssyncset.done $0x0  }
0x150: {  	s25 =	simm.s32 $0x2A00;
	[sflag:s0] =	ssyncadd.s32 $0xFFFFE000  }
0x151: {  	[spmem:s2] =	stream.indirect.scatter.add.f32 [tilespmem:s22], [sflag:$0xD], $0x40, s25, s14, $0xb8;
	[tilespmem:$0x1F000] =	vst v63  }
0x152: {  	_ =	swait.ge [sflag:s3], $0x2000  }
0x153: {  	[sflag:s3] =	ssyncset.done $0x0  }
0x154: {  	s25 =	simm.s32 $0x2A80;
	[sflag:s3] =	ssyncadd.s32 $0xFFFFE000  }
0x155: {  	[spmem:s2] =	stream.indirect.scatter.add.f32 [tilespmem:s24], [sflag:$0xE], $0x40, s25, s14, $0xb8;
	[tilespmem:$0x1F000] =	vst v63  }
0x156: {  	_ =	swait.ge [sflag:s17], $0x2000  }
0x157: {  	[sflag:s17] =	ssyncset.done $0x0  }
0x158: {  	s25 =	simm.s32 $0x2B00;
	[sflag:s17] =	ssyncadd.s32 $0xFFFFE000  }
0x159: {  	[spmem:s2] =	stream.indirect.scatter.add.f32 [tilespmem:s26], [sflag:$0xF], $0x40, s25, s14, $0xb8;
	[tilespmem:$0x1F000] =	vst v63  }
0x15a: {  	_ =	swait.ge [sflag:s5], $0x2000  }
0x15b: {  	[sflag:s5] =	ssyncset.done $0x0  }
0x15c: {  	s25 =	simm.s32 $0x2B80;
	[sflag:s5] =	ssyncadd.s32 $0xFFFFE000  }
0x15d: {  	[spmem:s2] =	stream.indirect.scatter.add.f32 [tilespmem:s29], [sflag:$0x10], $0x40, s25, s14, $0xb8;
	[tilespmem:$0x1F000] =	vst v63  }
0x15e: {  	_ =	swait.ge [sflag:s6], $0x2000  }
0x15f: {  	[sflag:s6] =	ssyncset.done $0x0  }
0x160: {  	s25 =	simm.s32 $0x400;
	[sflag:s6] =	ssyncadd.s32 $0xFFFFE000  }
0x161: {  	[tilespmem:s15], [sflag:$0x1] =	stream.indirect.gather [hbm4b:s4+s14], $0x40, s25, s14, $0xb8;
	[tilespmem:$0x1F000] =	vst v63  }
0x162: {  	_ =	swait.ge [sflag:s19], $0x2000  }
0x163: {  	[sflag:s19] =	ssyncset.done $0x0  }
0x164: {  	s25 =	simm.s32 $0x480;
	[sflag:s19] =	ssyncadd.s32 $0xFFFFE000  }
0x165: {  	[tilespmem:s16], [sflag:$0x2] =	stream.indirect.gather [hbm4b:s4+s14], $0x40, s25, s14, $0xb8;
	[tilespmem:$0x1F000] =	vst v63  }
0x166: {  	_ =	swait.ge [sflag:s7], $0x2000  }
0x167: {  	[sflag:s7] =	ssyncset.done $0x0  }
0x168: {  	s25 =	simm.s32 $0x500;
	[sflag:s7] =	ssyncadd.s32 $0xFFFFE000  }
0x169: {  	[tilespmem:s18], [sflag:$0x3] =	stream.indirect.gather [hbm4b:s4+s14], $0x40, s25, s14, $0xb8;
	[tilespmem:$0x1F000] =	vst v63  }
0x16a: {  	_ =	swait.ge [sflag:s21], $0x2000  }
0x16b: {  	[sflag:s21] =	ssyncset.done $0x0  }
0x16c: {  	s25 =	simm.s32 $0x580;
	[sflag:s21] =	ssyncadd.s32 $0xFFFFE000  }
0x16d: {  	[tilespmem:s20], [sflag:$0x4] =	stream.indirect.gather [hbm4b:s4+s14], $0x40, s25, s14, $0xb8;
	[tilespmem:$0x1F000] =	vst v63  }
0x16e: {  	_ =	swait.ge [sflag:s9], $0x2000  }
0x16f: {  	[sflag:s9] =	ssyncset.done $0x0  }
0x170: {  	s25 =	simm.s32 $0x600;
	[sflag:s9] =	ssyncadd.s32 $0xFFFFE000  }
0x171: {  	[tilespmem:s22], [sflag:$0x5] =	stream.indirect.gather [hbm4b:s4+s14], $0x40, s25, s14, $0xb8;
	[tilespmem:$0x1F000] =	vst v63  }
0x172: {  	_ =	swait.ge [sflag:s10], $0x2000  }
0x173: {  	[sflag:s10] =	ssyncset.done $0x0  }
0x174: {  	s25 =	simm.s32 $0x680;
	[sflag:s10] =	ssyncadd.s32 $0xFFFFE000  }
0x175: {  	[tilespmem:s24], [sflag:$0x6] =	stream.indirect.gather [hbm4b:s4+s14], $0x40, s25, s14, $0xb8;
	[tilespmem:$0x1F000] =	vst v63  }
0x176: {  	_ =	swait.ge [sflag:s23], $0x2000  }
0x177: {  	[sflag:s23] =	ssyncset.done $0x0  }
0x178: {  	s25 =	simm.s32 $0x700;
	[sflag:s23] =	ssyncadd.s32 $0xFFFFE000  }
0x179: {  	[tilespmem:s26], [sflag:$0x7] =	stream.indirect.gather [hbm4b:s4+s14], $0x40, s25, s14, $0xb8;
	[tilespmem:$0x1F000] =	vst v63  }
0x17a: {  	_ =	swait.ge [sflag:s11], $0x2000  }
0x17b: {  	[sflag:s11] =	ssyncset.done $0x0  }
0x17c: {  	s28 =	simm.s32 $0x1000;
	s8 =	simm.s32 $0x780;
	[sflag:s11] =	ssyncadd.s32 $0xFFFFE000  }
.LBB2_8:
0x17d: {  	[tilespmem:s29], [sflag:$0x8] =	stream.indirect.gather [hbm4b:s4+s14], $0x40, s8, s14, $0xb8;
	[tilespmem:$0x1F000] =	vst v63  }
0x17e: {  	s8 =	smov.u32 s28  }
0x17f: {  	p0 =	sne.s32 s28, $0x8000;
	s28 =	sadd.s32 $0x1000, s28;
	_ =	swait.ge [sflag:s30], $0x2000  }
0x180: {  	s8 =	sshra.s32 s8, $0x2;
	[sflag:s30] =	ssyncset.done $0x0  }
0x181: {  	s25 =	sadd.s32 $0x2800, s8;
	[sflag:s30] =	ssyncadd.s32 $0xFFFFE000  }
0x182: {  	[spmem:s2] =	stream.indirect.scatter.add.f32 [tilespmem:s15], [sflag:$0x9], $0x40, s25, s14, $0xb8;
	[tilespmem:$0x1F000] =	vst v63  }
0x183: {  	_ =	swait.ge [sflag:s31], $0x2000  }
0x184: {  	[sflag:s31] =	ssyncset.done $0x0  }
0x185: {  	s25 =	sadd.s32 $0x2880, s8;
	[sflag:s31] =	ssyncadd.s32 $0xFFFFE000  }
0x186: {  	[spmem:s2] =	stream.indirect.scatter.add.f32 [tilespmem:s16], [sflag:$0xA], $0x40, s25, s14, $0xb8;
	[tilespmem:$0x1F000] =	vst v63  }
0x187: {  	_ =	swait.ge [sflag:s1], $0x2000  }
0x188: {  	[sflag:s1] =	ssyncset.done $0x0  }
0x189: {  	s25 =	sadd.s32 $0x2900, s8;
	[sflag:s1] =	ssyncadd.s32 $0xFFFFE000  }
0x18a: {  	[spmem:s2] =	stream.indirect.scatter.add.f32 [tilespmem:s18], [sflag:$0xB], $0x40, s25, s14, $0xb8;
	[tilespmem:$0x1F000] =	vst v63  }
0x18b: {  	_ =	swait.ge [sflag:s13], $0x2000  }
0x18c: {  	[sflag:s13] =	ssyncset.done $0x0  }
0x18d: {  	s25 =	sadd.s32 $0x2980, s8;
	[sflag:s13] =	ssyncadd.s32 $0xFFFFE000  }
0x18e: {  	[spmem:s2] =	stream.indirect.scatter.add.f32 [tilespmem:s20], [sflag:$0xC], $0x40, s25, s14, $0xb8;
	[tilespmem:$0x1F000] =	vst v63  }
0x18f: {  	_ =	swait.ge [sflag:s0], $0x2000  }
0x190: {  	[sflag:s0] =	ssyncset.done $0x0  }
0x191: {  	s25 =	sadd.s32 $0x2A00, s8;
	[sflag:s0] =	ssyncadd.s32 $0xFFFFE000  }
0x192: {  	[spmem:s2] =	stream.indirect.scatter.add.f32 [tilespmem:s22], [sflag:$0xD], $0x40, s25, s14, $0xb8;
	[tilespmem:$0x1F000] =	vst v63  }
0x193: {  	_ =	swait.ge [sflag:s3], $0x2000  }
0x194: {  	[sflag:s3] =	ssyncset.done $0x0  }
0x195: {  	s25 =	sadd.s32 $0x2A80, s8;
	[sflag:s3] =	ssyncadd.s32 $0xFFFFE000  }
0x196: {  	[spmem:s2] =	stream.indirect.scatter.add.f32 [tilespmem:s24], [sflag:$0xE], $0x40, s25, s14, $0xb8;
	[tilespmem:$0x1F000] =	vst v63  }
0x197: {  	_ =	swait.ge [sflag:s17], $0x2000  }
0x198: {  	[sflag:s17] =	ssyncset.done $0x0  }
0x199: {  	s25 =	sadd.s32 $0x2B00, s8;
	[sflag:s17] =	ssyncadd.s32 $0xFFFFE000  }
0x19a: {  	[spmem:s2] =	stream.indirect.scatter.add.f32 [tilespmem:s26], [sflag:$0xF], $0x40, s25, s14, $0xb8;
	[tilespmem:$0x1F000] =	vst v63  }
0x19b: {  	_ =	swait.ge [sflag:s5], $0x2000  }
0x19c: {  	[sflag:s5] =	ssyncset.done $0x0  }
0x19d: {  	s25 =	sadd.s32 $0x2B80, s8;
	[sflag:s5] =	ssyncadd.s32 $0xFFFFE000  }
0x19e: {  	[spmem:s2] =	stream.indirect.scatter.add.f32 [tilespmem:s29], [sflag:$0x10], $0x40, s25, s14, $0xb8;
	[tilespmem:$0x1F000] =	vst v63  }
0x19f: {  	_ =	swait.ge [sflag:s6], $0x2000  }
0x1a0: {  	[sflag:s6] =	ssyncset.done $0x0  }
0x1a1: {  	s25 =	sadd.s32 $0x400, s8;
	[sflag:s6] =	ssyncadd.s32 $0xFFFFE000  }
0x1a2: {  	[tilespmem:s15], [sflag:$0x1] =	stream.indirect.gather [hbm4b:s4+s14], $0x40, s25, s14, $0xb8;
	[tilespmem:$0x1F000] =	vst v63  }
0x1a3: {  	_ =	swait.ge [sflag:s19], $0x2000  }
0x1a4: {  	[sflag:s19] =	ssyncset.done $0x0  }
0x1a5: {  	s25 =	sadd.s32 $0x480, s8;
	[sflag:s19] =	ssyncadd.s32 $0xFFFFE000  }
0x1a6: {  	[tilespmem:s16], [sflag:$0x2] =	stream.indirect.gather [hbm4b:s4+s14], $0x40, s25, s14, $0xb8;
	[tilespmem:$0x1F000] =	vst v63  }
0x1a7: {  	_ =	swait.ge [sflag:s7], $0x2000  }
0x1a8: {  	[sflag:s7] =	ssyncset.done $0x0  }
0x1a9: {  	s25 =	sadd.s32 $0x500, s8;
	[sflag:s7] =	ssyncadd.s32 $0xFFFFE000  }
0x1aa: {  	[tilespmem:s18], [sflag:$0x3] =	stream.indirect.gather [hbm4b:s4+s14], $0x40, s25, s14, $0xb8;
	[tilespmem:$0x1F000] =	vst v63  }
0x1ab: {  	_ =	swait.ge [sflag:s21], $0x2000  }
0x1ac: {  	[sflag:s21] =	ssyncset.done $0x0  }
0x1ad: {  	s25 =	sadd.s32 $0x580, s8;
	[sflag:s21] =	ssyncadd.s32 $0xFFFFE000  }
0x1ae: {  	[tilespmem:s20], [sflag:$0x4] =	stream.indirect.gather [hbm4b:s4+s14], $0x40, s25, s14, $0xb8;
	[tilespmem:$0x1F000] =	vst v63  }
0x1af: {  	_ =	swait.ge [sflag:s9], $0x2000  }
0x1b0: {  	[sflag:s9] =	ssyncset.done $0x0  }
0x1b1: {  	s25 =	sadd.s32 $0x600, s8;
	[sflag:s9] =	ssyncadd.s32 $0xFFFFE000  }
0x1b2: {  	[tilespmem:s22], [sflag:$0x5] =	stream.indirect.gather [hbm4b:s4+s14], $0x40, s25, s14, $0xb8;
	[tilespmem:$0x1F000] =	vst v63  }
0x1b3: {  	_ =	swait.ge [sflag:s10], $0x2000  }
0x1b4: {  	[sflag:s10] =	ssyncset.done $0x0  }
0x1b5: {  	s25 =	sadd.s32 $0x680, s8;
	[sflag:s10] =	ssyncadd.s32 $0xFFFFE000  }
0x1b6: {  	[tilespmem:s24], [sflag:$0x6] =	stream.indirect.gather [hbm4b:s4+s14], $0x40, s25, s14, $0xb8;
	[tilespmem:$0x1F000] =	vst v63  }
0x1b7: {  	_ =	swait.ge [sflag:s23], $0x2000  }
0x1b8: {  	[sflag:s23] =	ssyncset.done $0x0  }
.Ltmp3:
0x1b9: {  	s25 =	sadd.s32 $0x700, s8;
	[sflag:s23] =	ssyncadd.s32 $0xFFFFE000;
	(pc) =	sbr.rel @p0 .LBB2_8-.Ltmp3, $4  }
0x1ba: {  	[tilespmem:s26], [sflag:$0x7] =	stream.indirect.gather [hbm4b:s4+s14], $0x40, s25, s14, $0xb8;
	[tilespmem:$0x1F000] =	vst v63  }
0x1bb: {  	_ =	swait.ge [sflag:s11], $0x2000  }
0x1bc: {  	[sflag:s11] =	ssyncset.done $0x0  }
0x1bd: {  	s8 =	sadd.s32 $0x780, s8;
	[sflag:s11] =	ssyncadd.s32 $0xFFFFE000  }
0x1be: {  	[tilespmem:s29], [sflag:$0x8] =	stream.indirect.gather [hbm4b:s4+s14], $0x40, s8, s14, $0xb8;
	[tilespmem:$0x1F000] =	vst v63  }
0x1bf: {  	_ =	swait.ge [sflag:s30], $0x2000  }
0x1c0: {  	[sflag:s30] =	ssyncset.done $0x0  }
0x1c1: {  	s25 =	simm.s32 $0x4C00;
	[sflag:s30] =	ssyncadd.s32 $0xFFFFE000  }
0x1c2: {  	[spmem:s2] =	stream.indirect.scatter.add.f32 [tilespmem:s15], [sflag:$0x9], $0x40, s25, s14, $0xb8;
	[tilespmem:$0x1F000] =	vst v63  }
0x1c3: {  	_ =	swait.ge [sflag:s31], $0x2000  }
0x1c4: {  	[sflag:s31] =	ssyncset.done $0x0  }
0x1c5: {  	s28 =	simm.s32 $0x4C80;
	[sflag:s31] =	ssyncadd.s32 $0xFFFFE000  }
0x1c6: {  	[spmem:s2] =	stream.indirect.scatter.add.f32 [tilespmem:s16], [sflag:$0xA], $0x40, s28, s14, $0xb8;
	[tilespmem:$0x1F000] =	vst v63  }
0x1c7: {  	_ =	swait.ge [sflag:s1], $0x2000  }
0x1c8: {  	[sflag:s1] =	ssyncset.done $0x0  }
0x1c9: {  	s25 =	simm.s32 $0x4D00;
	[sflag:s1] =	ssyncadd.s32 $0xFFFFE000  }
0x1ca: {  	[spmem:s2] =	stream.indirect.scatter.add.f32 [tilespmem:s18], [sflag:$0xB], $0x40, s25, s14, $0xb8;
	[tilespmem:$0x1F000] =	vst v63  }
0x1cb: {  	_ =	swait.ge [sflag:s13], $0x2000  }
0x1cc: {  	[sflag:s13] =	ssyncset.done $0x0  }
0x1cd: {  	s28 =	simm.s32 $0x4D80;
	[sflag:s13] =	ssyncadd.s32 $0xFFFFE000  }
0x1ce: {  	[spmem:s2] =	stream.indirect.scatter.add.f32 [tilespmem:s20], [sflag:$0xC], $0x40, s28, s14, $0xb8;
	[tilespmem:$0x1F000] =	vst v63  }
0x1cf: {  	_ =	swait.ge [sflag:s0], $0x2000  }
0x1d0: {  	[sflag:s0] =	ssyncset.done $0x0  }
0x1d1: {  	s25 =	simm.s32 $0x4E00;
	[sflag:s0] =	ssyncadd.s32 $0xFFFFE000  }
0x1d2: {  	[spmem:s2] =	stream.indirect.scatter.add.f32 [tilespmem:s22], [sflag:$0xD], $0x40, s25, s14, $0xb8;
	[tilespmem:$0x1F000] =	vst v63  }
0x1d3: {  	_ =	swait.ge [sflag:s3], $0x2000  }
0x1d4: {  	[sflag:s3] =	ssyncset.done $0x0  }
0x1d5: {  	s28 =	simm.s32 $0x4E80;
	[sflag:s3] =	ssyncadd.s32 $0xFFFFE000  }
0x1d6: {  	[spmem:s2] =	stream.indirect.scatter.add.f32 [tilespmem:s24], [sflag:$0xE], $0x40, s28, s14, $0xb8;
	[tilespmem:$0x1F000] =	vst v63  }
0x1d7: {  	_ =	swait.ge [sflag:s17], $0x2000  }
0x1d8: {  	[sflag:s17] =	ssyncset.done $0x0  }
0x1d9: {  	s25 =	simm.s32 $0x4F00;
	[sflag:s17] =	ssyncadd.s32 $0xFFFFE000  }
0x1da: {  	[spmem:s2] =	stream.indirect.scatter.add.f32 [tilespmem:s26], [sflag:$0xF], $0x40, s25, s14, $0xb8;
	[tilespmem:$0x1F000] =	vst v63  }
0x1db: {  	_ =	swait.ge [sflag:s5], $0x2000  }
0x1dc: {  	[sflag:s5] =	ssyncset.done $0x0  }
0x1dd: {  	s28 =	simm.s32 $0x4F80;
	[sflag:s5] =	ssyncadd.s32 $0xFFFFE000  }
0x1de: {  	[spmem:s2] =	stream.indirect.scatter.add.f32 [tilespmem:s29], [sflag:$0x10], $0x40, s28, s14, $0xb8;
	[tilespmem:$0x1F000] =	vst v63  }
0x1df: {  	_ =	swait.ge [sflag:s6], $0x2000  }
0x1e0: {  	[sflag:s6] =	ssyncset.done $0x0  }
0x1e1: {  	[sflag:s6] =	ssyncadd.s32 $0xFFFFE000  }
0x1e2: {  	_ =	swait.ge [sflag:s19], $0x2000  }
0x1e3: {  	[sflag:s19] =	ssyncset.done $0x0  }
0x1e4: {  	[sflag:s19] =	ssyncadd.s32 $0xFFFFE000  }
0x1e5: {  	_ =	swait.ge [sflag:s7], $0x2000  }
0x1e6: {  	[sflag:s7] =	ssyncset.done $0x0  }
0x1e7: {  	[sflag:s7] =	ssyncadd.s32 $0xFFFFE000  }
0x1e8: {  	_ =	swait.ge [sflag:s21], $0x2000  }
0x1e9: {  	[sflag:s21] =	ssyncset.done $0x0  }
0x1ea: {  	[sflag:s21] =	ssyncadd.s32 $0xFFFFE000  }
0x1eb: {  	_ =	swait.ge [sflag:s9], $0x2000  }
0x1ec: {  	[sflag:s9] =	ssyncset.done $0x0  }
0x1ed: {  	[sflag:s9] =	ssyncadd.s32 $0xFFFFE000  }
0x1ee: {  	_ =	swait.ge [sflag:s10], $0x2000  }
0x1ef: {  	[sflag:s10] =	ssyncset.done $0x0  }
0x1f0: {  	[sflag:s10] =	ssyncadd.s32 $0xFFFFE000  }
0x1f1: {  	_ =	swait.ge [sflag:s23], $0x2000  }
0x1f2: {  	[sflag:s23] =	ssyncset.done $0x0  }
0x1f3: {  	[sflag:s23] =	ssyncadd.s32 $0xFFFFE000  }
0x1f4: {  	_ =	swait.ge [sflag:s11], $0x2000  }
0x1f5: {  	[sflag:s11] =	ssyncset.done $0x0  }
0x1f6: {  	[sflag:s11] =	ssyncadd.s32 $0xFFFFE000  }
0x1f7: {  	[bflag:$0x0] =	sbarrier.arrive $0xFFFF  }
0x1f8: {  	s8 =	rddreg [dreg:$0x8]  }
0x1f9: {  	s25 =	rddreg [dreg:$0xb]  }
0x1fa: {  	s28 =	rddreg [dreg:$0xc]  }
0x1fb: {  	[hbm:s8@s11], [sflag:s25] =	dma.strided [spmem:s28@s5], $0x1400, s30, $0x8   }
0x1fc: {  	_ =	swait.ge [sflag:s12], $0x1400  }
0x1fd: {  	s8 =	rddreg [dreg:$0xa]  }
0x1fe: {  	s28 =	rddreg [dreg:$0x9];
	s25 =	sadd.s32 $0x1, s8  }
0x1ff: {  	p0 =	sne.s32 s25, s28  }
.Ltmp4:
0x200: {  	_ = 	snop;
	(pc) =	sbr.rel @p0 .LBB2_1-.Ltmp4, $3  }
0x201: {  	[sflag:s12] =	ssyncset.done $0x0  }
0x202: {  	[sflag:s12] =	ssyncadd.s32 $0xFFFFEC00  }
0x203: {  	[bflag:$0x0] =	sbarrier.arrive $0xFFFF;
	_ =	sdelay $0x1  }
0x204: {  	_ =	sfence.sel $0x180000  }
0x205: {  	[bflag:$0x0] =	sbarrier.arrive $0xFFFF  }
0x206: {  	_ =	strace $0x9000004A  }
0x207: {  	s0 =	stileid.u32;
	[bflag:$0x2] =	sbarrier.arrive $0xFFFF  }
0x208: {  	p0 =	sne.s32 s0, $0x0;
	s0 =	rddreg [dreg:$0x2]  }
0x209: {  	s0 =	sadd.s32 @!p0 $0x100000, s0  }
0x20a: {  	[sflag:s0] =	ssyncadd.tile.s32 @!p0 $0x1;
	_ =	shalt  }
.Lfunc_end2:
_tile_overlayer_lowered:
.L_overlay_start_2:
0x20b: {  	(tag) =	ssettag $0x2  }
0x20c: {  	s0 =	rddreg [dreg:$0x0];
	s2 =	stileid.u32  }
0x20d: {  	s1 =	rddreg [dreg:$0x1];
	p0 =	sne.s32 s2, $0x0  }
0x20e: {  	s3 =	rddreg [dreg:$0x2];
	[bflag:$0x3] =	sbarrier.arrive $0xFFFF;
	s2 =	simm.s32 @!p0 $0x1C11  }
0x20f: {  	[timem:s3], [sflag:s2] =	dma.local @!p0 [hbm:s0], s1  }
0x210: {  	s0 =	simm.s32 @!p0 $0x11  }
0x211: {  	_ =	swait.ge @!p0 [sflag:s0], s1  }
0x212: {  	s1 =	ssub.s32 @!p0 $0x0, s1;
	[sflag:s0] =	ssyncset.done @!p0 $0x0  }
0x213: {  	[sflag:s0] =	ssyncadd.s32 @!p0 s1  }
0x214: {  	[bflag:$0x3] =	sbarrier.arrive $0xFFFF  }
0x215: {  	_ =	shalt  }

</sc_bundles>
